<compile_context>
chip_gen: v7x
topology: tpu7x:2x2x1
jax: 0.10.2.dev20260603
libtpu: 0.0.44.dev20260713+nightly
codegen_flags: <defaults>
</compile_context>

<pallas_src>
import functools

import jax
import jax.numpy as jnp
from jax import lax
from jax.experimental import pallas as pl
from jax.experimental.pallas import tpu as pltpu
from jax.experimental.pallas import tpu_sc as plsc

NSC = 2
NTILE = 16
LANE = 128
BN = 1000
NBUF = 4


def _mesh():
    return plsc.VectorSubcoreMesh(core_axis_name="c", subcore_axis_name="s")


def _sc_degree(dstb_rows, zeros128, ones128, n):
    _, R, _ = dstb_rows.shape
    npad = -(-n // LANE) * LANE
    slab = npad // NTILE
    iters = R // NTILE

    @functools.partial(
        pl.kernel,
        out_type=jax.ShapeDtypeStruct((2, npad, 128), jnp.float32),
        mesh=_mesh(),
        scratch_types=[
            pltpu.VMEM((LANE,), jnp.int32),
            pltpu.VMEM((LANE, 128), jnp.float32),
            pltpu.VMEM_SHARED((npad, 128), jnp.float32),
            pltpu.SemaphoreType.DMA,
        ],
    )
    def k(dstb_hbm, zeros_hbm, ones_hbm, out_hbm, dst_v, ones_v, acc_sh, sem):
        c = lax.axis_index("c")
        s = lax.axis_index("s")
        pltpu.sync_copy(ones_hbm, ones_v)
        pltpu.sync_copy(zeros_hbm, acc_sh.at[pl.ds(s * slab, slab)])
        plsc.subcore_barrier()

        def body(i, carry):
            r = s + i * NTILE
            pltpu.sync_copy(dstb_hbm.at[c, r], dst_v)
            pltpu.sync_copy(ones_v, acc_sh.at[dst_v], add=True)
            return carry

        lax.fori_loop(0, iters, body, 0)
        plsc.subcore_barrier()
        pltpu.sync_copy(acc_sh.at[pl.ds(s * slab, slab)],
                        out_hbm.at[c, pl.ds(s * slab, slab)])

    return k(dstb_rows, zeros128, ones128)


def _sc_conv(table2, srcb_rows, dst_rows, zeros128, n):
    R = dst_rows.shape[0]
    npad = -(-n // LANE) * LANE
    slab = npad // NTILE
    iters = R // NTILE

    @functools.partial(
        pl.kernel,
        out_type=jax.ShapeDtypeStruct((2, npad, 128), jnp.float32),
        mesh=_mesh(),
        scratch_types=[
            pltpu.VMEM((LANE,), jnp.int32),
            pltpu.VMEM((LANE,), jnp.int32),
            pltpu.VMEM((LANE, 128), jnp.float32),
            pltpu.VMEM_SHARED((npad, 128), jnp.float32),
            pltpu.SemaphoreType.DMA,
        ],
    )
    def k(table_hbm, srcb_hbm, dstr_hbm, zeros_hbm, out_hbm,
          src_v, dst_v, rows_v, acc_sh, sem):
        c = lax.axis_index("c")
        s = lax.axis_index("s")
        pltpu.sync_copy(zeros_hbm, acc_sh.at[pl.ds(s * slab, slab)])
        plsc.subcore_barrier()

        def body(i, carry):
            r = s + i * NTILE
            pltpu.sync_copy(srcb_hbm.at[c, r], src_v)
            pltpu.sync_copy(dstr_hbm.at[r], dst_v)
            pltpu.async_copy(table_hbm.at[src_v], rows_v, sem).wait()
            pltpu.sync_copy(rows_v, acc_sh.at[dst_v], add=True)
            return carry

        lax.fori_loop(0, iters, body, 0)
        plsc.subcore_barrier()
        pltpu.sync_copy(acc_sh.at[pl.ds(s * slab, slab)],
                        out_hbm.at[c, pl.ds(s * slab, slab)])

    return k(table2, srcb_rows, dst_rows, zeros128)


def _tc_prep(x, hist, W1, b1):
    n, d_in = x.shape
    dh = W1.shape[1]
    nb = n // BN

    def body(x_ref, h_ref, w_ref, b_ref, dinv_ref, hp_ref):
        deg = h_ref[:, 0:1] + 1.0
        dinv = lax.rsqrt(deg)
        dinv_ref[...] = jnp.broadcast_to(dinv, (BN, 128))
        t = jnp.dot(x_ref[...], w_ref[...], preferred_element_type=jnp.float32)
        t = (t + b_ref[...]) * dinv
        hp_ref[0] = t[:, :128]
        hp_ref[1] = t[:, 128:]

    return pl.pallas_call(
        body,
        grid=(nb,),
        in_specs=[
            pl.BlockSpec((BN, d_in), lambda i: (i, 0)),
            pl.BlockSpec((BN, 128), lambda i: (i, 0)),
            pl.BlockSpec((d_in, dh), lambda i: (0, 0)),
            pl.BlockSpec((1, dh), lambda i: (0, 0)),
        ],
        out_specs=[
            pl.BlockSpec((BN, 128), lambda i: (i, 0)),
            pl.BlockSpec((2, BN, 128), lambda i: (0, i, 0)),
        ],
        out_shape=[
            jax.ShapeDtypeStruct((n, 128), jnp.float32),
            jax.ShapeDtypeStruct((2, n, 128), jnp.float32),
        ],
    )(x, hist, W1, b1.reshape(1, dh))


def _tc_mid(asum, hp, dinv, W2, b2):
    n = dinv.shape[0]
    dh = W2.shape[0]
    nb = n // BN

    def body(a_ref, p_ref, d_ref, w_ref, b_ref, out_ref):
        di = d_ref[...]
        h0 = jnp.maximum((a_ref[0] + p_ref[0]) * di, 0.0)
        h1 = jnp.maximum((a_ref[1] + p_ref[1]) * di, 0.0)
        t = jnp.dot(h0, w_ref[0:128, :], preferred_element_type=jnp.float32)
        t += jnp.dot(h1, w_ref[128:256, :], preferred_element_type=jnp.float32)
        t = (t + b_ref[...]) * di[:, 0:1]
        out_ref[0] = t[:, :128]
        out_ref[1] = t[:, 128:]

    return pl.pallas_call(
        body,
        grid=(nb,),
        in_specs=[
            pl.BlockSpec((2, BN, 128), lambda i: (0, i, 0)),
            pl.BlockSpec((2, BN, 128), lambda i: (0, i, 0)),
            pl.BlockSpec((BN, 128), lambda i: (i, 0)),
            pl.BlockSpec((dh, dh), lambda i: (0, 0)),
            pl.BlockSpec((1, dh), lambda i: (0, 0)),
        ],
        out_specs=pl.BlockSpec((2, BN, 128), lambda i: (0, i, 0)),
        out_shape=jax.ShapeDtypeStruct((2, n, 128), jnp.float32),
    )(asum, hp, dinv, W2, b2.reshape(1, dh))


def _tc_fuse1(asum_o, hp_o, dinv_o, asum_d, hp_d, dinv_d, batch3, nng, nnb, P):
    n = dinv_o.shape[0]
    nb = n // BN

    def body(ao, po, do_, ad, pd, dd, b3, g_ref, b_ref,
             orig_ref, dg_ref, xn_ref, sums_ref, cnt_ref):
        i = pl.program_id(0)
        dio = do_[...]
        orig = jnp.concatenate([(ao[0] + po[0]) * dio, (ao[1] + po[1]) * dio], axis=1)
        did = dd[...]
        dg = jnp.concatenate([(ad[0] + pd[0]) * did, (ad[1] + pd[1]) * did], axis=1)
        orig_ref[...] = orig
        dg_ref[...] = dg
        mu = jnp.mean(orig, axis=1, keepdims=True)
        var = jnp.mean((orig - mu) ** 2, axis=1, keepdims=True)
        xn = g_ref[...] * (orig - mu) * lax.rsqrt(var + 1e-5) + b_ref[...]
        xn_ref[...] = xn
        pid = lax.broadcasted_iota(jnp.int32, (P, BN), 0)
        ohT = (pid == jnp.broadcast_to(b3[0], (P, BN))).astype(jnp.float32)
        ps = jnp.dot(ohT, dg, preferred_element_type=jnp.float32)
        pc = jnp.sum(ohT, axis=1, keepdims=True)

        @pl.when(i == 0)
        def _():
            sums_ref[...] = jnp.zeros_like(sums_ref)
            cnt_ref[...] = jnp.zeros_like(cnt_ref)

        sums_ref[...] += ps
        cnt_ref[...] += jnp.broadcast_to(pc, (P, 128))

    return pl.pallas_call(
        body,
        grid=(nb,),
        in_specs=[
            pl.BlockSpec((2, BN, 128), lambda i: (0, i, 0)),
            pl.BlockSpec((2, BN, 128), lambda i: (0, i, 0)),
            pl.BlockSpec((BN, 128), lambda i: (i, 0)),
            pl.BlockSpec((2, BN, 128), lambda i: (0, i, 0)),
            pl.BlockSpec((2, BN, 128), lambda i: (0, i, 0)),
            pl.BlockSpec((BN, 128), lambda i: (i, 0)),
            pl.BlockSpec((1, 1, BN), lambda i: (i, 0, 0)),
            pl.BlockSpec((1, 256), lambda i: (0, 0)),
            pl.BlockSpec((1, 256), lambda i: (0, 0)),
        ],
        out_specs=[
            pl.BlockSpec((BN, 256), lambda i: (i, 0)),
            pl.BlockSpec((BN, 256), lambda i: (i, 0)),
            pl.BlockSpec((BN, 256), lambda i: (i, 0)),
            pl.BlockSpec((P, 256), lambda i: (0, 0)),
            pl.BlockSpec((P, 128), lambda i: (0, 0)),
        ],
        out_shape=[
            jax.ShapeDtypeStruct((n, 256), jnp.float32),
            jax.ShapeDtypeStruct((n, 256), jnp.float32),
            jax.ShapeDtypeStruct((n, 256), jnp.float32),
            jax.ShapeDtypeStruct((P, 256), jnp.float32),
            jax.ShapeDtypeStruct((P, 128), jnp.float32),
        ],
    )(asum_o, hp_o, dinv_o, asum_d, hp_d, dinv_d, batch3,
      nng.reshape(1, 256), nnb.reshape(1, 256))


def _tc_fuse2(sums, counts, p):
    P = sums.shape[0]

    def ln(h, g, b):
        mu = jnp.mean(h, axis=1, keepdims=True)
        var = jnp.mean((h - mu) ** 2, axis=1, keepdims=True)
        return g * (h - mu) * lax.rsqrt(var + 1e-5) + b

    def body(s_ref, c_ref, dgg, dgb, wv, bv, wo, bo, fng, fnb,
             w1, b1, w2, b2, whi, fb, gp_ref):
        cnt = jnp.maximum(c_ref[:, 0:1], 1.0)
        g0 = ln(s_ref[...] / cnt, dgg[...], dgb[...])
        v = jnp.dot(g0, wv[...], preferred_element_type=jnp.float32) + bv[...]
        g = jnp.dot(v, wo[...], preferred_element_type=jnp.float32) + bo[...]
        res = g
        h = ln(g, fng[...], fnb[...])
        h = jnp.maximum(jnp.dot(h, w1[...], preferred_element_type=jnp.float32) + b1[...], 0.0)
        g = jnp.dot(h, w2[...], preferred_element_type=jnp.float32) + b2[...] + res
        gp_ref[...] = jnp.dot(g, whi[...], preferred_element_type=jnp.float32) + fb[...]

    r = lambda a: a.reshape(1, -1)
    return pl.pallas_call(
        body,
        out_shape=jax.ShapeDtypeStruct((P, 256), jnp.float32),
    )(sums, counts, r(p['dg_norm_g']), r(p['dg_norm_b']),
      p['Wv'], r(p['bv']), p['Wo'], r(p['bo']),
      r(p['ffn_norm_g']), r(p['ffn_norm_b']),
      p['ffn_W1'], r(p['ffn_b1']), p['ffn_W2'], r(p['ffn_b2']),
      p['fuse_W'][256:], r(p['fuse_b']))


def _tc_fuse3(xn, gp, wlo, batchT, clsW, clsb, P):
    n = xn.shape[0]
    nb = n // BN
    d_out = clsW.shape[1]

    def body(xn_ref, gp_ref, w_ref, bt_ref, cw_ref, cb_ref, fused_ref, out_ref):
        iot = lax.broadcasted_iota(jnp.int32, (BN, P), 1)
        oh = (iot == jnp.broadcast_to(bt_ref[...], (BN, P))).astype(jnp.float32)
        pn = jnp.dot(oh, gp_ref[...], preferred_element_type=jnp.float32)
        z = jnp.dot(xn_ref[...], w_ref[...], preferred_element_type=jnp.float32) + pn
        fused = jnp.maximum(z, 0.0) + xn_ref[...]
        fused_ref[...] = fused
        out_ref[...] = jnp.dot(fused, cw_ref[...], preferred_element_type=jnp.float32) + cb_ref[...]

    return pl.pallas_call(
        body,
        grid=(nb,),
        in_specs=[
            pl.BlockSpec((BN, 256), lambda i: (i, 0)),
            pl.BlockSpec((P, 256), lambda i: (0, 0)),
            pl.BlockSpec((256, 256), lambda i: (0, 0)),
            pl.BlockSpec((BN, 1), lambda i: (i, 0)),
            pl.BlockSpec((256, d_out), lambda i: (0, 0)),
            pl.BlockSpec((1, d_out), lambda i: (0, 0)),
        ],
        out_specs=[
            pl.BlockSpec((BN, 256), lambda i: (i, 0)),
            pl.BlockSpec((BN, d_out), lambda i: (i, 0)),
        ],
        out_shape=[
            jax.ShapeDtypeStruct((n, 256), jnp.float32),
            jax.ShapeDtypeStruct((n, d_out), jnp.float32),
        ],
    )(xn, gp, wlo, batchT, clsW, clsb.reshape(1, d_out))


def kernel(x, original_edge_index, dg_edge_index, batch, params):
    p = params
    n = x.shape[0]
    e = original_edge_index.shape[1]
    P = 64

    npad = -(-n // LANE) * LANE
    R = -(-e // (LANE * NTILE * 8)) * NTILE * 8
    pad = R * LANE - e

    def prep(ei):
        src = jnp.concatenate([ei[0], jnp.zeros((pad,), ei.dtype)])
        dst = jnp.concatenate([ei[1], jnp.full((pad,), npad - 1, ei.dtype)])
        srcb = jnp.stack([src, src + n]).reshape(2, R, LANE)
        return srcb, dst.reshape(R, LANE)

    srcb_o, dstr_o = prep(original_edge_index)
    srcb_d, dstr_d = prep(dg_edge_index)
    dstb = jnp.stack([dstr_o, dstr_d])
    zeros128 = jnp.zeros((npad // NTILE, 128), jnp.float32)
    ones128 = jnp.ones((LANE, 128), jnp.float32)

    hist = _sc_degree(dstb, zeros128, ones128, n)

    dinv_o, hp_o = _tc_prep(x, hist[0], p['o_W1'], p['o_b1'])
    dinv_d, hp_d = _tc_prep(x, hist[1], p['d_W1'], p['d_b1'])

    asum1_o = _sc_conv(hp_o.reshape(2 * n, 128), srcb_o, dstr_o, zeros128, n)
    asum1_d = _sc_conv(hp_d.reshape(2 * n, 128), srcb_d, dstr_d, zeros128, n)

    hp2_o = _tc_mid(asum1_o, hp_o, dinv_o, p['o_W2'], p['o_b2'])
    hp2_d = _tc_mid(asum1_d, hp_d, dinv_d, p['d_W2'], p['d_b2'])

    asum2_o = _sc_conv(hp2_o.reshape(2 * n, 128), srcb_o, dstr_o, zeros128, n)
    asum2_d = _sc_conv(hp2_d.reshape(2 * n, 128), srcb_d, dstr_d, zeros128, n)

    batch3 = batch.reshape(n // BN, 1, BN)
    orig, dg, xn, sums, counts = _tc_fuse1(
        asum2_o, hp2_o, dinv_o, asum2_d, hp2_d, dinv_d, batch3,
        p['node_norm_g'], p['node_norm_b'], P)
    gp = _tc_fuse2(sums, counts, p)
    fused, out = _tc_fuse3(xn, gp, p['fuse_W'][:256], batch.reshape(n, 1),
                           p['cls_W'], p['cls_b'], P)
    return (out, orig, dg, fused)

# --- scband reference (transcript-rebuilt; emitter-appended) ---
"""Pipeline reference for scband-dual-graph-fusion-model-91250875171162 (READ-ONLY COPY).

The authoritative reference and input builder live on the scoring server;
editing this copy changes nothing except your own understanding.
"""

import jax, jax.numpy as jnp
import numpy as np

N = 10000
E = 320000
D_IN = 128
D_H = 256
D_OUT = 40
P = 64


def layer_norm(h, g, b):
    mu = jnp.mean(h, axis=-1, keepdims=True)
    var = jnp.mean((h - mu) ** 2, axis=-1, keepdims=True)
    return g * (h - mu) / jnp.sqrt(var + 1e-5) + b


def gcn_forward(x, edge_index, W1, b1, W2, b2):
    loop = jnp.arange(N, dtype=edge_index.dtype)
    src = jnp.concatenate([edge_index[0], loop])
    dst = jnp.concatenate([edge_index[1], loop])
    deg = jax.ops.segment_sum(jnp.ones(src.shape[0], jnp.float32), dst, num_segments=N)
    dinv = jax.lax.rsqrt(jnp.maximum(deg, 1.0))
    norm = (dinv[src] * dinv[dst])[:, None]

    def conv(h, W, b):
        h = h @ W + b
        msg = h[src] * norm
        return jax.ops.segment_sum(msg, dst, num_segments=N)

    h = jax.nn.relu(conv(x, W1, b1))
    return conv(h, W2, b2)


def fusion_forward(orig, dg, batch, p):
    xn = layer_norm(orig, p['node_norm_g'], p['node_norm_b'])
    counts = jax.ops.segment_sum(jnp.ones(N, jnp.float32), batch, num_segments=P)
    sums = jax.ops.segment_sum(dg, batch, num_segments=P)
    g = sums / jnp.maximum(counts, 1.0)[:, None]
    g = layer_norm(g, p['dg_norm_g'], p['dg_norm_b'])[:, None, :]
    q = g @ p['Wq'] + p['bq']
    k = g @ p['Wk'] + p['bk']
    v = g @ p['Wv'] + p['bv']
    s = jnp.einsum('bqc,bkc->bqk', q, k) / jnp.sqrt(float(D_H))
    a = jax.nn.softmax(s, axis=-1)
    g = jnp.einsum('bqk,bkc->bqc', a, v) @ p['Wo'] + p['bo']
    res = g
    h = layer_norm(g, p['ffn_norm_g'], p['ffn_norm_b'])
    h = jax.nn.relu(h @ p['ffn_W1'] + p['ffn_b1'])
    g = h @ p['ffn_W2'] + p['ffn_b2'] + res
    g = g[:, 0, :]
    per_node = g[batch]
    z = jnp.concatenate([xn, per_node], axis=1)
    fused = jax.nn.relu(z @ p['fuse_W'] + p['fuse_b']) + xn
    return fused


def setup_inputs(seed: int = 0):
    key = jax.random.key(seed)
    ks = jax.random.split(key, 20)
    x = jax.random.normal(ks[0], (N, D_IN), jnp.float32)
    original_edge_index = jax.random.randint(ks[1], (2, E), 0, N, dtype=jnp.int32)
    dg_edge_index = jax.random.randint(ks[2], (2, E), 0, N, dtype=jnp.int32)
    batch = jnp.sort(jax.random.randint(ks[3], (N,), 0, P, dtype=jnp.int32))

    def w(k, shape):
        return jax.random.normal(k, shape, jnp.float32) * 0.05

    z = lambda d: jnp.zeros((d,), jnp.float32)
    o = lambda d: jnp.ones((d,), jnp.float32)
    params = {
        'o_W1': w(ks[4], (D_IN, D_H)), 'o_b1': z(D_H),
        'o_W2': w(ks[5], (D_H, D_H)), 'o_b2': z(D_H),
        'd_W1': w(ks[6], (D_IN, D_H)), 'd_b1': z(D_H),
        'd_W2': w(ks[7], (D_H, D_H)), 'd_b2': z(D_H),
        'node_norm_g': o(D_H), 'node_norm_b': z(D_H),
        'dg_norm_g': o(D_H), 'dg_norm_b': z(D_H),
        'Wq': w(ks[8], (D_H, D_H)), 'bq': z(D_H),
        'Wk': w(ks[9], (D_H, D_H)), 'bk': z(D_H),
        'Wv': w(ks[10], (D_H, D_H)), 'bv': z(D_H),
        'Wo': w(ks[11], (D_H, D_H)), 'bo': z(D_H),
        'ffn_norm_g': o(D_H), 'ffn_norm_b': z(D_H),
        'ffn_W1': w(ks[12], (D_H, D_H)), 'ffn_b1': z(D_H),
        'ffn_W2': w(ks[13], (D_H, D_H)), 'ffn_b2': z(D_H),
        'fuse_W': w(ks[14], (2 * D_H, D_H)), 'fuse_b': z(D_H),
        'cls_W': w(ks[15], (D_H, D_OUT)), 'cls_b': z(D_OUT),
    }
    return {'x': x, 'original_edge_index': original_edge_index, 'dg_edge_index': dg_edge_index, 'batch': batch, 'params': params}


def reference(x, original_edge_index, dg_edge_index, batch, params):
    p = params
    orig = gcn_forward(x, original_edge_index, p['o_W1'], p['o_b1'], p['o_W2'], p['o_b2'])
    dg = gcn_forward(x, dg_edge_index, p['d_W1'], p['d_b1'], p['d_W2'], p['d_b2'])
    fused = fusion_forward(orig, dg, batch, p)
    out = fused @ p['cls_W'] + p['cls_b']
    return (out, orig, dg, fused)

if __name__ == "__main__":
    import jax
    _d = setup_inputs()
    print(jax.jit(kernel)(*tuple(_d.values())))

</pallas_src>

<mosaic_0001>
#map = affine_map<(d0, d1) -> (0, 0)>
#map1 = affine_map<(d0, d1) -> (0, 0, 0)>
module attributes {stable_mosaic.version = 14 : i64} {
  func.func @k(%arg0: i32, %arg1: i32, %arg2: memref<20000x128xf32, #tpu.memory_space<hbm>>, %arg3: memref<2x2560x128xi32, #tpu.memory_space<hbm>>, %arg4: memref<2560x128xi32, #tpu.memory_space<hbm>>, %arg5: memref<632x128xf32, #tpu.memory_space<hbm>>, %arg6: memref<2x10112x128xf32, #tpu.memory_space<hbm>>, %arg7: memref<128xi32, #tpu.memory_space<vmem>>, %arg8: memref<128xi32, #tpu.memory_space<vmem>>, %arg9: memref<128x128xf32, #tpu.memory_space<vmem>>, %arg10: memref<10112x128xf32, #tpu.memory_space<vmem_shared>>, %arg11: memref<!tpu.dma_semaphore, #tpu.memory_space<semaphore_mem>>) attributes {dimension_semantics = [#tpu.dimension_semantics<core_parallel>, #tpu.dimension_semantics<subcore_parallel>], iteration_bounds = array<i64: 2, 16>, scalar_prefetch = 0 : i64, scratch_operands = 5 : i64, tpu.core_type = #tpu.core_type<sc_vector_subcore>, window_params = [{transform_indices = #map}, {transform_indices = #map1}, {transform_indices = #map}, {transform_indices = #map}, {transform_indices = #map1}]} {
    %mul3A = arith.constant 632 : i32
    %mul3A_0 = arith.muli %arg1, %mul3A : i32
    "tpu.region"() ({
      %run_scoped3A = tpu.sem_alloc : memref<!tpu.dma_semaphore, #tpu.memory_space<semaphore_mem>>
      %dma_start3A = arith.constant 0 : i32
      %dma_start3A_11 = tpu.memref_slice %arg10[%mul3A_0, %dma_start3A] : memref<10112x128xf32, #tpu.memory_space<vmem_shared>> -> memref<632x128xf32, #tpu.memory_space<vmem_shared>>
      tpu.enqueue_dma source(%arg5 : memref<632x128xf32, #tpu.memory_space<hbm>>) target(%dma_start3A_11 : memref<632x128xf32, #tpu.memory_space<vmem_shared>>) target_semaphore(%run_scoped3A : memref<!tpu.dma_semaphore, #tpu.memory_space<semaphore_mem>>)
      %dma_wait3A = arith.constant 0 : i32
      %dma_wait3A_12 = tpu.memref_slice %arg10[%mul3A_0, %dma_wait3A] : memref<10112x128xf32, #tpu.memory_space<vmem_shared>> -> memref<632x128xf32, #tpu.memory_space<vmem_shared>>
      tpu.wait_dma2 semaphore(%run_scoped3A : memref<!tpu.dma_semaphore, #tpu.memory_space<semaphore_mem>>) src(%arg5 : memref<632x128xf32, #tpu.memory_space<hbm>>) dst(%dma_wait3A_12 : memref<632x128xf32, #tpu.memory_space<vmem_shared>>)
      tpu.yield
    }) : () -> ()
    %barrier3A = arith.constant 0 : index
    tpu.barrier barrier_id(%barrier3A)
    %scan3A = arith.constant 0 : i32
    %scan3A_1 = arith.constant 0 : i32
    %scan3A_2 = arith.constant 160 : i32
    %scan3A_3 = arith.addi %scan3A_1, %scan3A_2 : i32
    %scan3A_4 = arith.constant 1 : i32
    scf.for %scan3A_11 = %scan3A_1 to %scan3A_3 step %scan3A_4  : i32 {
      %mul3A_12 = arith.constant 16 : i32
      %mul3A_13 = arith.muli %scan3A_11, %mul3A_12 : i32
      %add3A = arith.addi %arg1, %mul3A_13 : i32
      "tpu.region"() ({
        %run_scoped3A = tpu.sem_alloc : memref<!tpu.dma_semaphore, #tpu.memory_space<semaphore_mem>>
        %dma_start3A_18 = arith.constant 0 : i32
        %dma_start3A_19 = tpu.memref_slice %arg3[%arg0, %add3A, %dma_start3A_18] : memref<2x2560x128xi32, #tpu.memory_space<hbm>> -> memref<1x1x128xi32, #tpu.memory_space<hbm>>
        %dma_start3A_20 = tpu.memref_squeeze %dma_start3A_19 : memref<1x1x128xi32, #tpu.memory_space<hbm>> -> memref<128xi32, #tpu.memory_space<hbm>>
        %dma_start3A_21 = arith.constant 0 : i32
        %dma_start3A_22 = tpu.memref_slice %arg3[%arg0, %add3A, %dma_start3A_21] : memref<2x2560x128xi32, #tpu.memory_space<hbm>> -> memref<1x1x128xi32, #tpu.memory_space<hbm>>
        %dma_start3A_23 = tpu.memref_squeeze %dma_start3A_22 : memref<1x1x128xi32, #tpu.memory_space<hbm>> -> memref<128xi32, #tpu.memory_space<hbm>>
        tpu.enqueue_dma source(%dma_start3A_23 : memref<128xi32, #tpu.memory_space<hbm>>) target(%arg7 : memref<128xi32, #tpu.memory_space<vmem>>) target_semaphore(%run_scoped3A : memref<!tpu.dma_semaphore, #tpu.memory_space<semaphore_mem>>)
        %dma_wait3A_24 = arith.constant 0 : i32
        %dma_wait3A_25 = tpu.memref_slice %arg3[%arg0, %add3A, %dma_wait3A_24] : memref<2x2560x128xi32, #tpu.memory_space<hbm>> -> memref<1x1x128xi32, #tpu.memory_space<hbm>>
        %dma_wait3A_26 = tpu.memref_squeeze %dma_wait3A_25 : memref<1x1x128xi32, #tpu.memory_space<hbm>> -> memref<128xi32, #tpu.memory_space<hbm>>
        %dma_wait3A_27 = arith.constant 0 : i32
        %dma_wait3A_28 = tpu.memref_slice %arg3[%arg0, %add3A, %dma_wait3A_27] : memref<2x2560x128xi32, #tpu.memory_space<hbm>> -> memref<1x1x128xi32, #tpu.memory_space<hbm>>
        %dma_wait3A_29 = tpu.memref_squeeze %dma_wait3A_28 : memref<1x1x128xi32, #tpu.memory_space<hbm>> -> memref<128xi32, #tpu.memory_space<hbm>>
        tpu.wait_dma2 semaphore(%run_scoped3A : memref<!tpu.dma_semaphore, #tpu.memory_space<semaphore_mem>>) src(%dma_wait3A_29 : memref<128xi32, #tpu.memory_space<hbm>>) dst(%arg7 : memref<128xi32, #tpu.memory_space<vmem>>)
        tpu.yield
      }) : () -> ()
      "tpu.region"() ({
        %run_scoped3A = tpu.sem_alloc : memref<!tpu.dma_semaphore, #tpu.memory_space<semaphore_mem>>
        %dma_start3A_18 = arith.constant 0 : i32
        %dma_start3A_19 = tpu.memref_slice %arg4[%add3A, %dma_start3A_18] : memref<2560x128xi32, #tpu.memory_space<hbm>> -> memref<1x128xi32, #tpu.memory_space<hbm>>
        %dma_start3A_20 = tpu.memref_squeeze %dma_start3A_19 : memref<1x128xi32, #tpu.memory_space<hbm>> -> memref<128xi32, #tpu.memory_space<hbm>>
        %dma_start3A_21 = arith.constant 0 : i32
        %dma_start3A_22 = tpu.memref_slice %arg4[%add3A, %dma_start3A_21] : memref<2560x128xi32, #tpu.memory_space<hbm>> -> memref<1x128xi32, #tpu.memory_space<hbm>>
        %dma_start3A_23 = tpu.memref_squeeze %dma_start3A_22 : memref<1x128xi32, #tpu.memory_space<hbm>> -> memref<128xi32, #tpu.memory_space<hbm>>
        tpu.enqueue_dma source(%dma_start3A_23 : memref<128xi32, #tpu.memory_space<hbm>>) target(%arg8 : memref<128xi32, #tpu.memory_space<vmem>>) target_semaphore(%run_scoped3A : memref<!tpu.dma_semaphore, #tpu.memory_space<semaphore_mem>>)
        %dma_wait3A_24 = arith.constant 0 : i32
        %dma_wait3A_25 = tpu.memref_slice %arg4[%add3A, %dma_wait3A_24] : memref<2560x128xi32, #tpu.memory_space<hbm>> -> memref<1x128xi32, #tpu.memory_space<hbm>>
        %dma_wait3A_26 = tpu.memref_squeeze %dma_wait3A_25 : memref<1x128xi32, #tpu.memory_space<hbm>> -> memref<128xi32, #tpu.memory_space<hbm>>
        %dma_wait3A_27 = arith.constant 0 : i32
        %dma_wait3A_28 = tpu.memref_slice %arg4[%add3A, %dma_wait3A_27] : memref<2560x128xi32, #tpu.memory_space<hbm>> -> memref<1x128xi32, #tpu.memory_space<hbm>>
        %dma_wait3A_29 = tpu.memref_squeeze %dma_wait3A_28 : memref<1x128xi32, #tpu.memory_space<hbm>> -> memref<128xi32, #tpu.memory_space<hbm>>
        tpu.wait_dma2 semaphore(%run_scoped3A : memref<!tpu.dma_semaphore, #tpu.memory_space<semaphore_mem>>) src(%dma_wait3A_29 : memref<128xi32, #tpu.memory_space<hbm>>) dst(%arg8 : memref<128xi32, #tpu.memory_space<vmem>>)
        tpu.yield
      }) : () -> ()
      %dma_start3A = arith.constant 0 : i32
      %dma_start3A_14 = arith.constant 0 : i32
      %dma_start3A_15 = tpu.memref_slice %arg2[%dma_start3A, %dma_start3A_14] : memref<20000x128xf32, #tpu.memory_space<hbm>> -> memref<20000x128xf32, #tpu.memory_space<hbm>>
      tpu.enqueue_indirect_dma source(%dma_start3A_15 : memref<20000x128xf32, #tpu.memory_space<hbm>>) target(%arg9 : memref<128x128xf32, #tpu.memory_space<vmem>>) offsets(%arg7 : memref<128xi32, #tpu.memory_space<vmem>>) semaphore(%arg11 : memref<!tpu.dma_semaphore, #tpu.memory_space<semaphore_mem>>)
      %dma_wait3A = arith.constant 0 : i32
      %dma_wait3A_16 = arith.constant 0 : i32
      %dma_wait3A_17 = tpu.memref_slice %arg2[%dma_wait3A, %dma_wait3A_16] : memref<20000x128xf32, #tpu.memory_space<hbm>> -> memref<20000x128xf32, #tpu.memory_space<hbm>>
      tpu.wait_indirect_dma semaphore(%arg11 : memref<!tpu.dma_semaphore, #tpu.memory_space<semaphore_mem>>) src(%dma_wait3A_17 : memref<20000x128xf32, #tpu.memory_space<hbm>>) dst(%arg9 : memref<128x128xf32, #tpu.memory_space<vmem>>)
      "tpu.region"() ({
        %run_scoped3A = tpu.sem_alloc : memref<!tpu.dma_semaphore, #tpu.memory_space<semaphore_mem>>
        %dma_start3A_18 = arith.constant 0 : i32
        %dma_start3A_19 = arith.constant 0 : i32
        %dma_start3A_20 = tpu.memref_slice %arg10[%dma_start3A_18, %dma_start3A_19] : memref<10112x128xf32, #tpu.memory_space<vmem_shared>> -> memref<10112x128xf32, #tpu.memory_space<vmem_shared>>
        tpu.enqueue_indirect_dma source(%arg9 : memref<128x128xf32, #tpu.memory_space<vmem>>) target(%dma_start3A_20 : memref<10112x128xf32, #tpu.memory_space<vmem_shared>>) offsets(%arg8 : memref<128xi32, #tpu.memory_space<vmem>>) semaphore(%run_scoped3A : memref<!tpu.dma_semaphore, #tpu.memory_space<semaphore_mem>>) {add = true}
        %dma_wait3A_21 = arith.constant 0 : i32
        %dma_wait3A_22 = arith.constant 0 : i32
        %dma_wait3A_23 = tpu.memref_slice %arg10[%dma_wait3A_21, %dma_wait3A_22] : memref<10112x128xf32, #tpu.memory_space<vmem_shared>> -> memref<10112x128xf32, #tpu.memory_space<vmem_shared>>
        tpu.wait_indirect_dma semaphore(%run_scoped3A : memref<!tpu.dma_semaphore, #tpu.memory_space<semaphore_mem>>) src(%arg9 : memref<128x128xf32, #tpu.memory_space<vmem>>) dst(%dma_wait3A_23 : memref<10112x128xf32, #tpu.memory_space<vmem_shared>>)
        tpu.yield
      }) : () -> ()
    }
    %scan3A_5 = arith.constant 160 : i32
    %barrier3A_6 = arith.constant 0 : index
    tpu.barrier barrier_id(%barrier3A_6)
    %mul3A_7 = arith.constant 632 : i32
    %mul3A_8 = arith.muli %arg1, %mul3A_7 : i32
    %mul3A_9 = arith.constant 632 : i32
    %mul3A_10 = arith.muli %arg1, %mul3A_9 : i32
    "tpu.region"() ({
      %run_scoped3A = tpu.sem_alloc : memref<!tpu.dma_semaphore, #tpu.memory_space<semaphore_mem>>
      %dma_start3A = arith.constant 0 : i32
      %dma_start3A_11 = tpu.memref_slice %arg6[%arg0, %mul3A_10, %dma_start3A] : memref<2x10112x128xf32, #tpu.memory_space<hbm>> -> memref<1x632x128xf32, #tpu.memory_space<hbm>>
      %dma_start3A_12 = tpu.memref_squeeze %dma_start3A_11 : memref<1x632x128xf32, #tpu.memory_space<hbm>> -> memref<632x128xf32, #tpu.memory_space<hbm>>
      %dma_start3A_13 = arith.constant 0 : i32
      %dma_start3A_14 = tpu.memref_slice %arg10[%mul3A_8, %dma_start3A_13] : memref<10112x128xf32, #tpu.memory_space<vmem_shared>> -> memref<632x128xf32, #tpu.memory_space<vmem_shared>>
      tpu.enqueue_dma source(%dma_start3A_14 : memref<632x128xf32, #tpu.memory_space<vmem_shared>>) target(%dma_start3A_12 : memref<632x128xf32, #tpu.memory_space<hbm>>) target_semaphore(%run_scoped3A : memref<!tpu.dma_semaphore, #tpu.memory_space<semaphore_mem>>)
      %dma_wait3A = arith.constant 0 : i32
      %dma_wait3A_15 = tpu.memref_slice %arg6[%arg0, %mul3A_10, %dma_wait3A] : memref<2x10112x128xf32, #tpu.memory_space<hbm>> -> memref<1x632x128xf32, #tpu.memory_space<hbm>>
      %dma_wait3A_16 = tpu.memref_squeeze %dma_wait3A_15 : memref<1x632x128xf32, #tpu.memory_space<hbm>> -> memref<632x128xf32, #tpu.memory_space<hbm>>
      %dma_wait3A_17 = arith.constant 0 : i32
      %dma_wait3A_18 = tpu.memref_slice %arg10[%mul3A_8, %dma_wait3A_17] : memref<10112x128xf32, #tpu.memory_space<vmem_shared>> -> memref<632x128xf32, #tpu.memory_space<vmem_shared>>
      tpu.wait_dma2 semaphore(%run_scoped3A : memref<!tpu.dma_semaphore, #tpu.memory_space<semaphore_mem>>) src(%dma_wait3A_18 : memref<632x128xf32, #tpu.memory_space<vmem_shared>>) dst(%dma_wait3A_16 : memref<632x128xf32, #tpu.memory_space<hbm>>)
      tpu.yield
    }) : () -> ()
    return
  }
}

#map = affine_map<(d0, d1) -> (0, 0, 0)>
#map1 = affine_map<(d0, d1) -> (0, 0)>
module attributes {stable_mosaic.version = 14 : i64} {
  func.func @k(%arg0: i32, %arg1: i32, %arg2: memref<2x2560x128xi32, #tpu.memory_space<hbm>>, %arg3: memref<632x128xf32, #tpu.memory_space<hbm>>, %arg4: memref<128x128xf32, #tpu.memory_space<hbm>>, %arg5: memref<2x10112x128xf32, #tpu.memory_space<hbm>>, %arg6: memref<128xi32, #tpu.memory_space<vmem>>, %arg7: memref<128x128xf32, #tpu.memory_space<vmem>>, %arg8: memref<10112x128xf32, #tpu.memory_space<vmem_shared>>, %arg9: memref<!tpu.dma_semaphore, #tpu.memory_space<semaphore_mem>>) attributes {dimension_semantics = [#tpu.dimension_semantics<core_parallel>, #tpu.dimension_semantics<subcore_parallel>], iteration_bounds = array<i64: 2, 16>, scalar_prefetch = 0 : i64, scratch_operands = 4 : i64, tpu.core_type = #tpu.core_type<sc_vector_subcore>, window_params = [{transform_indices = #map}, {transform_indices = #map1}, {transform_indices = #map1}, {transform_indices = #map}]} {
    "tpu.region"() ({
      %run_scoped3A = tpu.sem_alloc : memref<!tpu.dma_semaphore, #tpu.memory_space<semaphore_mem>>
      tpu.enqueue_dma source(%arg4 : memref<128x128xf32, #tpu.memory_space<hbm>>) target(%arg7 : memref<128x128xf32, #tpu.memory_space<vmem>>) target_semaphore(%run_scoped3A : memref<!tpu.dma_semaphore, #tpu.memory_space<semaphore_mem>>)
      tpu.wait_dma2 semaphore(%run_scoped3A : memref<!tpu.dma_semaphore, #tpu.memory_space<semaphore_mem>>) src(%arg4 : memref<128x128xf32, #tpu.memory_space<hbm>>) dst(%arg7 : memref<128x128xf32, #tpu.memory_space<vmem>>)
      tpu.yield
    }) : () -> ()
    %mul3A = arith.constant 632 : i32
    %mul3A_0 = arith.muli %arg1, %mul3A : i32
    "tpu.region"() ({
      %run_scoped3A = tpu.sem_alloc : memref<!tpu.dma_semaphore, #tpu.memory_space<semaphore_mem>>
      %dma_start3A = arith.constant 0 : i32
      %dma_start3A_11 = tpu.memref_slice %arg8[%mul3A_0, %dma_start3A] : memref<10112x128xf32, #tpu.memory_space<vmem_shared>> -> memref<632x128xf32, #tpu.memory_space<vmem_shared>>
      tpu.enqueue_dma source(%arg3 : memref<632x128xf32, #tpu.memory_space<hbm>>) target(%dma_start3A_11 : memref<632x128xf32, #tpu.memory_space<vmem_shared>>) target_semaphore(%run_scoped3A : memref<!tpu.dma_semaphore, #tpu.memory_space<semaphore_mem>>)
      %dma_wait3A = arith.constant 0 : i32
      %dma_wait3A_12 = tpu.memref_slice %arg8[%mul3A_0, %dma_wait3A] : memref<10112x128xf32, #tpu.memory_space<vmem_shared>> -> memref<632x128xf32, #tpu.memory_space<vmem_shared>>
      tpu.wait_dma2 semaphore(%run_scoped3A : memref<!tpu.dma_semaphore, #tpu.memory_space<semaphore_mem>>) src(%arg3 : memref<632x128xf32, #tpu.memory_space<hbm>>) dst(%dma_wait3A_12 : memref<632x128xf32, #tpu.memory_space<vmem_shared>>)
      tpu.yield
    }) : () -> ()
    %barrier3A = arith.constant 0 : index
    tpu.barrier barrier_id(%barrier3A)
    %scan3A = arith.constant 0 : i32
    %scan3A_1 = arith.constant 0 : i32
    %scan3A_2 = arith.constant 160 : i32
    %scan3A_3 = arith.addi %scan3A_1, %scan3A_2 : i32
    %scan3A_4 = arith.constant 1 : i32
    scf.for %scan3A_11 = %scan3A_1 to %scan3A_3 step %scan3A_4  : i32 {
      %mul3A_12 = arith.constant 16 : i32
      %mul3A_13 = arith.muli %scan3A_11, %mul3A_12 : i32
      %add3A = arith.addi %arg1, %mul3A_13 : i32
      "tpu.region"() ({
        %run_scoped3A = tpu.sem_alloc : memref<!tpu.dma_semaphore, #tpu.memory_space<semaphore_mem>>
        %dma_start3A = arith.constant 0 : i32
        %dma_start3A_14 = tpu.memref_slice %arg2[%arg0, %add3A, %dma_start3A] : memref<2x2560x128xi32, #tpu.memory_space<hbm>> -> memref<1x1x128xi32, #tpu.memory_space<hbm>>
        %dma_start3A_15 = tpu.memref_squeeze %dma_start3A_14 : memref<1x1x128xi32, #tpu.memory_space<hbm>> -> memref<128xi32, #tpu.memory_space<hbm>>
        %dma_start3A_16 = arith.constant 0 : i32
        %dma_start3A_17 = tpu.memref_slice %arg2[%arg0, %add3A, %dma_start3A_16] : memref<2x2560x128xi32, #tpu.memory_space<hbm>> -> memref<1x1x128xi32, #tpu.memory_space<hbm>>
        %dma_start3A_18 = tpu.memref_squeeze %dma_start3A_17 : memref<1x1x128xi32, #tpu.memory_space<hbm>> -> memref<128xi32, #tpu.memory_space<hbm>>
        tpu.enqueue_dma source(%dma_start3A_18 : memref<128xi32, #tpu.memory_space<hbm>>) target(%arg6 : memref<128xi32, #tpu.memory_space<vmem>>) target_semaphore(%run_scoped3A : memref<!tpu.dma_semaphore, #tpu.memory_space<semaphore_mem>>)
        %dma_wait3A = arith.constant 0 : i32
        %dma_wait3A_19 = tpu.memref_slice %arg2[%arg0, %add3A, %dma_wait3A] : memref<2x2560x128xi32, #tpu.memory_space<hbm>> -> memref<1x1x128xi32, #tpu.memory_space<hbm>>
        %dma_wait3A_20 = tpu.memref_squeeze %dma_wait3A_19 : memref<1x1x128xi32, #tpu.memory_space<hbm>> -> memref<128xi32, #tpu.memory_space<hbm>>
        %dma_wait3A_21 = arith.constant 0 : i32
        %dma_wait3A_22 = tpu.memref_slice %arg2[%arg0, %add3A, %dma_wait3A_21] : memref<2x2560x128xi32, #tpu.memory_space<hbm>> -> memref<1x1x128xi32, #tpu.memory_space<hbm>>
        %dma_wait3A_23 = tpu.memref_squeeze %dma_wait3A_22 : memref<1x1x128xi32, #tpu.memory_space<hbm>> -> memref<128xi32, #tpu.memory_space<hbm>>
        tpu.wait_dma2 semaphore(%run_scoped3A : memref<!tpu.dma_semaphore, #tpu.memory_space<semaphore_mem>>) src(%dma_wait3A_23 : memref<128xi32, #tpu.memory_space<hbm>>) dst(%arg6 : memref<128xi32, #tpu.memory_space<vmem>>)
        tpu.yield
      }) : () -> ()
      "tpu.region"() ({
        %run_scoped3A = tpu.sem_alloc : memref<!tpu.dma_semaphore, #tpu.memory_space<semaphore_mem>>
        %dma_start3A = arith.constant 0 : i32
        %dma_start3A_14 = arith.constant 0 : i32
        %dma_start3A_15 = tpu.memref_slice %arg8[%dma_start3A, %dma_start3A_14] : memref<10112x128xf32, #tpu.memory_space<vmem_shared>> -> memref<10112x128xf32, #tpu.memory_space<vmem_shared>>
        tpu.enqueue_indirect_dma source(%arg7 : memref<128x128xf32, #tpu.memory_space<vmem>>) target(%dma_start3A_15 : memref<10112x128xf32, #tpu.memory_space<vmem_shared>>) offsets(%arg6 : memref<128xi32, #tpu.memory_space<vmem>>) semaphore(%run_scoped3A : memref<!tpu.dma_semaphore, #tpu.memory_space<semaphore_mem>>) {add = true}
        %dma_wait3A = arith.constant 0 : i32
        %dma_wait3A_16 = arith.constant 0 : i32
        %dma_wait3A_17 = tpu.memref_slice %arg8[%dma_wait3A, %dma_wait3A_16] : memref<10112x128xf32, #tpu.memory_space<vmem_shared>> -> memref<10112x128xf32, #tpu.memory_space<vmem_shared>>
        tpu.wait_indirect_dma semaphore(%run_scoped3A : memref<!tpu.dma_semaphore, #tpu.memory_space<semaphore_mem>>) src(%arg7 : memref<128x128xf32, #tpu.memory_space<vmem>>) dst(%dma_wait3A_17 : memref<10112x128xf32, #tpu.memory_space<vmem_shared>>)
        tpu.yield
      }) : () -> ()
    }
    %scan3A_5 = arith.constant 160 : i32
    %barrier3A_6 = arith.constant 0 : index
    tpu.barrier barrier_id(%barrier3A_6)
    %mul3A_7 = arith.constant 632 : i32
    %mul3A_8 = arith.muli %arg1, %mul3A_7 : i32
    %mul3A_9 = arith.constant 632 : i32
    %mul3A_10 = arith.muli %arg1, %mul3A_9 : i32
    "tpu.region"() ({
      %run_scoped3A = tpu.sem_alloc : memref<!tpu.dma_semaphore, #tpu.memory_space<semaphore_mem>>
      %dma_start3A = arith.constant 0 : i32
      %dma_start3A_11 = tpu.memref_slice %arg5[%arg0, %mul3A_10, %dma_start3A] : memref<2x10112x128xf32, #tpu.memory_space<hbm>> -> memref<1x632x128xf32, #tpu.memory_space<hbm>>
      %dma_start3A_12 = tpu.memref_squeeze %dma_start3A_11 : memref<1x632x128xf32, #tpu.memory_space<hbm>> -> memref<632x128xf32, #tpu.memory_space<hbm>>
      %dma_start3A_13 = arith.constant 0 : i32
      %dma_start3A_14 = tpu.memref_slice %arg8[%mul3A_8, %dma_start3A_13] : memref<10112x128xf32, #tpu.memory_space<vmem_shared>> -> memref<632x128xf32, #tpu.memory_space<vmem_shared>>
      tpu.enqueue_dma source(%dma_start3A_14 : memref<632x128xf32, #tpu.memory_space<vmem_shared>>) target(%dma_start3A_12 : memref<632x128xf32, #tpu.memory_space<hbm>>) target_semaphore(%run_scoped3A : memref<!tpu.dma_semaphore, #tpu.memory_space<semaphore_mem>>)
      %dma_wait3A = arith.constant 0 : i32
      %dma_wait3A_15 = tpu.memref_slice %arg5[%arg0, %mul3A_10, %dma_wait3A] : memref<2x10112x128xf32, #tpu.memory_space<hbm>> -> memref<1x632x128xf32, #tpu.memory_space<hbm>>
      %dma_wait3A_16 = tpu.memref_squeeze %dma_wait3A_15 : memref<1x632x128xf32, #tpu.memory_space<hbm>> -> memref<632x128xf32, #tpu.memory_space<hbm>>
      %dma_wait3A_17 = arith.constant 0 : i32
      %dma_wait3A_18 = tpu.memref_slice %arg8[%mul3A_8, %dma_wait3A_17] : memref<10112x128xf32, #tpu.memory_space<vmem_shared>> -> memref<632x128xf32, #tpu.memory_space<vmem_shared>>
      tpu.wait_dma2 semaphore(%run_scoped3A : memref<!tpu.dma_semaphore, #tpu.memory_space<semaphore_mem>>) src(%dma_wait3A_18 : memref<632x128xf32, #tpu.memory_space<vmem_shared>>) dst(%dma_wait3A_16 : memref<632x128xf32, #tpu.memory_space<hbm>>)
      tpu.yield
    }) : () -> ()
    return
  }
}

#map = affine_map<(d0, d1) -> (0, 0)>
#map1 = affine_map<(d0, d1) -> (0, 0, 0)>
module attributes {stable_mosaic.version = 14 : i64} {
  func.func @k(%arg0: i32, %arg1: i32, %arg2: memref<20000x128xf32, #tpu.memory_space<hbm>>, %arg3: memref<2x2560x128xi32, #tpu.memory_space<hbm>>, %arg4: memref<2560x128xi32, #tpu.memory_space<hbm>>, %arg5: memref<632x128xf32, #tpu.memory_space<hbm>>, %arg6: memref<2x10112x128xf32, #tpu.memory_space<hbm>>, %arg7: memref<128xi32, #tpu.memory_space<vmem>>, %arg8: memref<128xi32, #tpu.memory_space<vmem>>, %arg9: memref<128x128xf32, #tpu.memory_space<vmem>>, %arg10: memref<10112x128xf32, #tpu.memory_space<vmem_shared>>, %arg11: memref<!tpu.dma_semaphore, #tpu.memory_space<semaphore_mem>>) attributes {dimension_semantics = [#tpu.dimension_semantics<core_parallel>, #tpu.dimension_semantics<subcore_parallel>], iteration_bounds = array<i64: 2, 16>, scalar_prefetch = 0 : i64, scratch_operands = 5 : i64, tpu.core_type = #tpu.core_type<sc_vector_subcore>, window_params = [{transform_indices = #map}, {transform_indices = #map1}, {transform_indices = #map}, {transform_indices = #map}, {transform_indices = #map1}]} {
    %mul3A = arith.constant 632 : i32
    %mul3A_0 = arith.muli %arg1, %mul3A : i32
    "tpu.region"() ({
      %run_scoped3A = tpu.sem_alloc : memref<!tpu.dma_semaphore, #tpu.memory_space<semaphore_mem>>
      %dma_start3A = arith.constant 0 : i32
      %dma_start3A_11 = tpu.memref_slice %arg10[%mul3A_0, %dma_start3A] : memref<10112x128xf32, #tpu.memory_space<vmem_shared>> -> memref<632x128xf32, #tpu.memory_space<vmem_shared>>
      tpu.enqueue_dma source(%arg5 : memref<632x128xf32, #tpu.memory_space<hbm>>) target(%dma_start3A_11 : memref<632x128xf32, #tpu.memory_space<vmem_shared>>) target_semaphore(%run_scoped3A : memref<!tpu.dma_semaphore, #tpu.memory_space<semaphore_mem>>)
      %dma_wait3A = arith.constant 0 : i32
      %dma_wait3A_12 = tpu.memref_slice %arg10[%mul3A_0, %dma_wait3A] : memref<10112x128xf32, #tpu.memory_space<vmem_shared>> -> memref<632x128xf32, #tpu.memory_space<vmem_shared>>
      tpu.wait_dma2 semaphore(%run_scoped3A : memref<!tpu.dma_semaphore, #tpu.memory_space<semaphore_mem>>) src(%arg5 : memref<632x128xf32, #tpu.memory_space<hbm>>) dst(%dma_wait3A_12 : memref<632x128xf32, #tpu.memory_space<vmem_shared>>)
      tpu.yield
    }) : () -> ()
    %barrier3A = arith.constant 0 : index
    tpu.barrier barrier_id(%barrier3A)
    %scan3A = arith.constant 0 : i32
    %scan3A_1 = arith.constant 0 : i32
    %scan3A_2 = arith.constant 160 : i32
    %scan3A_3 = arith.addi %scan3A_1, %scan3A_2 : i32
    %scan3A_4 = arith.constant 1 : i32
    scf.for %scan3A_11 = %scan3A_1 to %scan3A_3 step %scan3A_4  : i32 {
      %mul3A_12 = arith.constant 16 : i32
      %mul3A_13 = arith.muli %scan3A_11, %mul3A_12 : i32
      %add3A = arith.addi %arg1, %mul3A_13 : i32
      "tpu.region"() ({
        %run_scoped3A = tpu.sem_alloc : memref<!tpu.dma_semaphore, #tpu.memory_space<semaphore_mem>>
        %dma_start3A_18 = arith.constant 0 : i32
        %dma_start3A_19 = tpu.memref_slice %arg3[%arg0, %add3A, %dma_start3A_18] : memref<2x2560x128xi32, #tpu.memory_space<hbm>> -> memref<1x1x128xi32, #tpu.memory_space<hbm>>
        %dma_start3A_20 = tpu.memref_squeeze %dma_start3A_19 : memref<1x1x128xi32, #tpu.memory_space<hbm>> -> memref<128xi32, #tpu.memory_space<hbm>>
        %dma_start3A_21 = arith.constant 0 : i32
        %dma_start3A_22 = tpu.memref_slice %arg3[%arg0, %add3A, %dma_start3A_21] : memref<2x2560x128xi32, #tpu.memory_space<hbm>> -> memref<1x1x128xi32, #tpu.memory_space<hbm>>
        %dma_start3A_23 = tpu.memref_squeeze %dma_start3A_22 : memref<1x1x128xi32, #tpu.memory_space<hbm>> -> memref<128xi32, #tpu.memory_space<hbm>>
        tpu.enqueue_dma source(%dma_start3A_23 : memref<128xi32, #tpu.memory_space<hbm>>) target(%arg7 : memref<128xi32, #tpu.memory_space<vmem>>) target_semaphore(%run_scoped3A : memref<!tpu.dma_semaphore, #tpu.memory_space<semaphore_mem>>)
        %dma_wait3A_24 = arith.constant 0 : i32
        %dma_wait3A_25 = tpu.memref_slice %arg3[%arg0, %add3A, %dma_wait3A_24] : memref<2x2560x128xi32, #tpu.memory_space<hbm>> -> memref<1x1x128xi32, #tpu.memory_space<hbm>>
        %dma_wait3A_26 = tpu.memref_squeeze %dma_wait3A_25 : memref<1x1x128xi32, #tpu.memory_space<hbm>> -> memref<128xi32, #tpu.memory_space<hbm>>
        %dma_wait3A_27 = arith.constant 0 : i32
        %dma_wait3A_28 = tpu.memref_slice %arg3[%arg0, %add3A, %dma_wait3A_27] : memref<2x2560x128xi32, #tpu.memory_space<hbm>> -> memref<1x1x128xi32, #tpu.memory_space<hbm>>
        %dma_wait3A_29 = tpu.memref_squeeze %dma_wait3A_28 : memref<1x1x128xi32, #tpu.memory_space<hbm>> -> memref<128xi32, #tpu.memory_space<hbm>>
        tpu.wait_dma2 semaphore(%run_scoped3A : memref<!tpu.dma_semaphore, #tpu.memory_space<semaphore_mem>>) src(%dma_wait3A_29 : memref<128xi32, #tpu.memory_space<hbm>>) dst(%arg7 : memref<128xi32, #tpu.memory_space<vmem>>)
        tpu.yield
      }) : () -> ()
      "tpu.region"() ({
        %run_scoped3A = tpu.sem_alloc : memref<!tpu.dma_semaphore, #tpu.memory_space<semaphore_mem>>
        %dma_start3A_18 = arith.constant 0 : i32
        %dma_start3A_19 = tpu.memref_slice %arg4[%add3A, %dma_start3A_18] : memref<2560x128xi32, #tpu.memory_space<hbm>> -> memref<1x128xi32, #tpu.memory_space<hbm>>
        %dma_start3A_20 = tpu.memref_squeeze %dma_start3A_19 : memref<1x128xi32, #tpu.memory_space<hbm>> -> memref<128xi32, #tpu.memory_space<hbm>>
        %dma_start3A_21 = arith.constant 0 : i32
        %dma_start3A_22 = tpu.memref_slice %arg4[%add3A, %dma_start3A_21] : memref<2560x128xi32, #tpu.memory_space<hbm>> -> memref<1x128xi32, #tpu.memory_space<hbm>>
        %dma_start3A_23 = tpu.memref_squeeze %dma_start3A_22 : memref<1x128xi32, #tpu.memory_space<hbm>> -> memref<128xi32, #tpu.memory_space<hbm>>
        tpu.enqueue_dma source(%dma_start3A_23 : memref<128xi32, #tpu.memory_space<hbm>>) target(%arg8 : memref<128xi32, #tpu.memory_space<vmem>>) target_semaphore(%run_scoped3A : memref<!tpu.dma_semaphore, #tpu.memory_space<semaphore_mem>>)
        %dma_wait3A_24 = arith.constant 0 : i32
        %dma_wait3A_25 = tpu.memref_slice %arg4[%add3A, %dma_wait3A_24] : memref<2560x128xi32, #tpu.memory_space<hbm>> -> memref<1x128xi32, #tpu.memory_space<hbm>>
        %dma_wait3A_26 = tpu.memref_squeeze %dma_wait3A_25 : memref<1x128xi32, #tpu.memory_space<hbm>> -> memref<128xi32, #tpu.memory_space<hbm>>
        %dma_wait3A_27 = arith.constant 0 : i32
        %dma_wait3A_28 = tpu.memref_slice %arg4[%add3A, %dma_wait3A_27] : memref<2560x128xi32, #tpu.memory_space<hbm>> -> memref<1x128xi32, #tpu.memory_space<hbm>>
        %dma_wait3A_29 = tpu.memref_squeeze %dma_wait3A_28 : memref<1x128xi32, #tpu.memory_space<hbm>> -> memref<128xi32, #tpu.memory_space<hbm>>
        tpu.wait_dma2 semaphore(%run_scoped3A : memref<!tpu.dma_semaphore, #tpu.memory_space<semaphore_mem>>) src(%dma_wait3A_29 : memref<128xi32, #tpu.memory_space<hbm>>) dst(%arg8 : memref<128xi32, #tpu.memory_space<vmem>>)
        tpu.yield
      }) : () -> ()
      %dma_start3A = arith.constant 0 : i32
      %dma_start3A_14 = arith.constant 0 : i32
      %dma_start3A_15 = tpu.memref_slice %arg2[%dma_start3A, %dma_start3A_14] : memref<20000x128xf32, #tpu.memory_space<hbm>> -> memref<20000x128xf32, #tpu.memory_space<hbm>>
      tpu.enqueue_indirect_dma source(%dma_start3A_15 : memref<20000x128xf32, #tpu.memory_space<hbm>>) target(%arg9 : memref<128x128xf32, #tpu.memory_space<vmem>>) offsets(%arg7 : memref<128xi32, #tpu.memory_space<vmem>>) semaphore(%arg11 : memref<!tpu.dma_semaphore, #tpu.memory_space<semaphore_mem>>)
      %dma_wait3A = arith.constant 0 : i32
      %dma_wait3A_16 = arith.constant 0 : i32
      %dma_wait3A_17 = tpu.memref_slice %arg2[%dma_wait3A, %dma_wait3A_16] : memref<20000x128xf32, #tpu.memory_space<hbm>> -> memref<20000x128xf32, #tpu.memory_space<hbm>>
      tpu.wait_indirect_dma semaphore(%arg11 : memref<!tpu.dma_semaphore, #tpu.memory_space<semaphore_mem>>) src(%dma_wait3A_17 : memref<20000x128xf32, #tpu.memory_space<hbm>>) dst(%arg9 : memref<128x128xf32, #tpu.memory_space<vmem>>)
      "tpu.region"() ({
        %run_scoped3A = tpu.sem_alloc : memref<!tpu.dma_semaphore, #tpu.memory_space<semaphore_mem>>
        %dma_start3A_18 = arith.constant 0 : i32
        %dma_start3A_19 = arith.constant 0 : i32
        %dma_start3A_20 = tpu.memref_slice %arg10[%dma_start3A_18, %dma_start3A_19] : memref<10112x128xf32, #tpu.memory_space<vmem_shared>> -> memref<10112x128xf32, #tpu.memory_space<vmem_shared>>
        tpu.enqueue_indirect_dma source(%arg9 : memref<128x128xf32, #tpu.memory_space<vmem>>) target(%dma_start3A_20 : memref<10112x128xf32, #tpu.memory_space<vmem_shared>>) offsets(%arg8 : memref<128xi32, #tpu.memory_space<vmem>>) semaphore(%run_scoped3A : memref<!tpu.dma_semaphore, #tpu.memory_space<semaphore_mem>>) {add = true}
        %dma_wait3A_21 = arith.constant 0 : i32
        %dma_wait3A_22 = arith.constant 0 : i32
        %dma_wait3A_23 = tpu.memref_slice %arg10[%dma_wait3A_21, %dma_wait3A_22] : memref<10112x128xf32, #tpu.memory_space<vmem_shared>> -> memref<10112x128xf32, #tpu.memory_space<vmem_shared>>
        tpu.wait_indirect_dma semaphore(%run_scoped3A : memref<!tpu.dma_semaphore, #tpu.memory_space<semaphore_mem>>) src(%arg9 : memref<128x128xf32, #tpu.memory_space<vmem>>) dst(%dma_wait3A_23 : memref<10112x128xf32, #tpu.memory_space<vmem_shared>>)
        tpu.yield
      }) : () -> ()
    }
    %scan3A_5 = arith.constant 160 : i32
    %barrier3A_6 = arith.constant 0 : index
    tpu.barrier barrier_id(%barrier3A_6)
    %mul3A_7 = arith.constant 632 : i32
    %mul3A_8 = arith.muli %arg1, %mul3A_7 : i32
    %mul3A_9 = arith.constant 632 : i32
    %mul3A_10 = arith.muli %arg1, %mul3A_9 : i32
    "tpu.region"() ({
      %run_scoped3A = tpu.sem_alloc : memref<!tpu.dma_semaphore, #tpu.memory_space<semaphore_mem>>
      %dma_start3A = arith.constant 0 : i32
      %dma_start3A_11 = tpu.memref_slice %arg6[%arg0, %mul3A_10, %dma_start3A] : memref<2x10112x128xf32, #tpu.memory_space<hbm>> -> memref<1x632x128xf32, #tpu.memory_space<hbm>>
      %dma_start3A_12 = tpu.memref_squeeze %dma_start3A_11 : memref<1x632x128xf32, #tpu.memory_space<hbm>> -> memref<632x128xf32, #tpu.memory_space<hbm>>
      %dma_start3A_13 = arith.constant 0 : i32
      %dma_start3A_14 = tpu.memref_slice %arg10[%mul3A_8, %dma_start3A_13] : memref<10112x128xf32, #tpu.memory_space<vmem_shared>> -> memref<632x128xf32, #tpu.memory_space<vmem_shared>>
      tpu.enqueue_dma source(%dma_start3A_14 : memref<632x128xf32, #tpu.memory_space<vmem_shared>>) target(%dma_start3A_12 : memref<632x128xf32, #tpu.memory_space<hbm>>) target_semaphore(%run_scoped3A : memref<!tpu.dma_semaphore, #tpu.memory_space<semaphore_mem>>)
      %dma_wait3A = arith.constant 0 : i32
      %dma_wait3A_15 = tpu.memref_slice %arg6[%arg0, %mul3A_10, %dma_wait3A] : memref<2x10112x128xf32, #tpu.memory_space<hbm>> -> memref<1x632x128xf32, #tpu.memory_space<hbm>>
      %dma_wait3A_16 = tpu.memref_squeeze %dma_wait3A_15 : memref<1x632x128xf32, #tpu.memory_space<hbm>> -> memref<632x128xf32, #tpu.memory_space<hbm>>
      %dma_wait3A_17 = arith.constant 0 : i32
      %dma_wait3A_18 = tpu.memref_slice %arg10[%mul3A_8, %dma_wait3A_17] : memref<10112x128xf32, #tpu.memory_space<vmem_shared>> -> memref<632x128xf32, #tpu.memory_space<vmem_shared>>
      tpu.wait_dma2 semaphore(%run_scoped3A : memref<!tpu.dma_semaphore, #tpu.memory_space<semaphore_mem>>) src(%dma_wait3A_18 : memref<632x128xf32, #tpu.memory_space<vmem_shared>>) dst(%dma_wait3A_16 : memref<632x128xf32, #tpu.memory_space<hbm>>)
      tpu.yield
    }) : () -> ()
    return
  }
}

#map = affine_map<(d0, d1) -> (0, 0)>
#map1 = affine_map<(d0, d1) -> (0, 0, 0)>
module attributes {stable_mosaic.version = 14 : i64} {
  func.func @k(%arg0: i32, %arg1: i32, %arg2: memref<20000x128xf32, #tpu.memory_space<hbm>>, %arg3: memref<2x2560x128xi32, #tpu.memory_space<hbm>>, %arg4: memref<2560x128xi32, #tpu.memory_space<hbm>>, %arg5: memref<632x128xf32, #tpu.memory_space<hbm>>, %arg6: memref<2x10112x128xf32, #tpu.memory_space<hbm>>, %arg7: memref<128xi32, #tpu.memory_space<vmem>>, %arg8: memref<128xi32, #tpu.memory_space<vmem>>, %arg9: memref<128x128xf32, #tpu.memory_space<vmem>>, %arg10: memref<10112x128xf32, #tpu.memory_space<vmem_shared>>, %arg11: memref<!tpu.dma_semaphore, #tpu.memory_space<semaphore_mem>>) attributes {dimension_semantics = [#tpu.dimension_semantics<core_parallel>, #tpu.dimension_semantics<subcore_parallel>], iteration_bounds = array<i64: 2, 16>, scalar_prefetch = 0 : i64, scratch_operands = 5 : i64, tpu.core_type = #tpu.core_type<sc_vector_subcore>, window_params = [{transform_indices = #map}, {transform_indices = #map1}, {transform_indices = #map}, {transform_indices = #map}, {transform_indices = #map1}]} {
    %mul3A = arith.constant 632 : i32
    %mul3A_0 = arith.muli %arg1, %mul3A : i32
    "tpu.region"() ({
      %run_scoped3A = tpu.sem_alloc : memref<!tpu.dma_semaphore, #tpu.memory_space<semaphore_mem>>
      %dma_start3A = arith.constant 0 : i32
      %dma_start3A_11 = tpu.memref_slice %arg10[%mul3A_0, %dma_start3A] : memref<10112x128xf32, #tpu.memory_space<vmem_shared>> -> memref<632x128xf32, #tpu.memory_space<vmem_shared>>
      tpu.enqueue_dma source(%arg5 : memref<632x128xf32, #tpu.memory_space<hbm>>) target(%dma_start3A_11 : memref<632x128xf32, #tpu.memory_space<vmem_shared>>) target_semaphore(%run_scoped3A : memref<!tpu.dma_semaphore, #tpu.memory_space<semaphore_mem>>)
      %dma_wait3A = arith.constant 0 : i32
      %dma_wait3A_12 = tpu.memref_slice %arg10[%mul3A_0, %dma_wait3A] : memref<10112x128xf32, #tpu.memory_space<vmem_shared>> -> memref<632x128xf32, #tpu.memory_space<vmem_shared>>
      tpu.wait_dma2 semaphore(%run_scoped3A : memref<!tpu.dma_semaphore, #tpu.memory_space<semaphore_mem>>) src(%arg5 : memref<632x128xf32, #tpu.memory_space<hbm>>) dst(%dma_wait3A_12 : memref<632x128xf32, #tpu.memory_space<vmem_shared>>)
      tpu.yield
    }) : () -> ()
    %barrier3A = arith.constant 0 : index
    tpu.barrier barrier_id(%barrier3A)
    %scan3A = arith.constant 0 : i32
    %scan3A_1 = arith.constant 0 : i32
    %scan3A_2 = arith.constant 160 : i32
    %scan3A_3 = arith.addi %scan3A_1, %scan3A_2 : i32
    %scan3A_4 = arith.constant 1 : i32
    scf.for %scan3A_11 = %scan3A_1 to %scan3A_3 step %scan3A_4  : i32 {
      %mul3A_12 = arith.constant 16 : i32
      %mul3A_13 = arith.muli %scan3A_11, %mul3A_12 : i32
      %add3A = arith.addi %arg1, %mul3A_13 : i32
      "tpu.region"() ({
        %run_scoped3A = tpu.sem_alloc : memref<!tpu.dma_semaphore, #tpu.memory_space<semaphore_mem>>
        %dma_start3A_18 = arith.constant 0 : i32
        %dma_start3A_19 = tpu.memref_slice %arg3[%arg0, %add3A, %dma_start3A_18] : memref<2x2560x128xi32, #tpu.memory_space<hbm>> -> memref<1x1x128xi32, #tpu.memory_space<hbm>>
        %dma_start3A_20 = tpu.memref_squeeze %dma_start3A_19 : memref<1x1x128xi32, #tpu.memory_space<hbm>> -> memref<128xi32, #tpu.memory_space<hbm>>
        %dma_start3A_21 = arith.constant 0 : i32
        %dma_start3A_22 = tpu.memref_slice %arg3[%arg0, %add3A, %dma_start3A_21] : memref<2x2560x128xi32, #tpu.memory_space<hbm>> -> memref<1x1x128xi32, #tpu.memory_space<hbm>>
        %dma_start3A_23 = tpu.memref_squeeze %dma_start3A_22 : memref<1x1x128xi32, #tpu.memory_space<hbm>> -> memref<128xi32, #tpu.memory_space<hbm>>
        tpu.enqueue_dma source(%dma_start3A_23 : memref<128xi32, #tpu.memory_space<hbm>>) target(%arg7 : memref<128xi32, #tpu.memory_space<vmem>>) target_semaphore(%run_scoped3A : memref<!tpu.dma_semaphore, #tpu.memory_space<semaphore_mem>>)
        %dma_wait3A_24 = arith.constant 0 : i32
        %dma_wait3A_25 = tpu.memref_slice %arg3[%arg0, %add3A, %dma_wait3A_24] : memref<2x2560x128xi32, #tpu.memory_space<hbm>> -> memref<1x1x128xi32, #tpu.memory_space<hbm>>
        %dma_wait3A_26 = tpu.memref_squeeze %dma_wait3A_25 : memref<1x1x128xi32, #tpu.memory_space<hbm>> -> memref<128xi32, #tpu.memory_space<hbm>>
        %dma_wait3A_27 = arith.constant 0 : i32
        %dma_wait3A_28 = tpu.memref_slice %arg3[%arg0, %add3A, %dma_wait3A_27] : memref<2x2560x128xi32, #tpu.memory_space<hbm>> -> memref<1x1x128xi32, #tpu.memory_space<hbm>>
        %dma_wait3A_29 = tpu.memref_squeeze %dma_wait3A_28 : memref<1x1x128xi32, #tpu.memory_space<hbm>> -> memref<128xi32, #tpu.memory_space<hbm>>
        tpu.wait_dma2 semaphore(%run_scoped3A : memref<!tpu.dma_semaphore, #tpu.memory_space<semaphore_mem>>) src(%dma_wait3A_29 : memref<128xi32, #tpu.memory_space<hbm>>) dst(%arg7 : memref<128xi32, #tpu.memory_space<vmem>>)
        tpu.yield
      }) : () -> ()
      "tpu.region"() ({
        %run_scoped3A = tpu.sem_alloc : memref<!tpu.dma_semaphore, #tpu.memory_space<semaphore_mem>>
        %dma_start3A_18 = arith.constant 0 : i32
        %dma_start3A_19 = tpu.memref_slice %arg4[%add3A, %dma_start3A_18] : memref<2560x128xi32, #tpu.memory_space<hbm>> -> memref<1x128xi32, #tpu.memory_space<hbm>>
        %dma_start3A_20 = tpu.memref_squeeze %dma_start3A_19 : memref<1x128xi32, #tpu.memory_space<hbm>> -> memref<128xi32, #tpu.memory_space<hbm>>
        %dma_start3A_21 = arith.constant 0 : i32
        %dma_start3A_22 = tpu.memref_slice %arg4[%add3A, %dma_start3A_21] : memref<2560x128xi32, #tpu.memory_space<hbm>> -> memref<1x128xi32, #tpu.memory_space<hbm>>
        %dma_start3A_23 = tpu.memref_squeeze %dma_start3A_22 : memref<1x128xi32, #tpu.memory_space<hbm>> -> memref<128xi32, #tpu.memory_space<hbm>>
        tpu.enqueue_dma source(%dma_start3A_23 : memref<128xi32, #tpu.memory_space<hbm>>) target(%arg8 : memref<128xi32, #tpu.memory_space<vmem>>) target_semaphore(%run_scoped3A : memref<!tpu.dma_semaphore, #tpu.memory_space<semaphore_mem>>)
        %dma_wait3A_24 = arith.constant 0 : i32
        %dma_wait3A_25 = tpu.memref_slice %arg4[%add3A, %dma_wait3A_24] : memref<2560x128xi32, #tpu.memory_space<hbm>> -> memref<1x128xi32, #tpu.memory_space<hbm>>
        %dma_wait3A_26 = tpu.memref_squeeze %dma_wait3A_25 : memref<1x128xi32, #tpu.memory_space<hbm>> -> memref<128xi32, #tpu.memory_space<hbm>>
        %dma_wait3A_27 = arith.constant 0 : i32
        %dma_wait3A_28 = tpu.memref_slice %arg4[%add3A, %dma_wait3A_27] : memref<2560x128xi32, #tpu.memory_space<hbm>> -> memref<1x128xi32, #tpu.memory_space<hbm>>
        %dma_wait3A_29 = tpu.memref_squeeze %dma_wait3A_28 : memref<1x128xi32, #tpu.memory_space<hbm>> -> memref<128xi32, #tpu.memory_space<hbm>>
        tpu.wait_dma2 semaphore(%run_scoped3A : memref<!tpu.dma_semaphore, #tpu.memory_space<semaphore_mem>>) src(%dma_wait3A_29 : memref<128xi32, #tpu.memory_space<hbm>>) dst(%arg8 : memref<128xi32, #tpu.memory_space<vmem>>)
        tpu.yield
      }) : () -> ()
      %dma_start3A = arith.constant 0 : i32
      %dma_start3A_14 = arith.constant 0 : i32
      %dma_start3A_15 = tpu.memref_slice %arg2[%dma_start3A, %dma_start3A_14] : memref<20000x128xf32, #tpu.memory_space<hbm>> -> memref<20000x128xf32, #tpu.memory_space<hbm>>
      tpu.enqueue_indirect_dma source(%dma_start3A_15 : memref<20000x128xf32, #tpu.memory_space<hbm>>) target(%arg9 : memref<128x128xf32, #tpu.memory_space<vmem>>) offsets(%arg7 : memref<128xi32, #tpu.memory_space<vmem>>) semaphore(%arg11 : memref<!tpu.dma_semaphore, #tpu.memory_space<semaphore_mem>>)
      %dma_wait3A = arith.constant 0 : i32
      %dma_wait3A_16 = arith.constant 0 : i32
      %dma_wait3A_17 = tpu.memref_slice %arg2[%dma_wait3A, %dma_wait3A_16] : memref<20000x128xf32, #tpu.memory_space<hbm>> -> memref<20000x128xf32, #tpu.memory_space<hbm>>
      tpu.wait_indirect_dma semaphore(%arg11 : memref<!tpu.dma_semaphore, #tpu.memory_space<semaphore_mem>>) src(%dma_wait3A_17 : memref<20000x128xf32, #tpu.memory_space<hbm>>) dst(%arg9 : memref<128x128xf32, #tpu.memory_space<vmem>>)
      "tpu.region"() ({
        %run_scoped3A = tpu.sem_alloc : memref<!tpu.dma_semaphore, #tpu.memory_space<semaphore_mem>>
        %dma_start3A_18 = arith.constant 0 : i32
        %dma_start3A_19 = arith.constant 0 : i32
        %dma_start3A_20 = tpu.memref_slice %arg10[%dma_start3A_18, %dma_start3A_19] : memref<10112x128xf32, #tpu.memory_space<vmem_shared>> -> memref<10112x128xf32, #tpu.memory_space<vmem_shared>>
        tpu.enqueue_indirect_dma source(%arg9 : memref<128x128xf32, #tpu.memory_space<vmem>>) target(%dma_start3A_20 : memref<10112x128xf32, #tpu.memory_space<vmem_shared>>) offsets(%arg8 : memref<128xi32, #tpu.memory_space<vmem>>) semaphore(%run_scoped3A : memref<!tpu.dma_semaphore, #tpu.memory_space<semaphore_mem>>) {add = true}
        %dma_wait3A_21 = arith.constant 0 : i32
        %dma_wait3A_22 = arith.constant 0 : i32
        %dma_wait3A_23 = tpu.memref_slice %arg10[%dma_wait3A_21, %dma_wait3A_22] : memref<10112x128xf32, #tpu.memory_space<vmem_shared>> -> memref<10112x128xf32, #tpu.memory_space<vmem_shared>>
        tpu.wait_indirect_dma semaphore(%run_scoped3A : memref<!tpu.dma_semaphore, #tpu.memory_space<semaphore_mem>>) src(%arg9 : memref<128x128xf32, #tpu.memory_space<vmem>>) dst(%dma_wait3A_23 : memref<10112x128xf32, #tpu.memory_space<vmem_shared>>)
        tpu.yield
      }) : () -> ()
    }
    %scan3A_5 = arith.constant 160 : i32
    %barrier3A_6 = arith.constant 0 : index
    tpu.barrier barrier_id(%barrier3A_6)
    %mul3A_7 = arith.constant 632 : i32
    %mul3A_8 = arith.muli %arg1, %mul3A_7 : i32
    %mul3A_9 = arith.constant 632 : i32
    %mul3A_10 = arith.muli %arg1, %mul3A_9 : i32
    "tpu.region"() ({
      %run_scoped3A = tpu.sem_alloc : memref<!tpu.dma_semaphore, #tpu.memory_space<semaphore_mem>>
      %dma_start3A = arith.constant 0 : i32
      %dma_start3A_11 = tpu.memref_slice %arg6[%arg0, %mul3A_10, %dma_start3A] : memref<2x10112x128xf32, #tpu.memory_space<hbm>> -> memref<1x632x128xf32, #tpu.memory_space<hbm>>
      %dma_start3A_12 = tpu.memref_squeeze %dma_start3A_11 : memref<1x632x128xf32, #tpu.memory_space<hbm>> -> memref<632x128xf32, #tpu.memory_space<hbm>>
      %dma_start3A_13 = arith.constant 0 : i32
      %dma_start3A_14 = tpu.memref_slice %arg10[%mul3A_8, %dma_start3A_13] : memref<10112x128xf32, #tpu.memory_space<vmem_shared>> -> memref<632x128xf32, #tpu.memory_space<vmem_shared>>
      tpu.enqueue_dma source(%dma_start3A_14 : memref<632x128xf32, #tpu.memory_space<vmem_shared>>) target(%dma_start3A_12 : memref<632x128xf32, #tpu.memory_space<hbm>>) target_semaphore(%run_scoped3A : memref<!tpu.dma_semaphore, #tpu.memory_space<semaphore_mem>>)
      %dma_wait3A = arith.constant 0 : i32
      %dma_wait3A_15 = tpu.memref_slice %arg6[%arg0, %mul3A_10, %dma_wait3A] : memref<2x10112x128xf32, #tpu.memory_space<hbm>> -> memref<1x632x128xf32, #tpu.memory_space<hbm>>
      %dma_wait3A_16 = tpu.memref_squeeze %dma_wait3A_15 : memref<1x632x128xf32, #tpu.memory_space<hbm>> -> memref<632x128xf32, #tpu.memory_space<hbm>>
      %dma_wait3A_17 = arith.constant 0 : i32
      %dma_wait3A_18 = tpu.memref_slice %arg10[%mul3A_8, %dma_wait3A_17] : memref<10112x128xf32, #tpu.memory_space<vmem_shared>> -> memref<632x128xf32, #tpu.memory_space<vmem_shared>>
      tpu.wait_dma2 semaphore(%run_scoped3A : memref<!tpu.dma_semaphore, #tpu.memory_space<semaphore_mem>>) src(%dma_wait3A_18 : memref<632x128xf32, #tpu.memory_space<vmem_shared>>) dst(%dma_wait3A_16 : memref<632x128xf32, #tpu.memory_space<hbm>>)
      tpu.yield
    }) : () -> ()
    return
  }
}

#map = affine_map<(d0, d1) -> (0, 0)>
#map1 = affine_map<(d0, d1) -> (0, 0, 0)>
module attributes {stable_mosaic.version = 14 : i64} {
  func.func @k(%arg0: i32, %arg1: i32, %arg2: memref<20000x128xf32, #tpu.memory_space<hbm>>, %arg3: memref<2x2560x128xi32, #tpu.memory_space<hbm>>, %arg4: memref<2560x128xi32, #tpu.memory_space<hbm>>, %arg5: memref<632x128xf32, #tpu.memory_space<hbm>>, %arg6: memref<2x10112x128xf32, #tpu.memory_space<hbm>>, %arg7: memref<128xi32, #tpu.memory_space<vmem>>, %arg8: memref<128xi32, #tpu.memory_space<vmem>>, %arg9: memref<128x128xf32, #tpu.memory_space<vmem>>, %arg10: memref<10112x128xf32, #tpu.memory_space<vmem_shared>>, %arg11: memref<!tpu.dma_semaphore, #tpu.memory_space<semaphore_mem>>) attributes {dimension_semantics = [#tpu.dimension_semantics<core_parallel>, #tpu.dimension_semantics<subcore_parallel>], iteration_bounds = array<i64: 2, 16>, scalar_prefetch = 0 : i64, scratch_operands = 5 : i64, tpu.core_type = #tpu.core_type<sc_vector_subcore>, window_params = [{transform_indices = #map}, {transform_indices = #map1}, {transform_indices = #map}, {transform_indices = #map}, {transform_indices = #map1}]} {
    %mul3A = arith.constant 632 : i32
    %mul3A_0 = arith.muli %arg1, %mul3A : i32
    "tpu.region"() ({
      %run_scoped3A = tpu.sem_alloc : memref<!tpu.dma_semaphore, #tpu.memory_space<semaphore_mem>>
      %dma_start3A = arith.constant 0 : i32
      %dma_start3A_11 = tpu.memref_slice %arg10[%mul3A_0, %dma_start3A] : memref<10112x128xf32, #tpu.memory_space<vmem_shared>> -> memref<632x128xf32, #tpu.memory_space<vmem_shared>>
      tpu.enqueue_dma source(%arg5 : memref<632x128xf32, #tpu.memory_space<hbm>>) target(%dma_start3A_11 : memref<632x128xf32, #tpu.memory_space<vmem_shared>>) target_semaphore(%run_scoped3A : memref<!tpu.dma_semaphore, #tpu.memory_space<semaphore_mem>>)
      %dma_wait3A = arith.constant 0 : i32
      %dma_wait3A_12 = tpu.memref_slice %arg10[%mul3A_0, %dma_wait3A] : memref<10112x128xf32, #tpu.memory_space<vmem_shared>> -> memref<632x128xf32, #tpu.memory_space<vmem_shared>>
      tpu.wait_dma2 semaphore(%run_scoped3A : memref<!tpu.dma_semaphore, #tpu.memory_space<semaphore_mem>>) src(%arg5 : memref<632x128xf32, #tpu.memory_space<hbm>>) dst(%dma_wait3A_12 : memref<632x128xf32, #tpu.memory_space<vmem_shared>>)
      tpu.yield
    }) : () -> ()
    %barrier3A = arith.constant 0 : index
    tpu.barrier barrier_id(%barrier3A)
    %scan3A = arith.constant 0 : i32
    %scan3A_1 = arith.constant 0 : i32
    %scan3A_2 = arith.constant 160 : i32
    %scan3A_3 = arith.addi %scan3A_1, %scan3A_2 : i32
    %scan3A_4 = arith.constant 1 : i32
    scf.for %scan3A_11 = %scan3A_1 to %scan3A_3 step %scan3A_4  : i32 {
      %mul3A_12 = arith.constant 16 : i32
      %mul3A_13 = arith.muli %scan3A_11, %mul3A_12 : i32
      %add3A = arith.addi %arg1, %mul3A_13 : i32
      "tpu.region"() ({
        %run_scoped3A = tpu.sem_alloc : memref<!tpu.dma_semaphore, #tpu.memory_space<semaphore_mem>>
        %dma_start3A_18 = arith.constant 0 : i32
        %dma_start3A_19 = tpu.memref_slice %arg3[%arg0, %add3A, %dma_start3A_18] : memref<2x2560x128xi32, #tpu.memory_space<hbm>> -> memref<1x1x128xi32, #tpu.memory_space<hbm>>
        %dma_start3A_20 = tpu.memref_squeeze %dma_start3A_19 : memref<1x1x128xi32, #tpu.memory_space<hbm>> -> memref<128xi32, #tpu.memory_space<hbm>>
        %dma_start3A_21 = arith.constant 0 : i32
        %dma_start3A_22 = tpu.memref_slice %arg3[%arg0, %add3A, %dma_start3A_21] : memref<2x2560x128xi32, #tpu.memory_space<hbm>> -> memref<1x1x128xi32, #tpu.memory_space<hbm>>
        %dma_start3A_23 = tpu.memref_squeeze %dma_start3A_22 : memref<1x1x128xi32, #tpu.memory_space<hbm>> -> memref<128xi32, #tpu.memory_space<hbm>>
        tpu.enqueue_dma source(%dma_start3A_23 : memref<128xi32, #tpu.memory_space<hbm>>) target(%arg7 : memref<128xi32, #tpu.memory_space<vmem>>) target_semaphore(%run_scoped3A : memref<!tpu.dma_semaphore, #tpu.memory_space<semaphore_mem>>)
        %dma_wait3A_24 = arith.constant 0 : i32
        %dma_wait3A_25 = tpu.memref_slice %arg3[%arg0, %add3A, %dma_wait3A_24] : memref<2x2560x128xi32, #tpu.memory_space<hbm>> -> memref<1x1x128xi32, #tpu.memory_space<hbm>>
        %dma_wait3A_26 = tpu.memref_squeeze %dma_wait3A_25 : memref<1x1x128xi32, #tpu.memory_space<hbm>> -> memref<128xi32, #tpu.memory_space<hbm>>
        %dma_wait3A_27 = arith.constant 0 : i32
        %dma_wait3A_28 = tpu.memref_slice %arg3[%arg0, %add3A, %dma_wait3A_27] : memref<2x2560x128xi32, #tpu.memory_space<hbm>> -> memref<1x1x128xi32, #tpu.memory_space<hbm>>
        %dma_wait3A_29 = tpu.memref_squeeze %dma_wait3A_28 : memref<1x1x128xi32, #tpu.memory_space<hbm>> -> memref<128xi32, #tpu.memory_space<hbm>>
        tpu.wait_dma2 semaphore(%run_scoped3A : memref<!tpu.dma_semaphore, #tpu.memory_space<semaphore_mem>>) src(%dma_wait3A_29 : memref<128xi32, #tpu.memory_space<hbm>>) dst(%arg7 : memref<128xi32, #tpu.memory_space<vmem>>)
        tpu.yield
      }) : () -> ()
      "tpu.region"() ({
        %run_scoped3A = tpu.sem_alloc : memref<!tpu.dma_semaphore, #tpu.memory_space<semaphore_mem>>
        %dma_start3A_18 = arith.constant 0 : i32
        %dma_start3A_19 = tpu.memref_slice %arg4[%add3A, %dma_start3A_18] : memref<2560x128xi32, #tpu.memory_space<hbm>> -> memref<1x128xi32, #tpu.memory_space<hbm>>
        %dma_start3A_20 = tpu.memref_squeeze %dma_start3A_19 : memref<1x128xi32, #tpu.memory_space<hbm>> -> memref<128xi32, #tpu.memory_space<hbm>>
        %dma_start3A_21 = arith.constant 0 : i32
        %dma_start3A_22 = tpu.memref_slice %arg4[%add3A, %dma_start3A_21] : memref<2560x128xi32, #tpu.memory_space<hbm>> -> memref<1x128xi32, #tpu.memory_space<hbm>>
        %dma_start3A_23 = tpu.memref_squeeze %dma_start3A_22 : memref<1x128xi32, #tpu.memory_space<hbm>> -> memref<128xi32, #tpu.memory_space<hbm>>
        tpu.enqueue_dma source(%dma_start3A_23 : memref<128xi32, #tpu.memory_space<hbm>>) target(%arg8 : memref<128xi32, #tpu.memory_space<vmem>>) target_semaphore(%run_scoped3A : memref<!tpu.dma_semaphore, #tpu.memory_space<semaphore_mem>>)
        %dma_wait3A_24 = arith.constant 0 : i32
        %dma_wait3A_25 = tpu.memref_slice %arg4[%add3A, %dma_wait3A_24] : memref<2560x128xi32, #tpu.memory_space<hbm>> -> memref<1x128xi32, #tpu.memory_space<hbm>>
        %dma_wait3A_26 = tpu.memref_squeeze %dma_wait3A_25 : memref<1x128xi32, #tpu.memory_space<hbm>> -> memref<128xi32, #tpu.memory_space<hbm>>
        %dma_wait3A_27 = arith.constant 0 : i32
        %dma_wait3A_28 = tpu.memref_slice %arg4[%add3A, %dma_wait3A_27] : memref<2560x128xi32, #tpu.memory_space<hbm>> -> memref<1x128xi32, #tpu.memory_space<hbm>>
        %dma_wait3A_29 = tpu.memref_squeeze %dma_wait3A_28 : memref<1x128xi32, #tpu.memory_space<hbm>> -> memref<128xi32, #tpu.memory_space<hbm>>
        tpu.wait_dma2 semaphore(%run_scoped3A : memref<!tpu.dma_semaphore, #tpu.memory_space<semaphore_mem>>) src(%dma_wait3A_29 : memref<128xi32, #tpu.memory_space<hbm>>) dst(%arg8 : memref<128xi32, #tpu.memory_space<vmem>>)
        tpu.yield
      }) : () -> ()
      %dma_start3A = arith.constant 0 : i32
      %dma_start3A_14 = arith.constant 0 : i32
      %dma_start3A_15 = tpu.memref_slice %arg2[%dma_start3A, %dma_start3A_14] : memref<20000x128xf32, #tpu.memory_space<hbm>> -> memref<20000x128xf32, #tpu.memory_space<hbm>>
      tpu.enqueue_indirect_dma source(%dma_start3A_15 : memref<20000x128xf32, #tpu.memory_space<hbm>>) target(%arg9 : memref<128x128xf32, #tpu.memory_space<vmem>>) offsets(%arg7 : memref<128xi32, #tpu.memory_space<vmem>>) semaphore(%arg11 : memref<!tpu.dma_semaphore, #tpu.memory_space<semaphore_mem>>)
      %dma_wait3A = arith.constant 0 : i32
      %dma_wait3A_16 = arith.constant 0 : i32
      %dma_wait3A_17 = tpu.memref_slice %arg2[%dma_wait3A, %dma_wait3A_16] : memref<20000x128xf32, #tpu.memory_space<hbm>> -> memref<20000x128xf32, #tpu.memory_space<hbm>>
      tpu.wait_indirect_dma semaphore(%arg11 : memref<!tpu.dma_semaphore, #tpu.memory_space<semaphore_mem>>) src(%dma_wait3A_17 : memref<20000x128xf32, #tpu.memory_space<hbm>>) dst(%arg9 : memref<128x128xf32, #tpu.memory_space<vmem>>)
      "tpu.region"() ({
        %run_scoped3A = tpu.sem_alloc : memref<!tpu.dma_semaphore, #tpu.memory_space<semaphore_mem>>
        %dma_start3A_18 = arith.constant 0 : i32
        %dma_start3A_19 = arith.constant 0 : i32
        %dma_start3A_20 = tpu.memref_slice %arg10[%dma_start3A_18, %dma_start3A_19] : memref<10112x128xf32, #tpu.memory_space<vmem_shared>> -> memref<10112x128xf32, #tpu.memory_space<vmem_shared>>
        tpu.enqueue_indirect_dma source(%arg9 : memref<128x128xf32, #tpu.memory_space<vmem>>) target(%dma_start3A_20 : memref<10112x128xf32, #tpu.memory_space<vmem_shared>>) offsets(%arg8 : memref<128xi32, #tpu.memory_space<vmem>>) semaphore(%run_scoped3A : memref<!tpu.dma_semaphore, #tpu.memory_space<semaphore_mem>>) {add = true}
        %dma_wait3A_21 = arith.constant 0 : i32
        %dma_wait3A_22 = arith.constant 0 : i32
        %dma_wait3A_23 = tpu.memref_slice %arg10[%dma_wait3A_21, %dma_wait3A_22] : memref<10112x128xf32, #tpu.memory_space<vmem_shared>> -> memref<10112x128xf32, #tpu.memory_space<vmem_shared>>
        tpu.wait_indirect_dma semaphore(%run_scoped3A : memref<!tpu.dma_semaphore, #tpu.memory_space<semaphore_mem>>) src(%arg9 : memref<128x128xf32, #tpu.memory_space<vmem>>) dst(%dma_wait3A_23 : memref<10112x128xf32, #tpu.memory_space<vmem_shared>>)
        tpu.yield
      }) : () -> ()
    }
    %scan3A_5 = arith.constant 160 : i32
    %barrier3A_6 = arith.constant 0 : index
    tpu.barrier barrier_id(%barrier3A_6)
    %mul3A_7 = arith.constant 632 : i32
    %mul3A_8 = arith.muli %arg1, %mul3A_7 : i32
    %mul3A_9 = arith.constant 632 : i32
    %mul3A_10 = arith.muli %arg1, %mul3A_9 : i32
    "tpu.region"() ({
      %run_scoped3A = tpu.sem_alloc : memref<!tpu.dma_semaphore, #tpu.memory_space<semaphore_mem>>
      %dma_start3A = arith.constant 0 : i32
      %dma_start3A_11 = tpu.memref_slice %arg6[%arg0, %mul3A_10, %dma_start3A] : memref<2x10112x128xf32, #tpu.memory_space<hbm>> -> memref<1x632x128xf32, #tpu.memory_space<hbm>>
      %dma_start3A_12 = tpu.memref_squeeze %dma_start3A_11 : memref<1x632x128xf32, #tpu.memory_space<hbm>> -> memref<632x128xf32, #tpu.memory_space<hbm>>
      %dma_start3A_13 = arith.constant 0 : i32
      %dma_start3A_14 = tpu.memref_slice %arg10[%mul3A_8, %dma_start3A_13] : memref<10112x128xf32, #tpu.memory_space<vmem_shared>> -> memref<632x128xf32, #tpu.memory_space<vmem_shared>>
      tpu.enqueue_dma source(%dma_start3A_14 : memref<632x128xf32, #tpu.memory_space<vmem_shared>>) target(%dma_start3A_12 : memref<632x128xf32, #tpu.memory_space<hbm>>) target_semaphore(%run_scoped3A : memref<!tpu.dma_semaphore, #tpu.memory_space<semaphore_mem>>)
      %dma_wait3A = arith.constant 0 : i32
      %dma_wait3A_15 = tpu.memref_slice %arg6[%arg0, %mul3A_10, %dma_wait3A] : memref<2x10112x128xf32, #tpu.memory_space<hbm>> -> memref<1x632x128xf32, #tpu.memory_space<hbm>>
      %dma_wait3A_16 = tpu.memref_squeeze %dma_wait3A_15 : memref<1x632x128xf32, #tpu.memory_space<hbm>> -> memref<632x128xf32, #tpu.memory_space<hbm>>
      %dma_wait3A_17 = arith.constant 0 : i32
      %dma_wait3A_18 = tpu.memref_slice %arg10[%mul3A_8, %dma_wait3A_17] : memref<10112x128xf32, #tpu.memory_space<vmem_shared>> -> memref<632x128xf32, #tpu.memory_space<vmem_shared>>
      tpu.wait_dma2 semaphore(%run_scoped3A : memref<!tpu.dma_semaphore, #tpu.memory_space<semaphore_mem>>) src(%dma_wait3A_18 : memref<632x128xf32, #tpu.memory_space<vmem_shared>>) dst(%dma_wait3A_16 : memref<632x128xf32, #tpu.memory_space<hbm>>)
      tpu.yield
    }) : () -> ()
    return
  }
}

module attributes {stable_mosaic.version = 14 : i64} {
  func.func @body(%arg0: i32, %arg1: memref<1000x128xf32, #tpu.memory_space<vmem>>, %arg2: memref<1000x128xf32, #tpu.memory_space<vmem>>, %arg3: memref<128x256xf32, #tpu.memory_space<vmem>>, %arg4: memref<1x256xf32, #tpu.memory_space<vmem>>, %arg5: memref<1000x128xf32, #tpu.memory_space<vmem>>, %arg6: memref<2x1000x128xf32, #tpu.memory_space<vmem>>) attributes {dimension_semantics = [#tpu.dimension_semantics<arbitrary>], iteration_bounds = array<i64: 10>, scalar_prefetch = 0 : i64, scratch_operands = 0 : i64, tpu.core_type = #tpu.core_type<tc>, window_params = [{transform_indices = @transform_0, window_bounds = array<i64: 1000, 128>}, {transform_indices = @transform_1, window_bounds = array<i64: 1000, 128>}, {pipeline_mode = #tpu.pipeline_mode<synchronous>, transform_indices = @transform_2, window_bounds = array<i64: 128, 256>}, {pipeline_mode = #tpu.pipeline_mode<synchronous>, transform_indices = @transform_3, window_bounds = array<i64: 1, 256>}, {transform_indices = @transform_4, window_bounds = array<i64: 1000, 128>}, {transform_indices = @transform_5, window_bounds = array<i64: 2, 1000, 128>}]} {
    %get3A = arith.constant 0 : index
    %get3A_0 = arith.constant 0 : index
    %get3A_1 = vector.load %arg2[%get3A, %get3A_0] : memref<1000x128xf32, #tpu.memory_space<vmem>>, vector<1000x1xf32>
    %add3A = arith.constant 1.000000e+00 : f32
    %add3A_2 = vector.broadcast %add3A : f32 to vector<1000x1xf32>
    %add3A_3 = arith.addf %get3A_1, %add3A_2 : vector<1000x1xf32>
    %rsqrt3A = math.rsqrt %add3A_3 : vector<1000x1xf32>
    %broadcast_in_dim3A = vector.shape_cast %rsqrt3A : vector<1000x1xf32> to vector<1000x1xf32>
    %broadcast_in_dim3A_4 = vector.broadcast %broadcast_in_dim3A : vector<1000x1xf32> to vector<1000x128xf32>
    %swap3A = arith.constant 0 : index
    %swap3A_5 = arith.constant 0 : index
    %swap3A_6 = vector.load %arg5[%swap3A, %swap3A_5] : memref<1000x128xf32, #tpu.memory_space<vmem>>, vector<1000x128xf32>
    tpu.vector_store %arg5[%swap3A, %swap3A_5], %broadcast_in_dim3A_4 {strides = array<i32>} : memref<1000x128xf32, #tpu.memory_space<vmem>>, vector<1000x128xf32>,
    %get3A_7 = arith.constant 0 : index
    %get3A_8 = arith.constant 0 : index
    %get3A_9 = vector.load %arg1[%get3A_7, %get3A_8] : memref<1000x128xf32, #tpu.memory_space<vmem>>, vector<1000x128xf32>
    %get3A_10 = arith.constant 0 : index
    %get3A_11 = arith.constant 0 : index
    %get3A_12 = vector.load %arg3[%get3A_10, %get3A_11] : memref<128x256xf32, #tpu.memory_space<vmem>>, vector<128x256xf32>
    %dot_general3A = arith.constant dense<0.000000e+00> : vector<1000x256xf32>
    %dot_general3A_13 = tpu.matmul %get3A_9, %get3A_12, %dot_general3A {dimension_numbers = #tpu.dot_dimension_numbers<[1], [0], [0], [1], [0, 0, 1, 1], [], []>, transpose_lhs_hint = false} : vector<1000x128xf32>, vector<128x256xf32>, vector<1000x256xf32> -> vector<1000x256xf32>
    %get3A_14 = arith.constant 0 : index
    %get3A_15 = arith.constant 0 : index
    %get3A_16 = vector.load %arg4[%get3A_14, %get3A_15] : memref<1x256xf32, #tpu.memory_space<vmem>>, vector<1x256xf32>
    %add3A_17 = vector.broadcast %get3A_16 : vector<1x256xf32> to vector<1000x256xf32>
    %add3A_18 = arith.addf %dot_general3A_13, %add3A_17 : vector<1000x256xf32>
    %mul3A = vector.broadcast %rsqrt3A : vector<1000x1xf32> to vector<1000x256xf32>
    %mul3A_19 = arith.mulf %add3A_18, %mul3A : vector<1000x256xf32>
    %slice3A = vector.extract_strided_slice %mul3A_19 {offsets = [0, 0], sizes = [1000, 128], strides = [1, 1]} : vector<1000x256xf32> to vector<1000x128xf32>
    %swap3A_20 = arith.constant 0 : index
    %swap3A_21 = arith.constant 0 : index
    %swap3A_22 = arith.constant 0 : index
    %swap3A_23 = vector.load %arg6[%swap3A_20, %swap3A_21, %swap3A_22] : memref<2x1000x128xf32, #tpu.memory_space<vmem>>, vector<1x1000x128xf32>
    %swap3A_24 = vector.shape_cast %swap3A_23 : vector<1x1000x128xf32> to vector<1000x128xf32>
    %swap3A_25 = vector.shape_cast %slice3A : vector<1000x128xf32> to vector<1x1000x128xf32>
    tpu.vector_store %arg6[%swap3A_20, %swap3A_21, %swap3A_22], %swap3A_25 {strides = array<i32>} : memref<2x1000x128xf32, #tpu.memory_space<vmem>>, vector<1x1000x128xf32>,
    %slice3A_26 = vector.extract_strided_slice %mul3A_19 {offsets = [0, 128], sizes = [1000, 128], strides = [1, 1]} : vector<1000x256xf32> to vector<1000x128xf32>
    %swap3A_27 = arith.constant 1 : index
    %swap3A_28 = arith.constant 0 : index
    %swap3A_29 = arith.constant 0 : index
    %swap3A_30 = vector.load %arg6[%swap3A_27, %swap3A_28, %swap3A_29] : memref<2x1000x128xf32, #tpu.memory_space<vmem>>, vector<1x1000x128xf32>
    %swap3A_31 = vector.shape_cast %swap3A_30 : vector<1x1000x128xf32> to vector<1000x128xf32>
    %swap3A_32 = vector.shape_cast %slice3A_26 : vector<1000x128xf32> to vector<1x1000x128xf32>
    tpu.vector_store %arg6[%swap3A_27, %swap3A_28, %swap3A_29], %swap3A_32 {strides = array<i32>} : memref<2x1000x128xf32, #tpu.memory_space<vmem>>, vector<1x1000x128xf32>,
    return
  }
  func.func @transform_0(%arg0: i32) -> (i32, i32) {
    %c0_i32 = arith.constant 0 : i32
    %c0_i32_0 = arith.constant 0 : i32
    return %arg0, %c0_i32 : i32, i32
  }
  func.func @transform_1(%arg0: i32) -> (i32, i32) {
    %c0_i32 = arith.constant 0 : i32
    %c0_i32_0 = arith.constant 0 : i32
    return %arg0, %c0_i32 : i32, i32
  }
  func.func @transform_2(%arg0: i32) -> (i32, i32) {
    %c0_i32 = arith.constant 0 : i32
    %c0_i32_0 = arith.constant 0 : i32
    %c0_i32_1 = arith.constant 0 : i32
    return %c0_i32, %c0_i32_0 : i32, i32
  }
  func.func @transform_3(%arg0: i32) -> (i32, i32) {
    %c0_i32 = arith.constant 0 : i32
    %c0_i32_0 = arith.constant 0 : i32
    %c0_i32_1 = arith.constant 0 : i32
    return %c0_i32, %c0_i32_0 : i32, i32
  }
  func.func @transform_4(%arg0: i32) -> (i32, i32) {
    %c0_i32 = arith.constant 0 : i32
    %c0_i32_0 = arith.constant 0 : i32
    return %arg0, %c0_i32 : i32, i32
  }
  func.func @transform_5(%arg0: i32) -> (i32, i32, i32) {
    %c0_i32 = arith.constant 0 : i32
    %c0_i32_0 = arith.constant 0 : i32
    %c0_i32_1 = arith.constant 0 : i32
    return %c0_i32, %arg0, %c0_i32_0 : i32, i32, i32
  }
}

module attributes {stable_mosaic.version = 14 : i64} {
  func.func @body(%arg0: i32, %arg1: memref<2x1000x128xf32, #tpu.memory_space<vmem>>, %arg2: memref<2x1000x128xf32, #tpu.memory_space<vmem>>, %arg3: memref<1000x128xf32, #tpu.memory_space<vmem>>, %arg4: memref<256x256xf32, #tpu.memory_space<vmem>>, %arg5: memref<1x256xf32, #tpu.memory_space<vmem>>, %arg6: memref<2x1000x128xf32, #tpu.memory_space<vmem>>) attributes {dimension_semantics = [#tpu.dimension_semantics<arbitrary>], iteration_bounds = array<i64: 10>, scalar_prefetch = 0 : i64, scratch_operands = 0 : i64, tpu.core_type = #tpu.core_type<tc>, window_params = [{transform_indices = @transform_0, window_bounds = array<i64: 2, 1000, 128>}, {transform_indices = @transform_1, window_bounds = array<i64: 2, 1000, 128>}, {transform_indices = @transform_2, window_bounds = array<i64: 1000, 128>}, {pipeline_mode = #tpu.pipeline_mode<synchronous>, transform_indices = @transform_3, window_bounds = array<i64: 256, 256>}, {pipeline_mode = #tpu.pipeline_mode<synchronous>, transform_indices = @transform_4, window_bounds = array<i64: 1, 256>}, {transform_indices = @transform_5, window_bounds = array<i64: 2, 1000, 128>}]} {
    %get3A = arith.constant 0 : index
    %get3A_0 = arith.constant 0 : index
    %get3A_1 = vector.load %arg3[%get3A, %get3A_0] : memref<1000x128xf32, #tpu.memory_space<vmem>>, vector<1000x128xf32>
    %get3A_2 = arith.constant 0 : index
    %get3A_3 = arith.constant 0 : index
    %get3A_4 = arith.constant 0 : index
    %get3A_5 = vector.load %arg1[%get3A_2, %get3A_3, %get3A_4] : memref<2x1000x128xf32, #tpu.memory_space<vmem>>, vector<1x1000x128xf32>
    %get3A_6 = vector.shape_cast %get3A_5 : vector<1x1000x128xf32> to vector<1000x128xf32>
    %get3A_7 = arith.constant 0 : index
    %get3A_8 = arith.constant 0 : index
    %get3A_9 = arith.constant 0 : index
    %get3A_10 = vector.load %arg2[%get3A_7, %get3A_8, %get3A_9] : memref<2x1000x128xf32, #tpu.memory_space<vmem>>, vector<1x1000x128xf32>
    %get3A_11 = vector.shape_cast %get3A_10 : vector<1x1000x128xf32> to vector<1000x128xf32>
    %add3A = arith.addf %get3A_6, %get3A_11 : vector<1000x128xf32>
    %mul3A = arith.mulf %add3A, %get3A_1 : vector<1000x128xf32>
    %max3A = arith.constant 0.000000e+00 : f32
    %max3A_12 = vector.broadcast %max3A : f32 to vector<1000x128xf32>
    %max3A_13 = arith.maximumf %mul3A, %max3A_12 : vector<1000x128xf32>
    %get3A_14 = arith.constant 1 : index
    %get3A_15 = arith.constant 0 : index
    %get3A_16 = arith.constant 0 : index
    %get3A_17 = vector.load %arg1[%get3A_14, %get3A_15, %get3A_16] : memref<2x1000x128xf32, #tpu.memory_space<vmem>>, vector<1x1000x128xf32>
    %get3A_18 = vector.shape_cast %get3A_17 : vector<1x1000x128xf32> to vector<1000x128xf32>
    %get3A_19 = arith.constant 1 : index
    %get3A_20 = arith.constant 0 : index
    %get3A_21 = arith.constant 0 : index
    %get3A_22 = vector.load %arg2[%get3A_19, %get3A_20, %get3A_21] : memref<2x1000x128xf32, #tpu.memory_space<vmem>>, vector<1x1000x128xf32>
    %get3A_23 = vector.shape_cast %get3A_22 : vector<1x1000x128xf32> to vector<1000x128xf32>
    %add3A_24 = arith.addf %get3A_18, %get3A_23 : vector<1000x128xf32>
    %mul3A_25 = arith.mulf %add3A_24, %get3A_1 : vector<1000x128xf32>
    %max3A_26 = arith.constant 0.000000e+00 : f32
    %max3A_27 = vector.broadcast %max3A_26 : f32 to vector<1000x128xf32>
    %max3A_28 = arith.maximumf %mul3A_25, %max3A_27 : vector<1000x128xf32>
    %get3A_29 = arith.constant 0 : index
    %get3A_30 = arith.constant 0 : index
    %get3A_31 = vector.load %arg4[%get3A_29, %get3A_30] : memref<256x256xf32, #tpu.memory_space<vmem>>, vector<128x256xf32>
    %dot_general3A = arith.constant dense<0.000000e+00> : vector<1000x256xf32>
    %dot_general3A_32 = tpu.matmul %max3A_13, %get3A_31, %dot_general3A {dimension_numbers = #tpu.dot_dimension_numbers<[1], [0], [0], [1], [0, 0, 1, 1], [], []>, transpose_lhs_hint = false} : vector<1000x128xf32>, vector<128x256xf32>, vector<1000x256xf32> -> vector<1000x256xf32>
    %get3A_33 = arith.constant 128 : index
    %get3A_34 = arith.constant 0 : index
    %get3A_35 = vector.load %arg4[%get3A_33, %get3A_34] : memref<256x256xf32, #tpu.memory_space<vmem>>, vector<128x256xf32>
    %dot_general3A_36 = arith.constant dense<0.000000e+00> : vector<1000x256xf32>
    %dot_general3A_37 = tpu.matmul %max3A_28, %get3A_35, %dot_general3A_36 {dimension_numbers = #tpu.dot_dimension_numbers<[1], [0], [0], [1], [0, 0, 1, 1], [], []>, transpose_lhs_hint = false} : vector<1000x128xf32>, vector<128x256xf32>, vector<1000x256xf32> -> vector<1000x256xf32>
    %add3A_38 = arith.addf %dot_general3A_32, %dot_general3A_37 : vector<1000x256xf32>
    %get3A_39 = arith.constant 0 : index
    %get3A_40 = arith.constant 0 : index
    %get3A_41 = vector.load %arg5[%get3A_39, %get3A_40] : memref<1x256xf32, #tpu.memory_space<vmem>>, vector<1x256xf32>
    %add3A_42 = vector.broadcast %get3A_41 : vector<1x256xf32> to vector<1000x256xf32>
    %add3A_43 = arith.addf %add3A_38, %add3A_42 : vector<1000x256xf32>
    %slice3A = vector.extract_strided_slice %get3A_1 {offsets = [0, 0], sizes = [1000, 1], strides = [1, 1]} : vector<1000x128xf32> to vector<1000x1xf32>
    %mul3A_44 = vector.broadcast %slice3A : vector<1000x1xf32> to vector<1000x256xf32>
    %mul3A_45 = arith.mulf %add3A_43, %mul3A_44 : vector<1000x256xf32>
    %slice3A_46 = vector.extract_strided_slice %mul3A_45 {offsets = [0, 0], sizes = [1000, 128], strides = [1, 1]} : vector<1000x256xf32> to vector<1000x128xf32>
    %swap3A = arith.constant 0 : index
    %swap3A_47 = arith.constant 0 : index
    %swap3A_48 = arith.constant 0 : index
    %swap3A_49 = vector.load %arg6[%swap3A, %swap3A_47, %swap3A_48] : memref<2x1000x128xf32, #tpu.memory_space<vmem>>, vector<1x1000x128xf32>
    %swap3A_50 = vector.shape_cast %swap3A_49 : vector<1x1000x128xf32> to vector<1000x128xf32>
    %swap3A_51 = vector.shape_cast %slice3A_46 : vector<1000x128xf32> to vector<1x1000x128xf32>
    tpu.vector_store %arg6[%swap3A, %swap3A_47, %swap3A_48], %swap3A_51 {strides = array<i32>} : memref<2x1000x128xf32, #tpu.memory_space<vmem>>, vector<1x1000x128xf32>,
    %slice3A_52 = vector.extract_strided_slice %mul3A_45 {offsets = [0, 128], sizes = [1000, 128], strides = [1, 1]} : vector<1000x256xf32> to vector<1000x128xf32>
    %swap3A_53 = arith.constant 1 : index
    %swap3A_54 = arith.constant 0 : index
    %swap3A_55 = arith.constant 0 : index
    %swap3A_56 = vector.load %arg6[%swap3A_53, %swap3A_54, %swap3A_55] : memref<2x1000x128xf32, #tpu.memory_space<vmem>>, vector<1x1000x128xf32>
    %swap3A_57 = vector.shape_cast %swap3A_56 : vector<1x1000x128xf32> to vector<1000x128xf32>
    %swap3A_58 = vector.shape_cast %slice3A_52 : vector<1000x128xf32> to vector<1x1000x128xf32>
    tpu.vector_store %arg6[%swap3A_53, %swap3A_54, %swap3A_55], %swap3A_58 {strides = array<i32>} : memref<2x1000x128xf32, #tpu.memory_space<vmem>>, vector<1x1000x128xf32>,
    return
  }
  func.func @transform_0(%arg0: i32) -> (i32, i32, i32) {
    %c0_i32 = arith.constant 0 : i32
    %c0_i32_0 = arith.constant 0 : i32
    %c0_i32_1 = arith.constant 0 : i32
    return %c0_i32, %arg0, %c0_i32_0 : i32, i32, i32
  }
  func.func @transform_1(%arg0: i32) -> (i32, i32, i32) {
    %c0_i32 = arith.constant 0 : i32
    %c0_i32_0 = arith.constant 0 : i32
    %c0_i32_1 = arith.constant 0 : i32
    return %c0_i32, %arg0, %c0_i32_0 : i32, i32, i32
  }
  func.func @transform_2(%arg0: i32) -> (i32, i32) {
    %c0_i32 = arith.constant 0 : i32
    %c0_i32_0 = arith.constant 0 : i32
    return %arg0, %c0_i32 : i32, i32
  }
  func.func @transform_3(%arg0: i32) -> (i32, i32) {
    %c0_i32 = arith.constant 0 : i32
    %c0_i32_0 = arith.constant 0 : i32
    %c0_i32_1 = arith.constant 0 : i32
    return %c0_i32, %c0_i32_0 : i32, i32
  }
  func.func @transform_4(%arg0: i32) -> (i32, i32) {
    %c0_i32 = arith.constant 0 : i32
    %c0_i32_0 = arith.constant 0 : i32
    %c0_i32_1 = arith.constant 0 : i32
    return %c0_i32, %c0_i32_0 : i32, i32
  }
  func.func @transform_5(%arg0: i32) -> (i32, i32, i32) {
    %c0_i32 = arith.constant 0 : i32
    %c0_i32_0 = arith.constant 0 : i32
    %c0_i32_1 = arith.constant 0 : i32
    return %c0_i32, %arg0, %c0_i32_0 : i32, i32, i32
  }
}

module attributes {stable_mosaic.version = 14 : i64} {
  func.func @body(%arg0: i32, %arg1: memref<2x1000x128xf32, #tpu.memory_space<vmem>>, %arg2: memref<2x1000x128xf32, #tpu.memory_space<vmem>>, %arg3: memref<1000x128xf32, #tpu.memory_space<vmem>>, %arg4: memref<2x1000x128xf32, #tpu.memory_space<vmem>>, %arg5: memref<2x1000x128xf32, #tpu.memory_space<vmem>>, %arg6: memref<1000x128xf32, #tpu.memory_space<vmem>>, %arg7: memref<1x1x1000xi32, #tpu.memory_space<vmem>>, %arg8: memref<1x256xf32, #tpu.memory_space<vmem>>, %arg9: memref<1x256xf32, #tpu.memory_space<vmem>>, %arg10: memref<1000x256xf32, #tpu.memory_space<vmem>>, %arg11: memref<1000x256xf32, #tpu.memory_space<vmem>>, %arg12: memref<1000x256xf32, #tpu.memory_space<vmem>>, %arg13: memref<64x256xf32, #tpu.memory_space<vmem>>, %arg14: memref<64x128xf32, #tpu.memory_space<vmem>>) attributes {dimension_semantics = [#tpu.dimension_semantics<arbitrary>], iteration_bounds = array<i64: 10>, scalar_prefetch = 0 : i64, scratch_operands = 0 : i64, tpu.core_type = #tpu.core_type<tc>, window_params = [{transform_indices = @transform_0, window_bounds = array<i64: 2, 1000, 128>}, {transform_indices = @transform_1, window_bounds = array<i64: 2, 1000, 128>}, {transform_indices = @transform_2, window_bounds = array<i64: 1000, 128>}, {transform_indices = @transform_3, window_bounds = array<i64: 2, 1000, 128>}, {transform_indices = @transform_4, window_bounds = array<i64: 2, 1000, 128>}, {transform_indices = @transform_5, window_bounds = array<i64: 1000, 128>}, {transform_indices = @transform_6, window_bounds = array<i64: 1, 1, 1000>}, {pipeline_mode = #tpu.pipeline_mode<synchronous>, transform_indices = @transform_7, window_bounds = array<i64: 1, 256>}, {pipeline_mode = #tpu.pipeline_mode<synchronous>, transform_indices = @transform_8, window_bounds = array<i64: 1, 256>}, {transform_indices = @transform_9, window_bounds = array<i64: 1000, 256>}, {transform_indices = @transform_10, window_bounds = array<i64: 1000, 256>}, {transform_indices = @transform_11, window_bounds = array<i64: 1000, 256>}, {pipeline_mode = #tpu.pipeline_mode<synchronous>, transform_indices = @transform_12, window_bounds = array<i64: 64, 256>}, {pipeline_mode = #tpu.pipeline_mode<synchronous>, transform_indices = @transform_13, window_bounds = array<i64: 64, 128>}]} {
    %get3A = arith.constant 0 : index
    %get3A_0 = arith.constant 0 : index
    %get3A_1 = vector.load %arg3[%get3A, %get3A_0] : memref<1000x128xf32, #tpu.memory_space<vmem>>, vector<1000x128xf32>
    %get3A_2 = arith.constant 0 : index
    %get3A_3 = arith.constant 0 : index
    %get3A_4 = arith.constant 0 : index
    %get3A_5 = vector.load %arg1[%get3A_2, %get3A_3, %get3A_4] : memref<2x1000x128xf32, #tpu.memory_space<vmem>>, vector<1x1000x128xf32>
    %get3A_6 = vector.shape_cast %get3A_5 : vector<1x1000x128xf32> to vector<1000x128xf32>
    %get3A_7 = arith.constant 0 : index
    %get3A_8 = arith.constant 0 : index
    %get3A_9 = arith.constant 0 : index
    %get3A_10 = vector.load %arg2[%get3A_7, %get3A_8, %get3A_9] : memref<2x1000x128xf32, #tpu.memory_space<vmem>>, vector<1x1000x128xf32>
    %get3A_11 = vector.shape_cast %get3A_10 : vector<1x1000x128xf32> to vector<1000x128xf32>
    %add3A = arith.addf %get3A_6, %get3A_11 : vector<1000x128xf32>
    %mul3A = arith.mulf %add3A, %get3A_1 : vector<1000x128xf32>
    %get3A_12 = arith.constant 1 : index
    %get3A_13 = arith.constant 0 : index
    %get3A_14 = arith.constant 0 : index
    %get3A_15 = vector.load %arg1[%get3A_12, %get3A_13, %get3A_14] : memref<2x1000x128xf32, #tpu.memory_space<vmem>>, vector<1x1000x128xf32>
    %get3A_16 = vector.shape_cast %get3A_15 : vector<1x1000x128xf32> to vector<1000x128xf32>
    %get3A_17 = arith.constant 1 : index
    %get3A_18 = arith.constant 0 : index
    %get3A_19 = arith.constant 0 : index
    %get3A_20 = vector.load %arg2[%get3A_17, %get3A_18, %get3A_19] : memref<2x1000x128xf32, #tpu.memory_space<vmem>>, vector<1x1000x128xf32>
    %get3A_21 = vector.shape_cast %get3A_20 : vector<1x1000x128xf32> to vector<1000x128xf32>
    %add3A_22 = arith.addf %get3A_16, %get3A_21 : vector<1000x128xf32>
    %mul3A_23 = arith.mulf %add3A_22, %get3A_1 : vector<1000x128xf32>
    %concatenate3A = tpu.concatenate %mul3A, %mul3A_23 in 1 : vector<1000x128xf32>, vector<1000x128xf32> -> vector<1000x256xf32>
    %get3A_24 = arith.constant 0 : index
    %get3A_25 = arith.constant 0 : index
    %get3A_26 = vector.load %arg6[%get3A_24, %get3A_25] : memref<1000x128xf32, #tpu.memory_space<vmem>>, vector<1000x128xf32>
    %get3A_27 = arith.constant 0 : index
    %get3A_28 = arith.constant 0 : index
    %get3A_29 = arith.constant 0 : index
    %get3A_30 = vector.load %arg4[%get3A_27, %get3A_28, %get3A_29] : memref<2x1000x128xf32, #tpu.memory_space<vmem>>, vector<1x1000x128xf32>
    %get3A_31 = vector.shape_cast %get3A_30 : vector<1x1000x128xf32> to vector<1000x128xf32>
    %get3A_32 = arith.constant 0 : index
    %get3A_33 = arith.constant 0 : index
    %get3A_34 = arith.constant 0 : index
    %get3A_35 = vector.load %arg5[%get3A_32, %get3A_33, %get3A_34] : memref<2x1000x128xf32, #tpu.memory_space<vmem>>, vector<1x1000x128xf32>
    %get3A_36 = vector.shape_cast %get3A_35 : vector<1x1000x128xf32> to vector<1000x128xf32>
    %add3A_37 = arith.addf %get3A_31, %get3A_36 : vector<1000x128xf32>
    %mul3A_38 = arith.mulf %add3A_37, %get3A_26 : vector<1000x128xf32>
    %get3A_39 = arith.constant 1 : index
    %get3A_40 = arith.constant 0 : index
    %get3A_41 = arith.constant 0 : index
    %get3A_42 = vector.load %arg4[%get3A_39, %get3A_40, %get3A_41] : memref<2x1000x128xf32, #tpu.memory_space<vmem>>, vector<1x1000x128xf32>
    %get3A_43 = vector.shape_cast %get3A_42 : vector<1x1000x128xf32> to vector<1000x128xf32>
    %get3A_44 = arith.constant 1 : index
    %get3A_45 = arith.constant 0 : index
    %get3A_46 = arith.constant 0 : index
    %get3A_47 = vector.load %arg5[%get3A_44, %get3A_45, %get3A_46] : memref<2x1000x128xf32, #tpu.memory_space<vmem>>, vector<1x1000x128xf32>
    %get3A_48 = vector.shape_cast %get3A_47 : vector<1x1000x128xf32> to vector<1000x128xf32>
    %add3A_49 = arith.addf %get3A_43, %get3A_48 : vector<1000x128xf32>
    %mul3A_50 = arith.mulf %add3A_49, %get3A_26 : vector<1000x128xf32>
    %concatenate3A_51 = tpu.concatenate %mul3A_38, %mul3A_50 in 1 : vector<1000x128xf32>, vector<1000x128xf32> -> vector<1000x256xf32>
    %swap3A = arith.constant 0 : index
    %swap3A_52 = arith.constant 0 : index
    %swap3A_53 = vector.load %arg10[%swap3A, %swap3A_52] : memref<1000x256xf32, #tpu.memory_space<vmem>>, vector<1000x256xf32>
    tpu.vector_store %arg10[%swap3A, %swap3A_52], %concatenate3A {strides = array<i32>} : memref<1000x256xf32, #tpu.memory_space<vmem>>, vector<1000x256xf32>,
    %swap3A_54 = arith.constant 0 : index
    %swap3A_55 = arith.constant 0 : index
    %swap3A_56 = vector.load %arg11[%swap3A_54, %swap3A_55] : memref<1000x256xf32, #tpu.memory_space<vmem>>, vector<1000x256xf32>
    tpu.vector_store %arg11[%swap3A_54, %swap3A_55], %concatenate3A_51 {strides = array<i32>} : memref<1000x256xf32, #tpu.memory_space<vmem>>, vector<1000x256xf32>,
    %reduce_sum3A = arith.constant dense<0.000000e+00> : vector<1000xf32>
    %reduce_sum3A_57 = vector.multi_reduction <add>, %concatenate3A, %reduce_sum3A [1] : vector<1000x256xf32> to vector<1000xf32>
    %broadcast_in_dim3A = vector.shape_cast %reduce_sum3A_57 : vector<1000xf32> to vector<1000x1xf32>
    %div3A = arith.constant 2.560000e+02 : f32
    %div3A_58 = vector.broadcast %div3A : f32 to vector<1000x1xf32>
    %div3A_59 = arith.divf %broadcast_in_dim3A, %div3A_58 : vector<1000x1xf32>
    %sub3A = vector.broadcast %div3A_59 : vector<1000x1xf32> to vector<1000x256xf32>
    %sub3A_60 = arith.subf %concatenate3A, %sub3A : vector<1000x256xf32>
    %integer_pow3A = arith.mulf %sub3A_60, %sub3A_60 : vector<1000x256xf32>
    %reduce_sum3A_61 = arith.constant dense<0.000000e+00> : vector<1000xf32>
    %reduce_sum3A_62 = vector.multi_reduction <add>, %integer_pow3A, %reduce_sum3A_61 [1] : vector<1000x256xf32> to vector<1000xf32>
    %broadcast_in_dim3A_63 = vector.shape_cast %reduce_sum3A_62 : vector<1000xf32> to vector<1000x1xf32>
    %div3A_64 = arith.constant 2.560000e+02 : f32
    %div3A_65 = vector.broadcast %div3A_64 : f32 to vector<1000x1xf32>
    %div3A_66 = arith.divf %broadcast_in_dim3A_63, %div3A_65 : vector<1000x1xf32>
    %get3A_67 = arith.constant 0 : index
    %get3A_68 = arith.constant 0 : index
    %get3A_69 = vector.load %arg8[%get3A_67, %get3A_68] : memref<1x256xf32, #tpu.memory_space<vmem>>, vector<1x256xf32>
    %sub3A_70 = vector.broadcast %div3A_59 : vector<1000x1xf32> to vector<1000x256xf32>
    %sub3A_71 = arith.subf %concatenate3A, %sub3A_70 : vector<1000x256xf32>
    %mul3A_72 = vector.broadcast %get3A_69 : vector<1x256xf32> to vector<1000x256xf32>
    %mul3A_73 = arith.mulf %mul3A_72, %sub3A_71 : vector<1000x256xf32>
    %add3A_74 = arith.constant 9.99999974E-6 : f32
    %add3A_75 = vector.broadcast %add3A_74 : f32 to vector<1000x1xf32>
    %add3A_76 = arith.addf %div3A_66, %add3A_75 : vector<1000x1xf32>
    %rsqrt3A = math.rsqrt %add3A_76 : vector<1000x1xf32>
    %mul3A_77 = vector.broadcast %rsqrt3A : vector<1000x1xf32> to vector<1000x256xf32>
    %mul3A_78 = arith.mulf %mul3A_73, %mul3A_77 : vector<1000x256xf32>
    %get3A_79 = arith.constant 0 : index
    %get3A_80 = arith.constant 0 : index
    %get3A_81 = vector.load %arg9[%get3A_79, %get3A_80] : memref<1x256xf32, #tpu.memory_space<vmem>>, vector<1x256xf32>
    %add3A_82 = vector.broadcast %get3A_81 : vector<1x256xf32> to vector<1000x256xf32>
    %add3A_83 = arith.addf %mul3A_78, %add3A_82 : vector<1000x256xf32>
    %swap3A_84 = arith.constant 0 : index
    %swap3A_85 = arith.constant 0 : index
    %swap3A_86 = vector.load %arg12[%swap3A_84, %swap3A_85] : memref<1000x256xf32, #tpu.memory_space<vmem>>, vector<1000x256xf32>
    tpu.vector_store %arg12[%swap3A_84, %swap3A_85], %add3A_83 {strides = array<i32>} : memref<1000x256xf32, #tpu.memory_space<vmem>>, vector<1000x256xf32>,
    %iota3A = tpu.iota {dimensions = array<i32: 0>} : vector<64x1000xi32>
    %get3A_87 = arith.constant 0 : index
    %get3A_88 = arith.constant 0 : index
    %get3A_89 = arith.constant 0 : index
    %get3A_90 = vector.load %arg7[%get3A_87, %get3A_88, %get3A_89] : memref<1x1x1000xi32, #tpu.memory_space<vmem>>, vector<1x1x1000xi32>
    %get3A_91 = vector.shape_cast %get3A_90 : vector<1x1x1000xi32> to vector<1x1000xi32>
    %broadcast_in_dim3A_92 = vector.shape_cast %get3A_91 : vector<1x1000xi32> to vector<1x1000xi32>
    %broadcast_in_dim3A_93 = vector.broadcast %broadcast_in_dim3A_92 : vector<1x1000xi32> to vector<64x1000xi32>
    %eq3A = arith.cmpi eq, %iota3A, %broadcast_in_dim3A_93 : vector<64x1000xi32>
    %convert_element_type3A = arith.extui %eq3A : vector<64x1000xi1> to vector<64x1000xi32>
    %convert_element_type3A_94 = arith.sitofp %convert_element_type3A : vector<64x1000xi32> to vector<64x1000xf32>
    %dot_general3A = arith.constant dense<0.000000e+00> : vector<64x256xf32>
    %dot_general3A_95 = tpu.matmul %convert_element_type3A_94, %concatenate3A_51, %dot_general3A {dimension_numbers = #tpu.dot_dimension_numbers<[1], [0], [0], [1], [0, 0, 1, 1], [], []>, transpose_lhs_hint = false} : vector<64x1000xf32>, vector<1000x256xf32>, vector<64x256xf32> -> vector<64x256xf32>
    %reduce_sum3A_96 = arith.constant dense<0.000000e+00> : vector<64xf32>
    %reduce_sum3A_97 = vector.multi_reduction <add>, %convert_element_type3A_94, %reduce_sum3A_96 [1] : vector<64x1000xf32> to vector<64xf32>
    %broadcast_in_dim3A_98 = vector.shape_cast %reduce_sum3A_97 : vector<64xf32> to vector<64x1xf32>
    %eq3A_99 = arith.constant 0 : i32
    %eq3A_100 = arith.cmpi eq, %arg0, %eq3A_99 : i32
    %convert_element_type3A_101 = arith.extui %eq3A_100 : i1 to i32
    %cond3A = arith.constant 0 : i32
    %cond3A_102 = arith.cmpi ne, %convert_element_type3A_101, %cond3A : i32
    scf.if %cond3A_102 {
      %broadcast_in_dim3A_119 = arith.constant 0.000000e+00 : f32
      %broadcast_in_dim3A_120 = vector.broadcast %broadcast_in_dim3A_119 : f32 to vector<64x256xf32>
      %swap3A_121 = arith.constant 0 : index
      %swap3A_122 = arith.constant 0 : index
      %swap3A_123 = vector.load %arg13[%swap3A_121, %swap3A_122] : memref<64x256xf32, #tpu.memory_space<vmem>>, vector<64x256xf32>
      tpu.vector_store %arg13[%swap3A_121, %swap3A_122], %broadcast_in_dim3A_120 {strides = array<i32>} : memref<64x256xf32, #tpu.memory_space<vmem>>, vector<64x256xf32>,
      %broadcast_in_dim3A_124 = arith.constant 0.000000e+00 : f32
      %broadcast_in_dim3A_125 = vector.broadcast %broadcast_in_dim3A_124 : f32 to vector<64x128xf32>
      %swap3A_126 = arith.constant 0 : index
      %swap3A_127 = arith.constant 0 : index
      %swap3A_128 = vector.load %arg14[%swap3A_126, %swap3A_127] : memref<64x128xf32, #tpu.memory_space<vmem>>, vector<64x128xf32>
      tpu.vector_store %arg14[%swap3A_126, %swap3A_127], %broadcast_in_dim3A_125 {strides = array<i32>} : memref<64x128xf32, #tpu.memory_space<vmem>>, vector<64x128xf32>,
    } else {
    }
    %get3A_103 = arith.constant 0 : index
    %get3A_104 = arith.constant 0 : index
    %get3A_105 = vector.load %arg13[%get3A_103, %get3A_104] : memref<64x256xf32, #tpu.memory_space<vmem>>, vector<64x256xf32>
    %add3A_106 = arith.addf %get3A_105, %dot_general3A_95 : vector<64x256xf32>
    %swap3A_107 = arith.constant 0 : index
    %swap3A_108 = arith.constant 0 : index
    %swap3A_109 = vector.load %arg13[%swap3A_107, %swap3A_108] : memref<64x256xf32, #tpu.memory_space<vmem>>, vector<64x256xf32>
    tpu.vector_store %arg13[%swap3A_107, %swap3A_108], %add3A_106 {strides = array<i32>} : memref<64x256xf32, #tpu.memory_space<vmem>>, vector<64x256xf32>,
    %get3A_110 = arith.constant 0 : index
    %get3A_111 = arith.constant 0 : index
    %get3A_112 = vector.load %arg14[%get3A_110, %get3A_111] : memref<64x128xf32, #tpu.memory_space<vmem>>, vector<64x128xf32>
    %broadcast_in_dim3A_113 = vector.shape_cast %broadcast_in_dim3A_98 : vector<64x1xf32> to vector<64x1xf32>
    %broadcast_in_dim3A_114 = vector.broadcast %broadcast_in_dim3A_113 : vector<64x1xf32> to vector<64x128xf32>
    %add3A_115 = arith.addf %get3A_112, %broadcast_in_dim3A_114 : vector<64x128xf32>
    %swap3A_116 = arith.constant 0 : index
    %swap3A_117 = arith.constant 0 : index
    %swap3A_118 = vector.load %arg14[%swap3A_116, %swap3A_117] : memref<64x128xf32, #tpu.memory_space<vmem>>, vector<64x128xf32>
    tpu.vector_store %arg14[%swap3A_116, %swap3A_117], %add3A_115 {strides = array<i32>} : memref<64x128xf32, #tpu.memory_space<vmem>>, vector<64x128xf32>,
    return
  }
  func.func @transform_0(%arg0: i32) -> (i32, i32, i32) {
    %c0_i32 = arith.constant 0 : i32
    %c0_i32_0 = arith.constant 0 : i32
    %c0_i32_1 = arith.constant 0 : i32
    return %c0_i32, %arg0, %c0_i32_0 : i32, i32, i32
  }
  func.func @transform_1(%arg0: i32) -> (i32, i32, i32) {
    %c0_i32 = arith.constant 0 : i32
    %c0_i32_0 = arith.constant 0 : i32
    %c0_i32_1 = arith.constant 0 : i32
    return %c0_i32, %arg0, %c0_i32_0 : i32, i32, i32
  }
  func.func @transform_2(%arg0: i32) -> (i32, i32) {
    %c0_i32 = arith.constant 0 : i32
    %c0_i32_0 = arith.constant 0 : i32
    return %arg0, %c0_i32 : i32, i32
  }
  func.func @transform_3(%arg0: i32) -> (i32, i32, i32) {
    %c0_i32 = arith.constant 0 : i32
    %c0_i32_0 = arith.constant 0 : i32
    %c0_i32_1 = arith.constant 0 : i32
    return %c0_i32, %arg0, %c0_i32_0 : i32, i32, i32
  }
  func.func @transform_4(%arg0: i32) -> (i32, i32, i32) {
    %c0_i32 = arith.constant 0 : i32
    %c0_i32_0 = arith.constant 0 : i32
    %c0_i32_1 = arith.constant 0 : i32
    return %c0_i32, %arg0, %c0_i32_0 : i32, i32, i32
  }
  func.func @transform_5(%arg0: i32) -> (i32, i32) {
    %c0_i32 = arith.constant 0 : i32
    %c0_i32_0 = arith.constant 0 : i32
    return %arg0, %c0_i32 : i32, i32
  }
  func.func @transform_6(%arg0: i32) -> (i32, i32, i32) {
    %c0_i32 = arith.constant 0 : i32
    %c0_i32_0 = arith.constant 0 : i32
    %c0_i32_1 = arith.constant 0 : i32
    return %arg0, %c0_i32, %c0_i32_0 : i32, i32, i32
  }
  func.func @transform_7(%arg0: i32) -> (i32, i32) {
    %c0_i32 = arith.constant 0 : i32
    %c0_i32_0 = arith.constant 0 : i32
    %c0_i32_1 = arith.constant 0 : i32
    return %c0_i32, %c0_i32_0 : i32, i32
  }
  func.func @transform_8(%arg0: i32) -> (i32, i32) {
    %c0_i32 = arith.constant 0 : i32
    %c0_i32_0 = arith.constant 0 : i32
    %c0_i32_1 = arith.constant 0 : i32
    return %c0_i32, %c0_i32_0 : i32, i32
  }
  func.func @transform_9(%arg0: i32) -> (i32, i32) {
    %c0_i32 = arith.constant 0 : i32
    %c0_i32_0 = arith.constant 0 : i32
    return %arg0, %c0_i32 : i32, i32
  }
  func.func @transform_10(%arg0: i32) -> (i32, i32) {
    %c0_i32 = arith.constant 0 : i32
    %c0_i32_0 = arith.constant 0 : i32
    return %arg0, %c0_i32 : i32, i32
  }
  func.func @transform_11(%arg0: i32) -> (i32, i32) {
    %c0_i32 = arith.constant 0 : i32
    %c0_i32_0 = arith.constant 0 : i32
    return %arg0, %c0_i32 : i32, i32
  }
  func.func @transform_12(%arg0: i32) -> (i32, i32) {
    %c0_i32 = arith.constant 0 : i32
    %c0_i32_0 = arith.constant 0 : i32
    %c0_i32_1 = arith.constant 0 : i32
    return %c0_i32, %c0_i32_0 : i32, i32
  }
  func.func @transform_13(%arg0: i32) -> (i32, i32) {
    %c0_i32 = arith.constant 0 : i32
    %c0_i32_0 = arith.constant 0 : i32
    %c0_i32_1 = arith.constant 0 : i32
    return %c0_i32, %c0_i32_0 : i32, i32
  }
}

module attributes {stable_mosaic.version = 14 : i64} {
  func.func @body(%arg0: memref<64x256xf32, #tpu.memory_space<vmem>>, %arg1: memref<64x128xf32, #tpu.memory_space<vmem>>, %arg2: memref<1x256xf32, #tpu.memory_space<vmem>>, %arg3: memref<1x256xf32, #tpu.memory_space<vmem>>, %arg4: memref<256x256xf32, #tpu.memory_space<vmem>>, %arg5: memref<1x256xf32, #tpu.memory_space<vmem>>, %arg6: memref<256x256xf32, #tpu.memory_space<vmem>>, %arg7: memref<1x256xf32, #tpu.memory_space<vmem>>, %arg8: memref<1x256xf32, #tpu.memory_space<vmem>>, %arg9: memref<1x256xf32, #tpu.memory_space<vmem>>, %arg10: memref<256x256xf32, #tpu.memory_space<vmem>>, %arg11: memref<1x256xf32, #tpu.memory_space<vmem>>, %arg12: memref<256x256xf32, #tpu.memory_space<vmem>>, %arg13: memref<1x256xf32, #tpu.memory_space<vmem>>, %arg14: memref<256x256xf32, #tpu.memory_space<vmem>>, %arg15: memref<1x256xf32, #tpu.memory_space<vmem>>, %arg16: memref<64x256xf32, #tpu.memory_space<vmem>>) attributes {dimension_semantics = [], scalar_prefetch = 0 : i64, scratch_operands = 0 : i64, tpu.core_type = #tpu.core_type<tc>} {
    %get3A = arith.constant 0 : index
    %get3A_0 = arith.constant 0 : index
    %get3A_1 = vector.load %arg1[%get3A, %get3A_0] : memref<64x128xf32, #tpu.memory_space<vmem>>, vector<64x1xf32>
    %max3A = arith.constant 1.000000e+00 : f32
    %max3A_2 = vector.broadcast %max3A : f32 to vector<64x1xf32>
    %max3A_3 = arith.maximumf %get3A_1, %max3A_2 : vector<64x1xf32>
    %get3A_4 = arith.constant 0 : index
    %get3A_5 = arith.constant 0 : index
    %get3A_6 = vector.load %arg0[%get3A_4, %get3A_5] : memref<64x256xf32, #tpu.memory_space<vmem>>, vector<64x256xf32>
    %div3A = vector.broadcast %max3A_3 : vector<64x1xf32> to vector<64x256xf32>
    %div3A_7 = arith.divf %get3A_6, %div3A : vector<64x256xf32>
    %get3A_8 = arith.constant 0 : index
    %get3A_9 = arith.constant 0 : index
    %get3A_10 = vector.load %arg2[%get3A_8, %get3A_9] : memref<1x256xf32, #tpu.memory_space<vmem>>, vector<1x256xf32>
    %get3A_11 = arith.constant 0 : index
    %get3A_12 = arith.constant 0 : index
    %get3A_13 = vector.load %arg3[%get3A_11, %get3A_12] : memref<1x256xf32, #tpu.memory_space<vmem>>, vector<1x256xf32>
    %reduce_sum3A = arith.constant dense<0.000000e+00> : vector<64xf32>
    %reduce_sum3A_14 = vector.multi_reduction <add>, %div3A_7, %reduce_sum3A [1] : vector<64x256xf32> to vector<64xf32>
    %broadcast_in_dim3A = vector.shape_cast %reduce_sum3A_14 : vector<64xf32> to vector<64x1xf32>
    %div3A_15 = arith.constant 2.560000e+02 : f32
    %div3A_16 = vector.broadcast %div3A_15 : f32 to vector<64x1xf32>
    %div3A_17 = arith.divf %broadcast_in_dim3A, %div3A_16 : vector<64x1xf32>
    %sub3A = vector.broadcast %div3A_17 : vector<64x1xf32> to vector<64x256xf32>
    %sub3A_18 = arith.subf %div3A_7, %sub3A : vector<64x256xf32>
    %integer_pow3A = arith.mulf %sub3A_18, %sub3A_18 : vector<64x256xf32>
    %reduce_sum3A_19 = arith.constant dense<0.000000e+00> : vector<64xf32>
    %reduce_sum3A_20 = vector.multi_reduction <add>, %integer_pow3A, %reduce_sum3A_19 [1] : vector<64x256xf32> to vector<64xf32>
    %broadcast_in_dim3A_21 = vector.shape_cast %reduce_sum3A_20 : vector<64xf32> to vector<64x1xf32>
    %div3A_22 = arith.constant 2.560000e+02 : f32
    %div3A_23 = vector.broadcast %div3A_22 : f32 to vector<64x1xf32>
    %div3A_24 = arith.divf %broadcast_in_dim3A_21, %div3A_23 : vector<64x1xf32>
    %sub3A_25 = vector.broadcast %div3A_17 : vector<64x1xf32> to vector<64x256xf32>
    %sub3A_26 = arith.subf %div3A_7, %sub3A_25 : vector<64x256xf32>
    %mul3A = vector.broadcast %get3A_10 : vector<1x256xf32> to vector<64x256xf32>
    %mul3A_27 = arith.mulf %mul3A, %sub3A_26 : vector<64x256xf32>
    %add3A = arith.constant 9.99999974E-6 : f32
    %add3A_28 = vector.broadcast %add3A : f32 to vector<64x1xf32>
    %add3A_29 = arith.addf %div3A_24, %add3A_28 : vector<64x1xf32>
    %rsqrt3A = math.rsqrt %add3A_29 : vector<64x1xf32>
    %mul3A_30 = vector.broadcast %rsqrt3A : vector<64x1xf32> to vector<64x256xf32>
    %mul3A_31 = arith.mulf %mul3A_27, %mul3A_30 : vector<64x256xf32>
    %add3A_32 = vector.broadcast %get3A_13 : vector<1x256xf32> to vector<64x256xf32>
    %add3A_33 = arith.addf %mul3A_31, %add3A_32 : vector<64x256xf32>
    %get3A_34 = arith.constant 0 : index
    %get3A_35 = arith.constant 0 : index
    %get3A_36 = vector.load %arg4[%get3A_34, %get3A_35] : memref<256x256xf32, #tpu.memory_space<vmem>>, vector<256x256xf32>
    %dot_general3A = arith.constant dense<0.000000e+00> : vector<64x256xf32>
    %dot_general3A_37 = tpu.matmul %add3A_33, %get3A_36, %dot_general3A {dimension_numbers = #tpu.dot_dimension_numbers<[1], [0], [0], [1], [0, 0, 1, 1], [], []>, transpose_lhs_hint = false} : vector<64x256xf32>, vector<256x256xf32>, vector<64x256xf32> -> vector<64x256xf32>
    %get3A_38 = arith.constant 0 : index
    %get3A_39 = arith.constant 0 : index
    %get3A_40 = vector.load %arg5[%get3A_38, %get3A_39] : memref<1x256xf32, #tpu.memory_space<vmem>>, vector<1x256xf32>
    %add3A_41 = vector.broadcast %get3A_40 : vector<1x256xf32> to vector<64x256xf32>
    %add3A_42 = arith.addf %dot_general3A_37, %add3A_41 : vector<64x256xf32>
    %get3A_43 = arith.constant 0 : index
    %get3A_44 = arith.constant 0 : index
    %get3A_45 = vector.load %arg6[%get3A_43, %get3A_44] : memref<256x256xf32, #tpu.memory_space<vmem>>, vector<256x256xf32>
    %dot_general3A_46 = arith.constant dense<0.000000e+00> : vector<64x256xf32>
    %dot_general3A_47 = tpu.matmul %add3A_42, %get3A_45, %dot_general3A_46 {dimension_numbers = #tpu.dot_dimension_numbers<[1], [0], [0], [1], [0, 0, 1, 1], [], []>, transpose_lhs_hint = false} : vector<64x256xf32>, vector<256x256xf32>, vector<64x256xf32> -> vector<64x256xf32>
    %get3A_48 = arith.constant 0 : index
    %get3A_49 = arith.constant 0 : index
    %get3A_50 = vector.load %arg7[%get3A_48, %get3A_49] : memref<1x256xf32, #tpu.memory_space<vmem>>, vector<1x256xf32>
    %add3A_51 = vector.broadcast %get3A_50 : vector<1x256xf32> to vector<64x256xf32>
    %add3A_52 = arith.addf %dot_general3A_47, %add3A_51 : vector<64x256xf32>
    %get3A_53 = arith.constant 0 : index
    %get3A_54 = arith.constant 0 : index
    %get3A_55 = vector.load %arg8[%get3A_53, %get3A_54] : memref<1x256xf32, #tpu.memory_space<vmem>>, vector<1x256xf32>
    %get3A_56 = arith.constant 0 : index
    %get3A_57 = arith.constant 0 : index
    %get3A_58 = vector.load %arg9[%get3A_56, %get3A_57] : memref<1x256xf32, #tpu.memory_space<vmem>>, vector<1x256xf32>
    %reduce_sum3A_59 = arith.constant dense<0.000000e+00> : vector<64xf32>
    %reduce_sum3A_60 = vector.multi_reduction <add>, %add3A_52, %reduce_sum3A_59 [1] : vector<64x256xf32> to vector<64xf32>
    %broadcast_in_dim3A_61 = vector.shape_cast %reduce_sum3A_60 : vector<64xf32> to vector<64x1xf32>
    %div3A_62 = arith.constant 2.560000e+02 : f32
    %div3A_63 = vector.broadcast %div3A_62 : f32 to vector<64x1xf32>
    %div3A_64 = arith.divf %broadcast_in_dim3A_61, %div3A_63 : vector<64x1xf32>
    %sub3A_65 = vector.broadcast %div3A_64 : vector<64x1xf32> to vector<64x256xf32>
    %sub3A_66 = arith.subf %add3A_52, %sub3A_65 : vector<64x256xf32>
    %integer_pow3A_67 = arith.mulf %sub3A_66, %sub3A_66 : vector<64x256xf32>
    %reduce_sum3A_68 = arith.constant dense<0.000000e+00> : vector<64xf32>
    %reduce_sum3A_69 = vector.multi_reduction <add>, %integer_pow3A_67, %reduce_sum3A_68 [1] : vector<64x256xf32> to vector<64xf32>
    %broadcast_in_dim3A_70 = vector.shape_cast %reduce_sum3A_69 : vector<64xf32> to vector<64x1xf32>
    %div3A_71 = arith.constant 2.560000e+02 : f32
    %div3A_72 = vector.broadcast %div3A_71 : f32 to vector<64x1xf32>
    %div3A_73 = arith.divf %broadcast_in_dim3A_70, %div3A_72 : vector<64x1xf32>
    %sub3A_74 = vector.broadcast %div3A_64 : vector<64x1xf32> to vector<64x256xf32>
    %sub3A_75 = arith.subf %add3A_52, %sub3A_74 : vector<64x256xf32>
    %mul3A_76 = vector.broadcast %get3A_55 : vector<1x256xf32> to vector<64x256xf32>
    %mul3A_77 = arith.mulf %mul3A_76, %sub3A_75 : vector<64x256xf32>
    %add3A_78 = arith.constant 9.99999974E-6 : f32
    %add3A_79 = vector.broadcast %add3A_78 : f32 to vector<64x1xf32>
    %add3A_80 = arith.addf %div3A_73, %add3A_79 : vector<64x1xf32>
    %rsqrt3A_81 = math.rsqrt %add3A_80 : vector<64x1xf32>
    %mul3A_82 = vector.broadcast %rsqrt3A_81 : vector<64x1xf32> to vector<64x256xf32>
    %mul3A_83 = arith.mulf %mul3A_77, %mul3A_82 : vector<64x256xf32>
    %add3A_84 = vector.broadcast %get3A_58 : vector<1x256xf32> to vector<64x256xf32>
    %add3A_85 = arith.addf %mul3A_83, %add3A_84 : vector<64x256xf32>
    %get3A_86 = arith.constant 0 : index
    %get3A_87 = arith.constant 0 : index
    %get3A_88 = vector.load %arg10[%get3A_86, %get3A_87] : memref<256x256xf32, #tpu.memory_space<vmem>>, vector<256x256xf32>
    %dot_general3A_89 = arith.constant dense<0.000000e+00> : vector<64x256xf32>
    %dot_general3A_90 = tpu.matmul %add3A_85, %get3A_88, %dot_general3A_89 {dimension_numbers = #tpu.dot_dimension_numbers<[1], [0], [0], [1], [0, 0, 1, 1], [], []>, transpose_lhs_hint = false} : vector<64x256xf32>, vector<256x256xf32>, vector<64x256xf32> -> vector<64x256xf32>
    %get3A_91 = arith.constant 0 : index
    %get3A_92 = arith.constant 0 : index
    %get3A_93 = vector.load %arg11[%get3A_91, %get3A_92] : memref<1x256xf32, #tpu.memory_space<vmem>>, vector<1x256xf32>
    %add3A_94 = vector.broadcast %get3A_93 : vector<1x256xf32> to vector<64x256xf32>
    %add3A_95 = arith.addf %dot_general3A_90, %add3A_94 : vector<64x256xf32>
    %max3A_96 = arith.constant 0.000000e+00 : f32
    %max3A_97 = vector.broadcast %max3A_96 : f32 to vector<64x256xf32>
    %max3A_98 = arith.maximumf %add3A_95, %max3A_97 : vector<64x256xf32>
    %get3A_99 = arith.constant 0 : index
    %get3A_100 = arith.constant 0 : index
    %get3A_101 = vector.load %arg12[%get3A_99, %get3A_100] : memref<256x256xf32, #tpu.memory_space<vmem>>, vector<256x256xf32>
    %dot_general3A_102 = arith.constant dense<0.000000e+00> : vector<64x256xf32>
    %dot_general3A_103 = tpu.matmul %max3A_98, %get3A_101, %dot_general3A_102 {dimension_numbers = #tpu.dot_dimension_numbers<[1], [0], [0], [1], [0, 0, 1, 1], [], []>, transpose_lhs_hint = false} : vector<64x256xf32>, vector<256x256xf32>, vector<64x256xf32> -> vector<64x256xf32>
    %get3A_104 = arith.constant 0 : index
    %get3A_105 = arith.constant 0 : index
    %get3A_106 = vector.load %arg13[%get3A_104, %get3A_105] : memref<1x256xf32, #tpu.memory_space<vmem>>, vector<1x256xf32>
    %add3A_107 = vector.broadcast %get3A_106 : vector<1x256xf32> to vector<64x256xf32>
    %add3A_108 = arith.addf %dot_general3A_103, %add3A_107 : vector<64x256xf32>
    %add3A_109 = arith.addf %add3A_108, %add3A_52 : vector<64x256xf32>
    %get3A_110 = arith.constant 0 : index
    %get3A_111 = arith.constant 0 : index
    %get3A_112 = vector.load %arg14[%get3A_110, %get3A_111] : memref<256x256xf32, #tpu.memory_space<vmem>>, vector<256x256xf32>
    %dot_general3A_113 = arith.constant dense<0.000000e+00> : vector<64x256xf32>
    %dot_general3A_114 = tpu.matmul %add3A_109, %get3A_112, %dot_general3A_113 {dimension_numbers = #tpu.dot_dimension_numbers<[1], [0], [0], [1], [0, 0, 1, 1], [], []>, transpose_lhs_hint = false} : vector<64x256xf32>, vector<256x256xf32>, vector<64x256xf32> -> vector<64x256xf32>
    %get3A_115 = arith.constant 0 : index
    %get3A_116 = arith.constant 0 : index
    %get3A_117 = vector.load %arg15[%get3A_115, %get3A_116] : memref<1x256xf32, #tpu.memory_space<vmem>>, vector<1x256xf32>
    %add3A_118 = vector.broadcast %get3A_117 : vector<1x256xf32> to vector<64x256xf32>
    %add3A_119 = arith.addf %dot_general3A_114, %add3A_118 : vector<64x256xf32>
    %swap3A = arith.constant 0 : index
    %swap3A_120 = arith.constant 0 : index
    %swap3A_121 = vector.load %arg16[%swap3A, %swap3A_120] : memref<64x256xf32, #tpu.memory_space<vmem>>, vector<64x256xf32>
    tpu.vector_store %arg16[%swap3A, %swap3A_120], %add3A_119 {strides = array<i32>} : memref<64x256xf32, #tpu.memory_space<vmem>>, vector<64x256xf32>,
    return
  }
}

module attributes {stable_mosaic.version = 14 : i64} {
  func.func @body(%arg0: i32, %arg1: memref<1000x256xf32, #tpu.memory_space<vmem>>, %arg2: memref<64x256xf32, #tpu.memory_space<vmem>>, %arg3: memref<256x256xf32, #tpu.memory_space<vmem>>, %arg4: memref<1000x1xi32, #tpu.memory_space<vmem>>, %arg5: memref<256x40xf32, #tpu.memory_space<vmem>>, %arg6: memref<1x40xf32, #tpu.memory_space<vmem>>, %arg7: memref<1000x256xf32, #tpu.memory_space<vmem>>, %arg8: memref<1000x40xf32, #tpu.memory_space<vmem>>) attributes {dimension_semantics = [#tpu.dimension_semantics<arbitrary>], iteration_bounds = array<i64: 10>, scalar_prefetch = 0 : i64, scratch_operands = 0 : i64, tpu.core_type = #tpu.core_type<tc>, window_params = [{transform_indices = @transform_0, window_bounds = array<i64: 1000, 256>}, {pipeline_mode = #tpu.pipeline_mode<synchronous>, transform_indices = @transform_1, window_bounds = array<i64: 64, 256>}, {pipeline_mode = #tpu.pipeline_mode<synchronous>, transform_indices = @transform_2, window_bounds = array<i64: 256, 256>}, {transform_indices = @transform_3, window_bounds = array<i64: 1000, 1>}, {pipeline_mode = #tpu.pipeline_mode<synchronous>, transform_indices = @transform_4, window_bounds = array<i64: 256, 40>}, {pipeline_mode = #tpu.pipeline_mode<synchronous>, transform_indices = @transform_5, window_bounds = array<i64: 1, 40>}, {transform_indices = @transform_6, window_bounds = array<i64: 1000, 256>}, {transform_indices = @transform_7, window_bounds = array<i64: 1000, 40>}]} {
    %iota3A = tpu.iota {dimensions = array<i32: 1>} : vector<1000x64xi32>
    %get3A = arith.constant 0 : index
    %get3A_0 = arith.constant 0 : index
    %get3A_1 = vector.load %arg4[%get3A, %get3A_0] : memref<1000x1xi32, #tpu.memory_space<vmem>>, vector<1000x1xi32>
    %broadcast_in_dim3A = vector.shape_cast %get3A_1 : vector<1000x1xi32> to vector<1000x1xi32>
    %broadcast_in_dim3A_2 = vector.broadcast %broadcast_in_dim3A : vector<1000x1xi32> to vector<1000x64xi32>
    %eq3A = arith.cmpi eq, %iota3A, %broadcast_in_dim3A_2 : vector<1000x64xi32>
    %convert_element_type3A = arith.extui %eq3A : vector<1000x64xi1> to vector<1000x64xi32>
    %convert_element_type3A_3 = arith.sitofp %convert_element_type3A : vector<1000x64xi32> to vector<1000x64xf32>
    %get3A_4 = arith.constant 0 : index
    %get3A_5 = arith.constant 0 : index
    %get3A_6 = vector.load %arg2[%get3A_4, %get3A_5] : memref<64x256xf32, #tpu.memory_space<vmem>>, vector<64x256xf32>
    %dot_general3A = arith.constant dense<0.000000e+00> : vector<1000x256xf32>
    %dot_general3A_7 = tpu.matmul %convert_element_type3A_3, %get3A_6, %dot_general3A {dimension_numbers = #tpu.dot_dimension_numbers<[1], [0], [0], [1], [0, 0, 1, 1], [], []>, transpose_lhs_hint = false} : vector<1000x64xf32>, vector<64x256xf32>, vector<1000x256xf32> -> vector<1000x256xf32>
    %get3A_8 = arith.constant 0 : index
    %get3A_9 = arith.constant 0 : index
    %get3A_10 = vector.load %arg1[%get3A_8, %get3A_9] : memref<1000x256xf32, #tpu.memory_space<vmem>>, vector<1000x256xf32>
    %get3A_11 = arith.constant 0 : index
    %get3A_12 = arith.constant 0 : index
    %get3A_13 = vector.load %arg3[%get3A_11, %get3A_12] : memref<256x256xf32, #tpu.memory_space<vmem>>, vector<256x256xf32>
    %dot_general3A_14 = arith.constant dense<0.000000e+00> : vector<1000x256xf32>
    %dot_general3A_15 = tpu.matmul %get3A_10, %get3A_13, %dot_general3A_14 {dimension_numbers = #tpu.dot_dimension_numbers<[1], [0], [0], [1], [0, 0, 1, 1], [], []>, transpose_lhs_hint = false} : vector<1000x256xf32>, vector<256x256xf32>, vector<1000x256xf32> -> vector<1000x256xf32>
    %add3A = arith.addf %dot_general3A_15, %dot_general3A_7 : vector<1000x256xf32>
    %max3A = arith.constant 0.000000e+00 : f32
    %max3A_16 = vector.broadcast %max3A : f32 to vector<1000x256xf32>
    %max3A_17 = arith.maximumf %add3A, %max3A_16 : vector<1000x256xf32>
    %get3A_18 = arith.constant 0 : index
    %get3A_19 = arith.constant 0 : index
    %get3A_20 = vector.load %arg1[%get3A_18, %get3A_19] : memref<1000x256xf32, #tpu.memory_space<vmem>>, vector<1000x256xf32>
    %add3A_21 = arith.addf %max3A_17, %get3A_20 : vector<1000x256xf32>
    %swap3A = arith.constant 0 : index
    %swap3A_22 = arith.constant 0 : index
    %swap3A_23 = vector.load %arg7[%swap3A, %swap3A_22] : memref<1000x256xf32, #tpu.memory_space<vmem>>, vector<1000x256xf32>
    tpu.vector_store %arg7[%swap3A, %swap3A_22], %add3A_21 {strides = array<i32>} : memref<1000x256xf32, #tpu.memory_space<vmem>>, vector<1000x256xf32>,
    %get3A_24 = arith.constant 0 : index
    %get3A_25 = arith.constant 0 : index
    %get3A_26 = vector.load %arg5[%get3A_24, %get3A_25] : memref<256x40xf32, #tpu.memory_space<vmem>>, vector<256x40xf32>
    %dot_general3A_27 = arith.constant dense<0.000000e+00> : vector<1000x40xf32>
    %dot_general3A_28 = tpu.matmul %add3A_21, %get3A_26, %dot_general3A_27 {dimension_numbers = #tpu.dot_dimension_numbers<[1], [0], [0], [1], [0, 0, 1, 1], [], []>, transpose_lhs_hint = false} : vector<1000x256xf32>, vector<256x40xf32>, vector<1000x40xf32> -> vector<1000x40xf32>
    %get3A_29 = arith.constant 0 : index
    %get3A_30 = arith.constant 0 : index
    %get3A_31 = vector.load %arg6[%get3A_29, %get3A_30] : memref<1x40xf32, #tpu.memory_space<vmem>>, vector<1x40xf32>
    %add3A_32 = vector.broadcast %get3A_31 : vector<1x40xf32> to vector<1000x40xf32>
    %add3A_33 = arith.addf %dot_general3A_28, %add3A_32 : vector<1000x40xf32>
    %swap3A_34 = arith.constant 0 : index
    %swap3A_35 = arith.constant 0 : index
    %swap3A_36 = vector.load %arg8[%swap3A_34, %swap3A_35] : memref<1000x40xf32, #tpu.memory_space<vmem>>, vector<1000x40xf32>
    tpu.vector_store %arg8[%swap3A_34, %swap3A_35], %add3A_33 {strides = array<i32>} : memref<1000x40xf32, #tpu.memory_space<vmem>>, vector<1000x40xf32>,
    return
  }
  func.func @transform_0(%arg0: i32) -> (i32, i32) {
    %c0_i32 = arith.constant 0 : i32
    %c0_i32_0 = arith.constant 0 : i32
    return %arg0, %c0_i32 : i32, i32
  }
  func.func @transform_1(%arg0: i32) -> (i32, i32) {
    %c0_i32 = arith.constant 0 : i32
    %c0_i32_0 = arith.constant 0 : i32
    %c0_i32_1 = arith.constant 0 : i32
    return %c0_i32, %c0_i32_0 : i32, i32
  }
  func.func @transform_2(%arg0: i32) -> (i32, i32) {
    %c0_i32 = arith.constant 0 : i32
    %c0_i32_0 = arith.constant 0 : i32
    %c0_i32_1 = arith.constant 0 : i32
    return %c0_i32, %c0_i32_0 : i32, i32
  }
  func.func @transform_3(%arg0: i32) -> (i32, i32) {
    %c0_i32 = arith.constant 0 : i32
    %c0_i32_0 = arith.constant 0 : i32
    return %arg0, %c0_i32 : i32, i32
  }
  func.func @transform_4(%arg0: i32) -> (i32, i32) {
    %c0_i32 = arith.constant 0 : i32
    %c0_i32_0 = arith.constant 0 : i32
    %c0_i32_1 = arith.constant 0 : i32
    return %c0_i32, %c0_i32_0 : i32, i32
  }
  func.func @transform_5(%arg0: i32) -> (i32, i32) {
    %c0_i32 = arith.constant 0 : i32
    %c0_i32_0 = arith.constant 0 : i32
    %c0_i32_1 = arith.constant 0 : i32
    return %c0_i32, %c0_i32_0 : i32, i32
  }
  func.func @transform_6(%arg0: i32) -> (i32, i32) {
    %c0_i32 = arith.constant 0 : i32
    %c0_i32_0 = arith.constant 0 : i32
    return %arg0, %c0_i32 : i32, i32
  }
  func.func @transform_7(%arg0: i32) -> (i32, i32) {
    %c0_i32 = arith.constant 0 : i32
    %c0_i32_0 = arith.constant 0 : i32
    return %arg0, %c0_i32 : i32, i32
  }
}

</mosaic_0001>

<sc_bundles>
// kernel: kernel.14.cloned.1.call-start
scs
__scs_entry_jumppad:
0x0: {  	(pc) =	sbr.rel $0x88, $3  }
0x1: {  	(tag) =	ssettag $0x0;
	lr =	simm.s32 $0x1  }
0x2: {  	[smem:$0x3F83] =	sst lr;
	_ =	strace $0xD0000000  }
0x3: {  	_ = 	snop  }
0x4: {  	_ = 	snop  }
0x5: {  	_ = 	snop  }
0x6: {  	_ = 	snop  }
0x7: {  	_ = 	snop  }
__scs_overlays_trampoline_lowered:
0x8: {  	[smem:$0x3F92] =	sst s0  }
0x9: {  	[smem:$0x3F93] =	sst s1  }
0xa: {  	[smem:$0x3F94] =	sst s2  }
0xb: {  	[smem:$0x3F95] =	sst s3  }
0xc: {  	[smem:$0x3F96] =	sst s4  }
0xd: {  	[smem:$0x3F97] =	sst s5  }
0xe: {  	[smem:$0x3F98] =	sst s6  }
0xf: {  	[smem:$0x3F99] =	sst s7  }
0x10: {  	[smem:$0x3F9A] =	sst s8  }
0x11: {  	[smem:$0x3F9B] =	sst s9;
	s0 =	simm.s32 @!p0 $0x0  }
0x12: {  	s1 =	sld [smem:$0x3F81];
	s0 =	simm.s32 @p0 $0x1  }
0x13: {  	[smem:$0x3F9C] =	sst s0;
	s0 =	simm.s32 @!p1 $0x0  }
0x14: {  	s2 =	sld [smem:$0x3F80];
	s0 =	simm.s32 @p1 $0x1  }
0x15: {  	[smem:$0x3F9D] =	sst s0;
	s0 =	simm.s32 @!p2 $0x0  }
0x16: {  	s3 =	sld [smem:$0x3FDB];
	s0 =	simm.s32 @p2 $0x1  }
0x17: {  	s4 =	simm.s32 $0x1BF5;
	[smem:$0x3F9F] =	sst s0  }
0x18: {  	s0 =	sld [smem:$0x3F82];
	_ =	swait.ge [sflag:s4], $0x0  }
0x19: {  	s7 =	sld [smem:$0x3F83]  }
0x1a: {  	s8 =	sadd.s32 $0xFFFFE003, lr  }
0x1b: {  	s9 =	sadd.s32 $0xFFFFFEF7, lr;
	s5 =	simm.s32 $0xFFFFFFFF;
	p2 =	slt.u32 s8, $0xFFFFF086  }
0x1c: {  	p1 =	slt.u32 s9, $0xF7A;
	s5 =	simm.s32 @!p2 $0x0  }
0x1d: {  	s5 =	simm.s32 @p1 $0x1;
	p0 =	seq.s32 s7, s2  }
0x1e: {  	s7 =	smul.u32 @!p0 $0xF7A, s2;
	p2 =	seq.s32 @!p0 s5, $0x0  }
0x1f: {  	s9 =	smul.u32 $0xF7A, s1;
	s8 =	simm.s32 @!p0 $0x1BF5;
	p2 =	por !p2, p0  }
0x20: {  	[sflag:s8] =	ssyncset.s32 @!p0 $0xFFFFF086;
	s6 =	sadd.s32 @!p0 s3, s7;
	s7 =	simm.s32 @!p0 $0x108  }
0x21: {  	s3 =	sadd.s32 s3, s9;
	s6 =	sadd.s32 @!p0 $0x88, s6;
	s7 =	simm.s32 @p2 $0x1082  }
0x22: {  	[simem:s7], [sflag:s8] =	dma.local @!p0 [hbm:s6], $0xF7A  }
0x23: {  	s9 =	sor.u32 $0xD0000000, s2;
	s6 =	simm.s32 $0x108;
	_ =	swait.ge @!p0 [sflag:s8], $0x0  }
0x24: {  	s3 =	sadd.s32 $0x88, s3;
	s6 =	simm.s32 @!p1 $0x1082;
	[sflag:s4] =	ssyncset.s32 $0xFFFFF086  }
0x25: {  	[simem:s6], [sflag:s4] =	dma.local [hbm:s3], $0xF7A  }
0x26: {  	[smem:$0x3F83] =	sst s1;
	(tag) =	ssettag s2;
	_ =	strace s9  }
0x27: {  	s1 =	sld [smem:$0x3F93]  }
0x28: {  	s2 =	sld [smem:$0x3F94]  }
0x29: {  	s4 =	sld [smem:$0x3F96]  }
0x2a: {  	p0 =	seq.s32 s5, $0x0;
	s5 =	sld [smem:$0x3F97]  }
0x2b: {  	s6 =	sld [smem:$0x3F98]  }
0x2c: {  	s7 =	sld [smem:$0x3F99]  }
0x2d: {  	s3 =	simm.s32 $0x108;
	s8 =	sld [smem:$0x3F9A]  }
0x2e: {  	s3 =	simm.s32 @!p0 $0x1082;
	s9 =	sld [smem:$0x3F9B]  }
0x2f: {  	lr =	sadd.s32 s0, s3;
	s0 =	sld [smem:$0x3F92]  }
0x30: {  	s3 =	sld [smem:$0x3F95]  }
0x31: {  	[smem:$0x3F9E] =	sst s10  }
0x32: {  	s10 =	sld [smem:$0x3F9C];
	_ =	sdelay $0x3  }
0x33: {  	p0 =	seq.s32 s10, $0x1;
	s10 =	sld [smem:$0x3F9E];
	_ =	sdelay $0x3  }
0x34: {  	[smem:$0x3F9E] =	sst s10  }
0x35: {  	s10 =	sld [smem:$0x3F9D];
	_ =	sdelay $0x3  }
0x36: {  	p1 =	seq.s32 s10, $0x1;
	s10 =	sld [smem:$0x3F9E];
	_ =	sdelay $0x3  }
0x37: {  	[smem:$0x3F9E] =	sst s10  }
0x38: {  	s10 =	sld [smem:$0x3F9F]  }
0x39: {  	_ = 	snop;
	(pc) =	sbr.ind lr, $3  }
0x3a: {  	_ = 	snop  }
0x3b: {  	_ = 	snop  }
0x3c: {  	p2 =	seq.s32 s10, $0x1;
	s10 =	sld [smem:$0x3F9E]  }
0x3d: {  	_ =	shalt  }
0x3e: {  	_ =	shalt  }
0x3f: {  	_ =	shalt  }
0x40: {  	_ =	shalt  }
0x41: {  	_ =	shalt  }
0x42: {  	_ =	shalt  }
0x43: {  	_ =	shalt  }
0x44: {  	_ =	shalt  }
0x45: {  	_ =	shalt  }
0x46: {  	_ =	shalt  }
0x47: {  	_ =	shalt  }
0x48: {  	_ =	shalt  }
0x49: {  	_ =	shalt  }
0x4a: {  	_ =	shalt  }
0x4b: {  	_ =	shalt  }
0x4c: {  	_ =	shalt  }
0x4d: {  	_ =	shalt  }
0x4e: {  	_ =	shalt  }
0x4f: {  	_ =	shalt  }
0x50: {  	_ =	shalt  }
0x51: {  	_ =	shalt  }
0x52: {  	_ =	shalt  }
0x53: {  	_ =	shalt  }
0x54: {  	_ =	shalt  }
0x55: {  	_ =	shalt  }
0x56: {  	_ =	shalt  }
0x57: {  	_ =	shalt  }
0x58: {  	_ =	shalt  }
0x59: {  	_ =	shalt  }
0x5a: {  	_ =	shalt  }
0x5b: {  	_ =	shalt  }
0x5c: {  	_ =	shalt  }
0x5d: {  	_ =	shalt  }
0x5e: {  	_ =	shalt  }
0x5f: {  	_ =	shalt  }
0x60: {  	_ =	shalt  }
0x61: {  	_ =	shalt  }
0x62: {  	_ =	shalt  }
0x63: {  	_ =	shalt  }
0x64: {  	_ =	shalt  }
0x65: {  	_ =	shalt  }
0x66: {  	_ =	shalt  }
0x67: {  	_ =	shalt  }
0x68: {  	_ =	shalt  }
0x69: {  	_ =	shalt  }
0x6a: {  	_ =	shalt  }
0x6b: {  	_ =	shalt  }
0x6c: {  	_ =	shalt  }
0x6d: {  	_ =	shalt  }
0x6e: {  	_ =	shalt  }
0x6f: {  	_ =	shalt  }
0x70: {  	_ =	shalt  }
0x71: {  	_ =	shalt  }
0x72: {  	_ =	shalt  }
0x73: {  	_ =	shalt  }
0x74: {  	_ =	shalt  }
0x75: {  	_ =	shalt  }
0x76: {  	_ =	shalt  }
0x77: {  	_ =	shalt  }
0x78: {  	_ =	shalt  }
0x79: {  	_ =	shalt  }
0x7a: {  	_ =	shalt  }
0x7b: {  	_ =	shalt  }
0x7c: {  	_ =	shalt  }
0x7d: {  	_ =	shalt  }
0x7e: {  	_ =	shalt  }
0x7f: {  	_ =	shalt  }
0x80: {  	_ =	shalt  }
0x81: {  	_ =	shalt  }
0x82: {  	_ =	shalt  }
0x83: {  	_ =	shalt  }
0x84: {  	_ =	shalt  }
0x85: {  	_ =	shalt  }
0x86: {  	_ =	shalt  }
0x87: {  	_ =	shalt  }
.Lfunc_end0:
.L_simem_size_0:
called_computation_lowered:
.L_overlay_start_0:
0x88: {  	s2 =	sld [smem:$0x3FD9]  }
0x89: {  	s3 =	sld [smem:$0x3FFE];
	_ =	sdelay $0x1  }
0x8a: {  	s1 =	srdreg.scid  }
0x8b: {  	s0 =	sand.u32 $0x1, s1  }
0x8c: {  	s14 =	sshll.u32 s0, $0xA;
	s2 =	sadd.s32 s3, s2  }
0x8d: {  	s2 =	sadd.s32 s2, s14  }
0x8e: {  	[smem:$0x3FAA] =	sst s2  }
0x8f: {  	_ = 	snop  }
0x90: {  	s2 =	sld [smem:$0x3FD0];
	_ =	sdelay $0x2  }
0x91: {  	s15 =	simm.s32 $0xB;
	s4 =	simm.s32 $0x10  }
0x92: {  	[smem:s4], [sflag:s15] =	dma.local [hbm:s2], $0x1  }
0x93: {  	_ =	swait.eq [sflag:s15], $0x1  }
0x94: {  	[sflag:s15] =	ssyncset.done $0x0  }
0x95: {  	s16 =	sld [smem:$0x12];
	[sflag:s15] =	ssyncadd.s32 $0xFFFFFFFF  }
0x96: {  	s17 =	sld [smem:$0x13];
	(tm) =	ssettm $0x1  }
0x97: {  	s18 =	sld [smem:$0x3FFB];
	_ =	sdelay $0x3  }
0x98: {  	_ =	strace s18  }
0x99: {  	s4 =	sld [smem:$0x3FFC];
	_ =	sdelay $0x3  }
0x9a: {  	_ =	strace s4  }
0x9b: {  	s4 =	sld [smem:$0x3FFD];
	_ =	sdelay $0x3  }
0x9c: {  	_ =	strace s4  }
0x9d: {  	_ =	strace $0x8FFFFFFF  }
0x9e: {  	s19 =	sld [smem:$0x3FDB];
	_ =	sdelay $0x1  }
0x9f: {  	s5 =	simm.s32 $_scs_section_size  }
0xa0: {  	s6 =	simm.s32 $_size__tile_overlayer_lowered;
	s7 =	simm.s32 $_tile_overlayer_lowered  }
0xa1: {  	s22 =	simm.s32 $0x1BFF;
	s21 =	sshll.u32 s7, $0x1;
	s4 =	sadd.s32 s5, s19  }
0xa2: {  	s8 =	simm.s32 $0x0;
	s20 =	sshll.u32 s6, $0x1;
	s6 =	sadd.s32 s21, s4  }
0xa3: {  	[timem:s8], [sflag:s22] =	dma.local [hbm:s6], s20  }
0xa4: {  	_ =	swait.ge [sflag:s22], s20  }
0xa5: {  	s5 =	ssub.s32 $0x0, s20;
	[sflag:s22] =	ssyncset.done $0x0  }
0xa6: {  	[sflag:s22] =	ssyncadd.s32 s5;
	_ =	sdelay $0x1  }
0xa7: {  	s23 =	simm.s32 $0x1B8B  }
0xa8: {  	_ =	swait.ge [sflag:s23], $0x1  }
0xa9: {  	[sflag:s23] =	ssyncset.done $0x0  }
0xaa: {  	s25 =	simm.s32 $0x1B8E;
	s24 =	sld [smem:$0x3FFE];
	[sflag:s23] =	ssyncadd.s32 $0xFFFFFFFF  }
0xab: {  	s26 =	simm.s32 $execute0_lowered;
	[smem:$0x3FD2] =	sst s25  }
0xac: {  	s6 =	sshll.u32 s26, $0x1;
	_ =	strace $0x80000046;
	[dreg:$0x1] =	wrdreg $0xFFFFFFFF  }
0xad: {  	s28 =	simm.s32 $_size_execute0_lowered;
	s4 =	sadd.s32 s4, s6;
	[dreg:$0x0] =	wrdreg $0x0  }
0xae: {  	s6 =	sshll.u32 s28, $0x1;
	[dreg:$0x2] =	wrdreg s4  }
0xaf: {  	[dreg:$0x3] =	wrdreg s6  }
0xb0: {  	[dreg:$0x4] =	wrdreg $0xC0  }
0xb1: {  	_ =	task [dreg:s8], $0x5FFFF  }
0xb2: {  	[dreg:$0x1] =	wrdreg $0xFFFFFFFF  }
0xb3: {  	[dreg:$0x0] =	wrdreg $0x60  }
0xb4: {  	[dreg:$0x2] =	wrdreg s17  }
0xb5: {  	[dreg:$0x3] =	wrdreg s24  }
0xb6: {  	[dreg:$0x4] =	wrdreg s16  }
0xb7: {  	[dreg:$0x5] =	wrdreg $0x40800  }
0xb8: {  	[dreg:$0x6] =	wrdreg $0x9  }
0xb9: {  	_ =	task.clear_ibuf [dreg:s8], $0x7FFFF;
	_ =	strace $0x90000046  }
0xba: {  	s29 =	simm.s32 $0x9;
	_ =	strace $0x80000048  }
0xbb: {  	_ =	swait.ge [sflag:s29], $0x1  }
0xbc: {  	[sflag:s29] =	ssyncadd.s32 $0xFFFFFFFF  }
0xbd: {  	_ =	strace $0x90000048  }
0xbe: {  	_ =	sfence  }
0xbf: {  	s30 =	sld [smem:$0x0];
	_ =	sdelay $0x2  }
0xc0: {  	s31 =	sshll.u32 s1, $0xD;
	s1 =	sshrl.u32 s1, $0x2  }
0xc1: {  	s3 =	sand.u32 $0x4000, s31;
	s1 =	sadd.s32 s1, s30  }
0xc2: {  	s0 =	sor.u32 s3, s0;
	s1 =	sshll.u32 s1, $0x11  }
0xc3: {  	s0 =	sor.u32 s1, s0  }
0xc4: {  	s0 =	sadd.s32 $0x8F2B, s0  }
0xc5: {  	[sflag:s0] =	ssyncadd.remote.s32 $0x1  }
0xc6: {  	_ =	sfence.sel $0xFFFF  }
0xc7: {  	[dreg:$0x0] =	wrdreg $0xFFFFFFFF;
	(pc) =	sbr.abs _section_cstart, $3  }
0xc8: {  	[dreg:$0x1] =	wrdreg $0xFFFFFFFF  }
0xc9: {  	_ =	task.clear_ibuf [dreg:s8], $0x2FFFF;
	_ =	strace $0x9FFFFFFF  }
0xca: {  	(tm) =	ssettm $0x7FFFFFFF  }
0xcb: {  	_ =	shalt  }
tec
execute0_lowered:
.L_overlay_start_1:
0x0: {  	(tag) =	ssettag $0x1  }
0x1: {  	s8 =	rddreg [dreg:$0x0]  }
0x2: {  	s6 =	rddreg [dreg:$0x1]  }
0x3: {  	s2 =	rddreg [dreg:$0x2];
	s0 =	srdreg.scid  }
0x4: {  	s3 =	rddreg [dreg:$0x3];
	s1 =	stileid.u32  }
0x5: {  	s4 =	simm.s32 $0x0;
	s13 =	simm.s32 $0x0;
	s9 =	smul.u32 $0x13C00, s1  }
0x6: {  	s7 =	sand.u32 $0x1, s0;
	s0 =	rddreg [dreg:$0x4];
	s10 =	smul.u32 $0x4F000, s1  }
0x7: {  	[smem:$0x7FF] =	sst s4;
	s29 =	sshll.u32 s1, $0x7;
	s5 =	smul.u32 $0x13C000, s7  }
0x8: {  	s31 =	sshll.u32 s1, $0x6;
	s11 =	smul.u32 $0x50000, s7;
	s7 =	ssub.s32 $0x2, s7  }
0x9: {  	_ =	strace $0x80000047;
	s12 =	sshrl.u32 s7, $0x1;
	s10 =	sshrl.u32 s10, $0x2  }
0xa: {  	s9 =	sadd.s32 s9, s5;
	s5 =	sadd.s32 $0xFE00, s6;
	s7 =	ssub.s32 s7, s12  }
0xb: {  	s30 =	sadd.s32 s10, s3;
	s10 =	simm.s32 $0x1;
	s9 =	sshrl.u32 s9, $0x3  }
0xc: {  	s7 =	smax.u32 s7, $0x1;
	s6 =	sadd.s32 s9, s6;
	s9 =	sor.u32 s29, s11  }
0xd: {  	s12 =	sshrl.u32 s30, $0x3;
	s11 =	sor.u32 $0x1C01, s31;
	s9 =	sshrl.u32 s9, $0x3  }
0xe: {  	s6 =	sadd.s32 $0x12600, s6;
	s8 =	sadd.s32 s9, s8;
	s9 =	simm.s32 $0x80  }
.LBB2_1:
0xf: {  	[tilespmem:s9], [sflag:$0x1] =	stream.linear.gather [hbm4b:s2+s4], $0x4000, $0x38;
	[tilespmem:$0x17C80] =	vst v63  }
0x10: {  	_ =	swait.ge [sflag:s10], $0x4000  }
0x11: {  	[sflag:s10] =	ssyncset.done $0x0  }
0x12: {  	[sflag:s10] =	ssyncadd.s32 $0xFFFFC000  }
0x13: {  	[spmem:s12], [sflag:s11] =	dma.local [hbm:s5], $0x2780  }
0x14: {  	_ =	swait.ge [sflag:s10], $0x2780  }
0x15: {  	[sflag:s10] =	ssyncset.done $0x0  }
0x16: {  	[sflag:s10] =	ssyncadd.s32 $0xFFFFD880  }
0x17: {  	s14 =	sadd.s32 $0x0, s8;
	[bflag:$0x0] =	sbarrier.arrive $0xFFFF  }
0x18: {  	[tilespmem:s4], [sflag:$0x1] =	stream.linear.gather [hbm4b:s14+s4], $0x80, $0x38;
	[tilespmem:$0x17C80] =	vst v63  }
0x19: {  	_ =	swait.ge [sflag:s10], $0x80  }
0x1a: {  	[sflag:s10] =	ssyncset.done $0x0  }
0x1b: {  	[sflag:s10] =	ssyncadd.s32 $0xFFFFFF80  }
0x1c: {  	[spmem:s3] =	stream.indirect.scatter.add.f32 [tilespmem:s9], [sflag:$0x1], $0x80, s4, s9, $0xb8;
	[tilespmem:$0x17C80] =	vst v63  }
0x1d: {  	_ =	swait.ge [sflag:s10], $0x4000  }
0x1e: {  	s15 =	simm.s32 $0x200;
	s14 =	simm.s32 $0x100;
	[sflag:s10] =	ssyncset.done $0x0  }
.LBB2_2:
0x1f: {  	s16 =	sadd.s32 s14, s8  }
0x20: {  	[sflag:s10] =	ssyncadd.s32 $0xFFFFC000;
	s14 =	smov.u32 s15;
	s17 =	sadd.s32 $0x100, s15  }
0x21: {  	[tilespmem:s4], [sflag:$0x1] =	stream.linear.gather [hbm4b:s16+s4], $0x80, $0x38;
	[tilespmem:$0x17C80] =	vst v63  }
0x22: {  	p0 =	sne.s32 s15, $0x9F00;
	_ =	swait.ge [sflag:s10], $0x80  }
.Ltmp0:
0x23: {  	[sflag:s10] =	ssyncset.done $0x0;
	(pc) =	sbr.rel @p0 .LBB2_2-.Ltmp0, $4  }
0x24: {  	[sflag:s10] =	ssyncadd.s32 $0xFFFFFF80  }
0x25: {  	[spmem:s3] =	stream.indirect.scatter.add.f32 [tilespmem:s9], [sflag:$0x1], $0x80, s4, s9, $0xb8;
	[tilespmem:$0x17C80] =	vst v63  }
0x26: {  	_ =	swait.ge [sflag:s10], $0x4000  }
0x27: {  	s15 =	smov.u32 s17;
	[sflag:s10] =	ssyncset.done $0x0  }
0x28: {  	s14 =	sadd.s32 s14, s8;
	[sflag:s10] =	ssyncadd.s32 $0xFFFFC000  }
0x29: {  	[tilespmem:s4], [sflag:$0x1] =	stream.linear.gather [hbm4b:s14+s4], $0x80, $0x38;
	[tilespmem:$0x17C80] =	vst v63  }
0x2a: {  	_ =	swait.ge [sflag:s10], $0x80  }
0x2b: {  	[sflag:s10] =	ssyncset.done $0x0  }
0x2c: {  	[sflag:s10] =	ssyncadd.s32 $0xFFFFFF80  }
0x2d: {  	[spmem:s3] =	stream.indirect.scatter.add.f32 [tilespmem:s9], [sflag:$0x1], $0x80, s4, s9, $0xb8;
	[tilespmem:$0x17C80] =	vst v63  }
0x2e: {  	_ =	swait.ge [sflag:s10], $0x4000  }
0x2f: {  	s13 =	sadd.s32 $0x1, s13;
	[sflag:s10] =	ssyncset.done $0x0  }
0x30: {  	p0 =	sne.s32 s13, s7;
	[sflag:s10] =	ssyncadd.s32 $0xFFFFC000  }
.Ltmp1:
0x31: {  	[bflag:$0x0] =	sbarrier.arrive $0xFFFF;
	(pc) =	sbr.rel @p0 .LBB2_1-.Ltmp1, $4  }
0x32: {  	[hbm:s6], [sflag:s11] =	dma.local [spmem:s12], $0x2780  }
0x33: {  	_ =	swait.ge [sflag:s10], $0x2780  }
0x34: {  	[sflag:s10] =	ssyncset.done $0x0  }
0x35: {  	[sflag:s10] =	ssyncadd.s32 $0xFFFFD880  }
0x36: {  	_ =	sfence.sel $0x180000  }
0x37: {  	[bflag:$0x0] =	sbarrier.arrive $0xFFFF  }
0x38: {  	p0 =	sne.s32 s1, $0x0;
	_ =	strace $0x90000047  }
0x39: {  	s0 =	sadd.s32 @!p0 $0x100000, s0;
	[bflag:$0x2] =	sbarrier.arrive $0xFFFF  }
0x3a: {  	[sflag:s0] =	ssyncadd.tile.s32 @!p0 $0x1;
	_ =	shalt  }
.Lfunc_end2:
_tile_overlayer_lowered:
.L_overlay_start_2:
0x3b: {  	(tag) =	ssettag $0x2  }
0x3c: {  	s0 =	rddreg [dreg:$0x0];
	s2 =	stileid.u32  }
0x3d: {  	s1 =	rddreg [dreg:$0x1];
	p0 =	sne.s32 s2, $0x0  }
0x3e: {  	s3 =	rddreg [dreg:$0x2];
	[bflag:$0x3] =	sbarrier.arrive $0xFFFF;
	s2 =	simm.s32 @!p0 $0x1C01  }
0x3f: {  	[timem:s3], [sflag:s2] =	dma.local @!p0 [hbm:s0], s1  }
0x40: {  	s0 =	simm.s32 @!p0 $0x1  }
0x41: {  	_ =	swait.ge @!p0 [sflag:s0], s1  }
0x42: {  	s1 =	ssub.s32 @!p0 $0x0, s1;
	[sflag:s0] =	ssyncset.done @!p0 $0x0  }
0x43: {  	[sflag:s0] =	ssyncadd.s32 @!p0 s1  }
0x44: {  	[bflag:$0x3] =	sbarrier.arrive $0xFFFF  }
0x45: {  	_ =	shalt  }

// kernel: kernel.17.cloned.1.call-start
scs
__scs_entry_jumppad:
0x0: {  	(pc) =	sbr.rel $0x88, $3  }
0x1: {  	(tag) =	ssettag $0x0;
	lr =	simm.s32 $0x1  }
0x2: {  	[smem:$0x3F83] =	sst lr;
	_ =	strace $0xD0000000  }
0x3: {  	_ = 	snop  }
0x4: {  	_ = 	snop  }
0x5: {  	_ = 	snop  }
0x6: {  	_ = 	snop  }
0x7: {  	_ = 	snop  }
__scs_overlays_trampoline_lowered:
0x8: {  	[smem:$0x3F92] =	sst s0  }
0x9: {  	[smem:$0x3F93] =	sst s1  }
0xa: {  	[smem:$0x3F94] =	sst s2  }
0xb: {  	[smem:$0x3F95] =	sst s3  }
0xc: {  	[smem:$0x3F96] =	sst s4  }
0xd: {  	[smem:$0x3F97] =	sst s5  }
0xe: {  	[smem:$0x3F98] =	sst s6  }
0xf: {  	[smem:$0x3F99] =	sst s7  }
0x10: {  	[smem:$0x3F9A] =	sst s8  }
0x11: {  	[smem:$0x3F9B] =	sst s9;
	s0 =	simm.s32 @!p0 $0x0  }
0x12: {  	s1 =	sld [smem:$0x3F81];
	s0 =	simm.s32 @p0 $0x1  }
0x13: {  	[smem:$0x3F9C] =	sst s0;
	s0 =	simm.s32 @!p1 $0x0  }
0x14: {  	s2 =	sld [smem:$0x3F80];
	s0 =	simm.s32 @p1 $0x1  }
0x15: {  	[smem:$0x3F9D] =	sst s0;
	s0 =	simm.s32 @!p2 $0x0  }
0x16: {  	s3 =	sld [smem:$0x3FDB];
	s0 =	simm.s32 @p2 $0x1  }
0x17: {  	s4 =	simm.s32 $0x1BF5;
	[smem:$0x3F9F] =	sst s0  }
0x18: {  	s0 =	sld [smem:$0x3F82];
	_ =	swait.ge [sflag:s4], $0x0  }
0x19: {  	s7 =	sld [smem:$0x3F83]  }
0x1a: {  	s8 =	sadd.s32 $0xFFFFE003, lr  }
0x1b: {  	s9 =	sadd.s32 $0xFFFFFEF7, lr;
	s5 =	simm.s32 $0xFFFFFFFF;
	p2 =	slt.u32 s8, $0xFFFFF086  }
0x1c: {  	p1 =	slt.u32 s9, $0xF7A;
	s5 =	simm.s32 @!p2 $0x0  }
0x1d: {  	s5 =	simm.s32 @p1 $0x1;
	p0 =	seq.s32 s7, s2  }
0x1e: {  	s7 =	smul.u32 @!p0 $0xF7A, s2;
	p2 =	seq.s32 @!p0 s5, $0x0  }
0x1f: {  	s9 =	smul.u32 $0xF7A, s1;
	s8 =	simm.s32 @!p0 $0x1BF5;
	p2 =	por !p2, p0  }
0x20: {  	[sflag:s8] =	ssyncset.s32 @!p0 $0xFFFFF086;
	s6 =	sadd.s32 @!p0 s3, s7;
	s7 =	simm.s32 @!p0 $0x108  }
0x21: {  	s3 =	sadd.s32 s3, s9;
	s6 =	sadd.s32 @!p0 $0x88, s6;
	s7 =	simm.s32 @p2 $0x1082  }
0x22: {  	[simem:s7], [sflag:s8] =	dma.local @!p0 [hbm:s6], $0xF7A  }
0x23: {  	s9 =	sor.u32 $0xD0000000, s2;
	s6 =	simm.s32 $0x108;
	_ =	swait.ge @!p0 [sflag:s8], $0x0  }
0x24: {  	s3 =	sadd.s32 $0x88, s3;
	s6 =	simm.s32 @!p1 $0x1082;
	[sflag:s4] =	ssyncset.s32 $0xFFFFF086  }
0x25: {  	[simem:s6], [sflag:s4] =	dma.local [hbm:s3], $0xF7A  }
0x26: {  	[smem:$0x3F83] =	sst s1;
	(tag) =	ssettag s2;
	_ =	strace s9  }
0x27: {  	s1 =	sld [smem:$0x3F93]  }
0x28: {  	s2 =	sld [smem:$0x3F94]  }
0x29: {  	s4 =	sld [smem:$0x3F96]  }
0x2a: {  	p0 =	seq.s32 s5, $0x0;
	s5 =	sld [smem:$0x3F97]  }
0x2b: {  	s6 =	sld [smem:$0x3F98]  }
0x2c: {  	s7 =	sld [smem:$0x3F99]  }
0x2d: {  	s3 =	simm.s32 $0x108;
	s8 =	sld [smem:$0x3F9A]  }
0x2e: {  	s3 =	simm.s32 @!p0 $0x1082;
	s9 =	sld [smem:$0x3F9B]  }
0x2f: {  	lr =	sadd.s32 s0, s3;
	s0 =	sld [smem:$0x3F92]  }
0x30: {  	s3 =	sld [smem:$0x3F95]  }
0x31: {  	[smem:$0x3F9E] =	sst s10  }
0x32: {  	s10 =	sld [smem:$0x3F9C];
	_ =	sdelay $0x3  }
0x33: {  	p0 =	seq.s32 s10, $0x1;
	s10 =	sld [smem:$0x3F9E];
	_ =	sdelay $0x3  }
0x34: {  	[smem:$0x3F9E] =	sst s10  }
0x35: {  	s10 =	sld [smem:$0x3F9D];
	_ =	sdelay $0x3  }
0x36: {  	p1 =	seq.s32 s10, $0x1;
	s10 =	sld [smem:$0x3F9E];
	_ =	sdelay $0x3  }
0x37: {  	[smem:$0x3F9E] =	sst s10  }
0x38: {  	s10 =	sld [smem:$0x3F9F]  }
0x39: {  	_ = 	snop;
	(pc) =	sbr.ind lr, $3  }
0x3a: {  	_ = 	snop  }
0x3b: {  	_ = 	snop  }
0x3c: {  	p2 =	seq.s32 s10, $0x1;
	s10 =	sld [smem:$0x3F9E]  }
0x3d: {  	_ =	shalt  }
0x3e: {  	_ =	shalt  }
0x3f: {  	_ =	shalt  }
0x40: {  	_ =	shalt  }
0x41: {  	_ =	shalt  }
0x42: {  	_ =	shalt  }
0x43: {  	_ =	shalt  }
0x44: {  	_ =	shalt  }
0x45: {  	_ =	shalt  }
0x46: {  	_ =	shalt  }
0x47: {  	_ =	shalt  }
0x48: {  	_ =	shalt  }
0x49: {  	_ =	shalt  }
0x4a: {  	_ =	shalt  }
0x4b: {  	_ =	shalt  }
0x4c: {  	_ =	shalt  }
0x4d: {  	_ =	shalt  }
0x4e: {  	_ =	shalt  }
0x4f: {  	_ =	shalt  }
0x50: {  	_ =	shalt  }
0x51: {  	_ =	shalt  }
0x52: {  	_ =	shalt  }
0x53: {  	_ =	shalt  }
0x54: {  	_ =	shalt  }
0x55: {  	_ =	shalt  }
0x56: {  	_ =	shalt  }
0x57: {  	_ =	shalt  }
0x58: {  	_ =	shalt  }
0x59: {  	_ =	shalt  }
0x5a: {  	_ =	shalt  }
0x5b: {  	_ =	shalt  }
0x5c: {  	_ =	shalt  }
0x5d: {  	_ =	shalt  }
0x5e: {  	_ =	shalt  }
0x5f: {  	_ =	shalt  }
0x60: {  	_ =	shalt  }
0x61: {  	_ =	shalt  }
0x62: {  	_ =	shalt  }
0x63: {  	_ =	shalt  }
0x64: {  	_ =	shalt  }
0x65: {  	_ =	shalt  }
0x66: {  	_ =	shalt  }
0x67: {  	_ =	shalt  }
0x68: {  	_ =	shalt  }
0x69: {  	_ =	shalt  }
0x6a: {  	_ =	shalt  }
0x6b: {  	_ =	shalt  }
0x6c: {  	_ =	shalt  }
0x6d: {  	_ =	shalt  }
0x6e: {  	_ =	shalt  }
0x6f: {  	_ =	shalt  }
0x70: {  	_ =	shalt  }
0x71: {  	_ =	shalt  }
0x72: {  	_ =	shalt  }
0x73: {  	_ =	shalt  }
0x74: {  	_ =	shalt  }
0x75: {  	_ =	shalt  }
0x76: {  	_ =	shalt  }
0x77: {  	_ =	shalt  }
0x78: {  	_ =	shalt  }
0x79: {  	_ =	shalt  }
0x7a: {  	_ =	shalt  }
0x7b: {  	_ =	shalt  }
0x7c: {  	_ =	shalt  }
0x7d: {  	_ =	shalt  }
0x7e: {  	_ =	shalt  }
0x7f: {  	_ =	shalt  }
0x80: {  	_ =	shalt  }
0x81: {  	_ =	shalt  }
0x82: {  	_ =	shalt  }
0x83: {  	_ =	shalt  }
0x84: {  	_ =	shalt  }
0x85: {  	_ =	shalt  }
0x86: {  	_ =	shalt  }
0x87: {  	_ =	shalt  }
.Lfunc_end0:
.L_simem_size_0:
called_computation.1_lowered:
.L_overlay_start_0:
0x88: {  	s2 =	sld [smem:$0x3FD9]  }
0x89: {  	s3 =	sld [smem:$0x3FFE];
	_ =	sdelay $0x1  }
0x8a: {  	s1 =	srdreg.scid  }
0x8b: {  	s0 =	sand.u32 $0x1, s1  }
0x8c: {  	s15 =	sshll.u32 s0, $0xA;
	s2 =	sadd.s32 s3, s2  }
0x8d: {  	s2 =	sadd.s32 s2, s15  }
0x8e: {  	[smem:$0x3FAA] =	sst s2  }
0x8f: {  	_ = 	snop  }
0x90: {  	s2 =	sld [smem:$0x3FD0];
	_ =	sdelay $0x2  }
0x91: {  	s4 =	simm.s32 $0xB;
	s16 =	simm.s32 $0x10  }
0x92: {  	[smem:s16], [sflag:s4] =	dma.local [hbm:s2], $0x1  }
0x93: {  	_ =	swait.eq [sflag:s4], $0x1  }
0x94: {  	[sflag:s4] =	ssyncset.done $0x0  }
0x95: {  	s17 =	sld [smem:$0x11];
	[sflag:s4] =	ssyncadd.s32 $0xFFFFFFFF  }
0x96: {  	s18 =	sld [smem:$0x13];
	(tm) =	ssettm $0x1  }
0x97: {  	s19 =	sld [smem:$0x3FFB];
	_ =	sdelay $0x3  }
0x98: {  	_ =	strace s19  }
0x99: {  	s2 =	sld [smem:$0x3FFC];
	_ =	sdelay $0x3  }
0x9a: {  	_ =	strace s2  }
0x9b: {  	s2 =	sld [smem:$0x3FFD];
	_ =	sdelay $0x3  }
0x9c: {  	_ =	strace s2  }
0x9d: {  	_ =	strace $0x8FFFFFFF  }
0x9e: {  	s20 =	sld [smem:$0x3FDB];
	_ =	sdelay $0x1  }
0x9f: {  	s5 =	simm.s32 $_scs_section_size  }
0xa0: {  	s6 =	simm.s32 $_size__tile_overlayer_lowered;
	s7 =	simm.s32 $_tile_overlayer_lowered  }
0xa1: {  	s8 =	simm.s32 $0x1BFF;
	s21 =	sshll.u32 s7, $0x1;
	s5 =	sadd.s32 s5, s20  }
0xa2: {  	s22 =	simm.s32 $0x0;
	s6 =	sshll.u32 s6, $0x1;
	s7 =	sadd.s32 s21, s5  }
0xa3: {  	[timem:s22], [sflag:s8] =	dma.local [hbm:s7], s6  }
0xa4: {  	_ =	swait.ge [sflag:s8], s6  }
0xa5: {  	s6 =	ssub.s32 $0x0, s6;
	[sflag:s8] =	ssyncset.done $0x0  }
0xa6: {  	[sflag:s8] =	ssyncadd.s32 s6;
	_ =	sdelay $0x1  }
0xa7: {  	s23 =	simm.s32 $0x1B8B  }
0xa8: {  	_ =	swait.ge [sflag:s23], $0x1  }
0xa9: {  	[sflag:s23] =	ssyncset.done $0x0  }
0xaa: {  	[sflag:s23] =	ssyncadd.s32 $0xFFFFFFFF  }
0xab: {  	s6 =	sld [smem:$0x0]  }
0xac: {  	s7 =	sand.u32 $0xFFFFFFFE, s1  }
0xad: {  	p0 =	sne.s32 s1, s7  }
0xae: {  	s7 =	sshll.u32 @p0 s7, $0xE  }
0xaf: {  	s7 =	sadd.s32 @p0 $0x11B8D, s7;
	s8 =	sshll.u32 @p0 s6, $0x11  }
0xb0: {  	s7 =	sor.u32 @p0 s8, s7  }
0xb1: {  	[sflag:s7] =	ssyncadd.remote.s32 @p0 $0x1;
	_ =	sdelay $0x1  }
0xb2: {  	s7 =	simm.s32 @p0 $0x1B8D  }
0xb3: {  	_ =	swait.eq @p0 [sflag:s7], $0x1  }
0xb4: {  	[sflag:s7] =	ssyncadd.s32 @p0 $0xFFFFFFFF  }
0xb5: {  	s8 =	sshll.u32 @!p0 s1, $0xE  }
0xb6: {  	s8 =	sor.u32 @!p0 $0x4000, s8;
	s7 =	simm.s32 @!p0 $0x1B8D  }
0xb7: {  	s6 =	sshll.u32 @!p0 s6, $0x11;
	s8 =	sadd.s32 @!p0 $0x11B8D, s8;
	_ =	swait.eq @!p0 [sflag:s7], $0x1  }
0xb8: {  	s6 =	sor.u32 @!p0 s6, s8;
	[sflag:s7] =	ssyncadd.s32 @!p0 $0xFFFFFFFF  }
0xb9: {  	s25 =	simm.s32 $0x1B8E;
	s24 =	sld [smem:$0x3FFE];
	[sflag:s6] =	ssyncadd.remote.s32 @!p0 $0x1  }
0xba: {  	s26 =	simm.s32 $execute0_lowered;
	[smem:$0x3FD2] =	sst s25  }
0xbb: {  	s7 =	sshll.u32 s26, $0x1;
	_ =	strace $0x8000004C;
	[dreg:$0x1] =	wrdreg $0xFFFFFFFF  }
0xbc: {  	s28 =	simm.s32 $_size_execute0_lowered;
	s5 =	sadd.s32 s5, s7;
	[dreg:$0x0] =	wrdreg $0x0  }
0xbd: {  	s7 =	sshll.u32 s28, $0x1;
	[dreg:$0x2] =	wrdreg s5  }
0xbe: {  	[dreg:$0x3] =	wrdreg s7  }
0xbf: {  	[dreg:$0x4] =	wrdreg $0xC0  }
0xc0: {  	_ =	task [dreg:s22], $0x5FFFF  }
0xc1: {  	[dreg:$0x1] =	wrdreg $0xFFFFFFFF  }
0xc2: {  	[dreg:$0x0] =	wrdreg $0x60  }
0xc3: {  	[dreg:$0x2] =	wrdreg s18  }
0xc4: {  	[dreg:$0x3] =	wrdreg s17  }
0xc5: {  	[dreg:$0x4] =	wrdreg s24  }
0xc6: {  	[dreg:$0x5] =	wrdreg $0x41000  }
0xc7: {  	[dreg:$0x6] =	wrdreg $0x9  }
0xc8: {  	_ =	task.clear_ibuf [dreg:s22], $0x7FFFF;
	_ =	strace $0x9000004C  }
0xc9: {  	s29 =	simm.s32 $0x9;
	_ =	strace $0x8000004E  }
0xca: {  	_ =	swait.ge [sflag:s29], $0x1  }
0xcb: {  	[sflag:s29] =	ssyncadd.s32 $0xFFFFFFFF  }
0xcc: {  	_ =	strace $0x9000004E  }
0xcd: {  	_ =	sfence  }
0xce: {  	s30 =	sld [smem:$0x0];
	_ =	sdelay $0x2  }
0xcf: {  	s31 =	sshll.u32 s1, $0xD;
	s1 =	sshrl.u32 s1, $0x2  }
0xd0: {  	s4 =	sand.u32 $0x4000, s31;
	s1 =	sadd.s32 s1, s30  }
0xd1: {  	s0 =	sor.u32 s4, s0;
	s1 =	sshll.u32 s1, $0x11  }
0xd2: {  	s0 =	sor.u32 s1, s0  }
0xd3: {  	s0 =	sadd.s32 $0x8F2B, s0  }
0xd4: {  	[sflag:s0] =	ssyncadd.remote.s32 $0x1  }
0xd5: {  	_ =	sfence.sel $0xFFFF  }
0xd6: {  	[dreg:$0x0] =	wrdreg $0xFFFFFFFF;
	(pc) =	sbr.abs _section_cstart, $3  }
0xd7: {  	[dreg:$0x1] =	wrdreg $0xFFFFFFFF  }
0xd8: {  	_ =	task.clear_ibuf [dreg:s22], $0x2FFFF;
	_ =	strace $0x9FFFFFFF  }
0xd9: {  	(tm) =	ssettm $0x7FFFFFFF  }
tec
execute0_lowered:
.L_overlay_start_1:
0x0: {  	(tag) =	ssettag $0x1  }
0x1: {  	s1 =	rddreg [dreg:$0x0]  }
0x2: {  	s10 =	rddreg [dreg:$0x1]  }
0x3: {  	s6 =	rddreg [dreg:$0x2]  }
0x4: {  	s3 =	rddreg [dreg:$0x3];
	s4 =	srdreg.scid  }
0x5: {  	s0 =	rddreg [dreg:$0x4];
	s2 =	stileid.u32;
	s15 =	simm.s32 $0x1  }
0x6: {  	s16 =	simm.s32 $0x0;
	s7 =	sand.u32 $0x1, s4;
	s11 =	smul.u32 $0x13C00, s2  }
0x7: {  	s4 =	simm.s32 $0x0;
	s8 =	sshll.u32 s2, $0x7;
	s13 =	smul.u32 $0x4F000, s2  }
0x8: {  	s30 =	sshll.u32 s2, $0x6;
	s9 =	smul.u32 $0x13C000, s7;
	[smem:$0x7FF] =	sst s4  }
0x9: {  	s5 =	sshrl.u32 s8, $0x3;
	s28 =	ssub.s32 $0x2, s7;
	s7 =	smul.u32 $0x50000, s7  }
0xa: {  	_ =	strace $0x8000004D;
	s12 =	sadd.s32 s5, s6;
	s5 =	sadd.s32 $0xFE00, s6  }
0xb: {  	s14 =	sshrl.u32 s28, $0x1;
	s29 =	sshrl.u32 s13, $0x2;
	s9 =	sadd.s32 s11, s9  }
0xc: {  	s11 =	ssub.s32 s28, s14;
	s13 =	sadd.s32 s29, s3;
	s8 =	sor.u32 s7, s8  }
0xd: {  	s14 =	simm.s32 $0x100;
	s9 =	sshrl.u32 s9, $0x3;
	s31 =	sshrl.u32 s8, $0x3  }
0xe: {  	s8 =	smax.u32 s11, $0x1;
	s11 =	sshrl.u32 s13, $0x3;
	s13 =	simm.s32 $0x80  }
0xf: {  	s9 =	sadd.s32 s9, s6;
	s6 =	sor.u32 $0x1C02, s30;
	s10 =	sadd.s32 s31, s10  }
0x10: {  	s7 =	sadd.s32 $0x75600, s9;
	s9 =	sadd.s32 $0x5E00, s12;
	s12 =	simm.s32 $0x2  }
.LBB2_1:
0x11: {  	[spmem:s11], [sflag:s6] =	dma.local [hbm:s5], $0x2780  }
0x12: {  	_ =	swait.ge [sflag:s12], $0x2780  }
0x13: {  	[sflag:s12] =	ssyncset.done $0x0  }
0x14: {  	[sflag:s12] =	ssyncadd.s32 $0xFFFFD880  }
0x15: {  	s17 =	sadd.s32 $0x0, s10;
	[bflag:$0x0] =	sbarrier.arrive $0xFFFF  }
0x16: {  	[tilespmem:s4], [sflag:$0x2] =	stream.linear.gather [hbm4b:s17+s4], $0x80, $0x38;
	[tilespmem:$0x17D00] =	vst v63  }
0x17: {  	_ =	swait.ge [sflag:s12], $0x80  }
0x18: {  	[sflag:s12] =	ssyncset.done $0x0  }
0x19: {  	s31 =	sadd.s32 $0x0, s9;
	[sflag:s12] =	ssyncadd.s32 $0xFFFFFF80  }
0x1a: {  	[tilespmem:s13], [sflag:$0x2] =	stream.linear.gather [hbm4b:s31+s4], $0x80, $0x38;
	[tilespmem:$0x17D00] =	vst v63  }
0x1b: {  	_ =	swait.ge [sflag:s12], $0x80  }
0x1c: {  	[sflag:s12] =	ssyncset.done $0x0  }
0x1d: {  	[sflag:s12] =	ssyncadd.s32 $0xFFFFFF80  }
0x1e: {  	[tilespmem:s14], [sflag:$0x1] =	stream.indirect.gather [hbm4b:s1+s13], $0x80, s4, s13, $0xb8;
	[tilespmem:$0x17D00] =	vst v63  }
0x1f: {  	_ =	swait.ge [sflag:s15], $0x4000  }
0x20: {  	[sflag:s15] =	ssyncset.done $0x0  }
0x21: {  	[sflag:s15] =	ssyncadd.s32 $0xFFFFC000  }
0x22: {  	[spmem:s3] =	stream.indirect.scatter.add.f32 [tilespmem:s14], [sflag:$0x2], $0x80, s13, s13, $0xb8;
	[tilespmem:$0x17D00] =	vst v63  }
0x23: {  	_ =	swait.ge [sflag:s12], $0x4000  }
0x24: {  	s18 =	simm.s32 $0x200;
	s17 =	simm.s32 $0x100;
	[sflag:s12] =	ssyncset.done $0x0  }
.LBB2_2:
0x25: {  	s19 =	sadd.s32 s17, s10  }
0x26: {  	[sflag:s12] =	ssyncadd.s32 $0xFFFFC000;
	s20 =	smov.u32 s18;
	s21 =	sadd.s32 $0x100, s18  }
0x27: {  	[tilespmem:s4], [sflag:$0x2] =	stream.linear.gather [hbm4b:s19+s4], $0x80, $0x38;
	[tilespmem:$0x17D00] =	vst v63  }
0x28: {  	p0 =	sne.s32 s18, $0x9F00;
	_ =	swait.ge [sflag:s12], $0x80  }
0x29: {  	[sflag:s12] =	ssyncset.done $0x0  }
0x2a: {  	s18 =	sadd.s32 s17, s9;
	s17 =	smov.u32 s20;
	[sflag:s12] =	ssyncadd.s32 $0xFFFFFF80  }
0x2b: {  	[tilespmem:s13], [sflag:$0x2] =	stream.linear.gather [hbm4b:s18+s4], $0x80, $0x38;
	[tilespmem:$0x17D00] =	vst v63  }
0x2c: {  	_ =	swait.ge [sflag:s12], $0x80  }
0x2d: {  	[sflag:s12] =	ssyncset.done $0x0  }
0x2e: {  	[sflag:s12] =	ssyncadd.s32 $0xFFFFFF80  }
0x2f: {  	[tilespmem:s14], [sflag:$0x1] =	stream.indirect.gather [hbm4b:s1+s13], $0x80, s4, s13, $0xb8;
	[tilespmem:$0x17D00] =	vst v63  }
0x30: {  	_ =	swait.ge [sflag:s15], $0x4000  }
.Ltmp0:
0x31: {  	[sflag:s15] =	ssyncset.done $0x0;
	(pc) =	sbr.rel @p0 .LBB2_2-.Ltmp0, $4  }
0x32: {  	[sflag:s15] =	ssyncadd.s32 $0xFFFFC000  }
0x33: {  	[spmem:s3] =	stream.indirect.scatter.add.f32 [tilespmem:s14], [sflag:$0x2], $0x80, s13, s13, $0xb8;
	[tilespmem:$0x17D00] =	vst v63  }
0x34: {  	_ =	swait.ge [sflag:s12], $0x4000  }
0x35: {  	s18 =	smov.u32 s21;
	[sflag:s12] =	ssyncset.done $0x0  }
0x36: {  	s18 =	sadd.s32 s17, s10;
	[sflag:s12] =	ssyncadd.s32 $0xFFFFC000  }
0x37: {  	[tilespmem:s4], [sflag:$0x2] =	stream.linear.gather [hbm4b:s18+s4], $0x80, $0x38;
	[tilespmem:$0x17D00] =	vst v63  }
0x38: {  	_ =	swait.ge [sflag:s12], $0x80  }
0x39: {  	[sflag:s12] =	ssyncset.done $0x0  }
0x3a: {  	s31 =	sadd.s32 s17, s9;
	[sflag:s12] =	ssyncadd.s32 $0xFFFFFF80  }
0x3b: {  	[tilespmem:s13], [sflag:$0x2] =	stream.linear.gather [hbm4b:s31+s4], $0x80, $0x38;
	[tilespmem:$0x17D00] =	vst v63  }
0x3c: {  	_ =	swait.ge [sflag:s12], $0x80  }
0x3d: {  	[sflag:s12] =	ssyncset.done $0x0  }
0x3e: {  	[sflag:s12] =	ssyncadd.s32 $0xFFFFFF80  }
0x3f: {  	[tilespmem:s14], [sflag:$0x1] =	stream.indirect.gather [hbm4b:s1+s13], $0x80, s4, s13, $0xb8;
	[tilespmem:$0x17D00] =	vst v63  }
0x40: {  	_ =	swait.ge [sflag:s15], $0x4000  }
0x41: {  	[sflag:s15] =	ssyncset.done $0x0  }
0x42: {  	[sflag:s15] =	ssyncadd.s32 $0xFFFFC000  }
0x43: {  	[spmem:s3] =	stream.indirect.scatter.add.f32 [tilespmem:s14], [sflag:$0x2], $0x80, s13, s13, $0xb8;
	[tilespmem:$0x17D00] =	vst v63  }
0x44: {  	_ =	swait.ge [sflag:s12], $0x4000  }
0x45: {  	s16 =	sadd.s32 $0x1, s16;
	[sflag:s12] =	ssyncset.done $0x0  }
0x46: {  	p0 =	sne.s32 s16, s8;
	[sflag:s12] =	ssyncadd.s32 $0xFFFFC000  }
.Ltmp1:
0x47: {  	[bflag:$0x0] =	sbarrier.arrive $0xFFFF;
	(pc) =	sbr.rel @p0 .LBB2_1-.Ltmp1, $4  }
0x48: {  	[hbm:s7], [sflag:s6] =	dma.local [spmem:s11], $0x2780  }
0x49: {  	_ =	swait.ge [sflag:s12], $0x2780  }
0x4a: {  	[sflag:s12] =	ssyncset.done $0x0  }
0x4b: {  	[sflag:s12] =	ssyncadd.s32 $0xFFFFD880  }
0x4c: {  	_ =	sfence.sel $0x180000  }
0x4d: {  	[bflag:$0x0] =	sbarrier.arrive $0xFFFF  }
0x4e: {  	p0 =	sne.s32 s2, $0x0;
	_ =	strace $0x9000004D  }
0x4f: {  	s0 =	sadd.s32 @!p0 $0x100000, s0;
	[bflag:$0x2] =	sbarrier.arrive $0xFFFF  }
0x50: {  	[sflag:s0] =	ssyncadd.tile.s32 @!p0 $0x1;
	_ =	shalt  }
.Lfunc_end2:
_tile_overlayer_lowered:
.L_overlay_start_2:
0x51: {  	(tag) =	ssettag $0x2  }
0x52: {  	s0 =	rddreg [dreg:$0x0];
	s2 =	stileid.u32  }
0x53: {  	s1 =	rddreg [dreg:$0x1];
	p0 =	sne.s32 s2, $0x0  }
0x54: {  	s3 =	rddreg [dreg:$0x2];
	[bflag:$0x3] =	sbarrier.arrive $0xFFFF;
	s2 =	simm.s32 @!p0 $0x1C02  }
0x55: {  	[timem:s3], [sflag:s2] =	dma.local @!p0 [hbm:s0], s1  }
0x56: {  	s0 =	simm.s32 @!p0 $0x2  }
0x57: {  	_ =	swait.ge @!p0 [sflag:s0], s1  }
0x58: {  	s1 =	ssub.s32 @!p0 $0x0, s1;
	[sflag:s0] =	ssyncset.done @!p0 $0x0  }
0x59: {  	[sflag:s0] =	ssyncadd.s32 @!p0 s1  }
0x5a: {  	[bflag:$0x3] =	sbarrier.arrive $0xFFFF  }
0x5b: {  	_ =	shalt  }

// kernel: kernel.20.cloned.1.call-start
scs
__scs_entry_jumppad:
0x0: {  	(pc) =	sbr.rel $0x88, $3  }
0x1: {  	(tag) =	ssettag $0x0;
	lr =	simm.s32 $0x1  }
0x2: {  	[smem:$0x3F83] =	sst lr;
	_ =	strace $0xD0000000  }
0x3: {  	_ = 	snop  }
0x4: {  	_ = 	snop  }
0x5: {  	_ = 	snop  }
0x6: {  	_ = 	snop  }
0x7: {  	_ = 	snop  }
__scs_overlays_trampoline_lowered:
0x8: {  	[smem:$0x3F92] =	sst s0  }
0x9: {  	[smem:$0x3F93] =	sst s1  }
0xa: {  	[smem:$0x3F94] =	sst s2  }
0xb: {  	[smem:$0x3F95] =	sst s3  }
0xc: {  	[smem:$0x3F96] =	sst s4  }
0xd: {  	[smem:$0x3F97] =	sst s5  }
0xe: {  	[smem:$0x3F98] =	sst s6  }
0xf: {  	[smem:$0x3F99] =	sst s7  }
0x10: {  	[smem:$0x3F9A] =	sst s8  }
0x11: {  	[smem:$0x3F9B] =	sst s9;
	s0 =	simm.s32 @!p0 $0x0  }
0x12: {  	s1 =	sld [smem:$0x3F81];
	s0 =	simm.s32 @p0 $0x1  }
0x13: {  	[smem:$0x3F9C] =	sst s0;
	s0 =	simm.s32 @!p1 $0x0  }
0x14: {  	s2 =	sld [smem:$0x3F80];
	s0 =	simm.s32 @p1 $0x1  }
0x15: {  	[smem:$0x3F9D] =	sst s0;
	s0 =	simm.s32 @!p2 $0x0  }
0x16: {  	s3 =	sld [smem:$0x3FDB];
	s0 =	simm.s32 @p2 $0x1  }
0x17: {  	s4 =	simm.s32 $0x1BF5;
	[smem:$0x3F9F] =	sst s0  }
0x18: {  	s0 =	sld [smem:$0x3F82];
	_ =	swait.ge [sflag:s4], $0x0  }
0x19: {  	s7 =	sld [smem:$0x3F83]  }
0x1a: {  	s8 =	sadd.s32 $0xFFFFE003, lr  }
0x1b: {  	s9 =	sadd.s32 $0xFFFFFEF7, lr;
	s5 =	simm.s32 $0xFFFFFFFF;
	p2 =	slt.u32 s8, $0xFFFFF086  }
0x1c: {  	p1 =	slt.u32 s9, $0xF7A;
	s5 =	simm.s32 @!p2 $0x0  }
0x1d: {  	s5 =	simm.s32 @p1 $0x1;
	p0 =	seq.s32 s7, s2  }
0x1e: {  	s7 =	smul.u32 @!p0 $0xF7A, s2;
	p2 =	seq.s32 @!p0 s5, $0x0  }
0x1f: {  	s9 =	smul.u32 $0xF7A, s1;
	s8 =	simm.s32 @!p0 $0x1BF5;
	p2 =	por !p2, p0  }
0x20: {  	[sflag:s8] =	ssyncset.s32 @!p0 $0xFFFFF086;
	s6 =	sadd.s32 @!p0 s3, s7;
	s7 =	simm.s32 @!p0 $0x108  }
0x21: {  	s3 =	sadd.s32 s3, s9;
	s6 =	sadd.s32 @!p0 $0x88, s6;
	s7 =	simm.s32 @p2 $0x1082  }
0x22: {  	[simem:s7], [sflag:s8] =	dma.local @!p0 [hbm:s6], $0xF7A  }
0x23: {  	s9 =	sor.u32 $0xD0000000, s2;
	s6 =	simm.s32 $0x108;
	_ =	swait.ge @!p0 [sflag:s8], $0x0  }
0x24: {  	s3 =	sadd.s32 $0x88, s3;
	s6 =	simm.s32 @!p1 $0x1082;
	[sflag:s4] =	ssyncset.s32 $0xFFFFF086  }
0x25: {  	[simem:s6], [sflag:s4] =	dma.local [hbm:s3], $0xF7A  }
0x26: {  	[smem:$0x3F83] =	sst s1;
	(tag) =	ssettag s2;
	_ =	strace s9  }
0x27: {  	s1 =	sld [smem:$0x3F93]  }
0x28: {  	s2 =	sld [smem:$0x3F94]  }
0x29: {  	s4 =	sld [smem:$0x3F96]  }
0x2a: {  	p0 =	seq.s32 s5, $0x0;
	s5 =	sld [smem:$0x3F97]  }
0x2b: {  	s6 =	sld [smem:$0x3F98]  }
0x2c: {  	s7 =	sld [smem:$0x3F99]  }
0x2d: {  	s3 =	simm.s32 $0x108;
	s8 =	sld [smem:$0x3F9A]  }
0x2e: {  	s3 =	simm.s32 @!p0 $0x1082;
	s9 =	sld [smem:$0x3F9B]  }
0x2f: {  	lr =	sadd.s32 s0, s3;
	s0 =	sld [smem:$0x3F92]  }
0x30: {  	s3 =	sld [smem:$0x3F95]  }
0x31: {  	[smem:$0x3F9E] =	sst s10  }
0x32: {  	s10 =	sld [smem:$0x3F9C];
	_ =	sdelay $0x3  }
0x33: {  	p0 =	seq.s32 s10, $0x1;
	s10 =	sld [smem:$0x3F9E];
	_ =	sdelay $0x3  }
0x34: {  	[smem:$0x3F9E] =	sst s10  }
0x35: {  	s10 =	sld [smem:$0x3F9D];
	_ =	sdelay $0x3  }
0x36: {  	p1 =	seq.s32 s10, $0x1;
	s10 =	sld [smem:$0x3F9E];
	_ =	sdelay $0x3  }
0x37: {  	[smem:$0x3F9E] =	sst s10  }
0x38: {  	s10 =	sld [smem:$0x3F9F]  }
0x39: {  	_ = 	snop;
	(pc) =	sbr.ind lr, $3  }
0x3a: {  	_ = 	snop  }
0x3b: {  	_ = 	snop  }
0x3c: {  	p2 =	seq.s32 s10, $0x1;
	s10 =	sld [smem:$0x3F9E]  }
0x3d: {  	_ =	shalt  }
0x3e: {  	_ =	shalt  }
0x3f: {  	_ =	shalt  }
0x40: {  	_ =	shalt  }
0x41: {  	_ =	shalt  }
0x42: {  	_ =	shalt  }
0x43: {  	_ =	shalt  }
0x44: {  	_ =	shalt  }
0x45: {  	_ =	shalt  }
0x46: {  	_ =	shalt  }
0x47: {  	_ =	shalt  }
0x48: {  	_ =	shalt  }
0x49: {  	_ =	shalt  }
0x4a: {  	_ =	shalt  }
0x4b: {  	_ =	shalt  }
0x4c: {  	_ =	shalt  }
0x4d: {  	_ =	shalt  }
0x4e: {  	_ =	shalt  }
0x4f: {  	_ =	shalt  }
0x50: {  	_ =	shalt  }
0x51: {  	_ =	shalt  }
0x52: {  	_ =	shalt  }
0x53: {  	_ =	shalt  }
0x54: {  	_ =	shalt  }
0x55: {  	_ =	shalt  }
0x56: {  	_ =	shalt  }
0x57: {  	_ =	shalt  }
0x58: {  	_ =	shalt  }
0x59: {  	_ =	shalt  }
0x5a: {  	_ =	shalt  }
0x5b: {  	_ =	shalt  }
0x5c: {  	_ =	shalt  }
0x5d: {  	_ =	shalt  }
0x5e: {  	_ =	shalt  }
0x5f: {  	_ =	shalt  }
0x60: {  	_ =	shalt  }
0x61: {  	_ =	shalt  }
0x62: {  	_ =	shalt  }
0x63: {  	_ =	shalt  }
0x64: {  	_ =	shalt  }
0x65: {  	_ =	shalt  }
0x66: {  	_ =	shalt  }
0x67: {  	_ =	shalt  }
0x68: {  	_ =	shalt  }
0x69: {  	_ =	shalt  }
0x6a: {  	_ =	shalt  }
0x6b: {  	_ =	shalt  }
0x6c: {  	_ =	shalt  }
0x6d: {  	_ =	shalt  }
0x6e: {  	_ =	shalt  }
0x6f: {  	_ =	shalt  }
0x70: {  	_ =	shalt  }
0x71: {  	_ =	shalt  }
0x72: {  	_ =	shalt  }
0x73: {  	_ =	shalt  }
0x74: {  	_ =	shalt  }
0x75: {  	_ =	shalt  }
0x76: {  	_ =	shalt  }
0x77: {  	_ =	shalt  }
0x78: {  	_ =	shalt  }
0x79: {  	_ =	shalt  }
0x7a: {  	_ =	shalt  }
0x7b: {  	_ =	shalt  }
0x7c: {  	_ =	shalt  }
0x7d: {  	_ =	shalt  }
0x7e: {  	_ =	shalt  }
0x7f: {  	_ =	shalt  }
0x80: {  	_ =	shalt  }
0x81: {  	_ =	shalt  }
0x82: {  	_ =	shalt  }
0x83: {  	_ =	shalt  }
0x84: {  	_ =	shalt  }
0x85: {  	_ =	shalt  }
0x86: {  	_ =	shalt  }
0x87: {  	_ =	shalt  }
.Lfunc_end0:
.L_simem_size_0:
called_computation.2_lowered:
.L_overlay_start_0:
0x88: {  	s2 =	sld [smem:$0x3FD9]  }
0x89: {  	s3 =	sld [smem:$0x3FFE];
	_ =	sdelay $0x1  }
0x8a: {  	s1 =	srdreg.scid  }
0x8b: {  	s0 =	sand.u32 $0x1, s1  }
0x8c: {  	s14 =	sshll.u32 s0, $0xA;
	s2 =	sadd.s32 s3, s2  }
0x8d: {  	s2 =	sadd.s32 s2, s14  }
0x8e: {  	[smem:$0x3FAA] =	sst s2  }
0x8f: {  	_ = 	snop  }
0x90: {  	s2 =	sld [smem:$0x3FD0];
	_ =	sdelay $0x2  }
0x91: {  	s15 =	simm.s32 $0xB;
	s4 =	simm.s32 $0x10  }
0x92: {  	[smem:s4], [sflag:s15] =	dma.local [hbm:s2], $0x1  }
0x93: {  	_ =	swait.eq [sflag:s15], $0x1  }
0x94: {  	[sflag:s15] =	ssyncset.done $0x0  }
0x95: {  	s16 =	sld [smem:$0x10];
	[sflag:s15] =	ssyncadd.s32 $0xFFFFFFFF  }
0x96: {  	s17 =	sld [smem:$0x12];
	(tm) =	ssettm $0x1  }
0x97: {  	s18 =	sld [smem:$0x3FFB];
	_ =	sdelay $0x3  }
0x98: {  	_ =	strace s18  }
0x99: {  	s4 =	sld [smem:$0x3FFC];
	_ =	sdelay $0x3  }
0x9a: {  	_ =	strace s4  }
0x9b: {  	s4 =	sld [smem:$0x3FFD];
	_ =	sdelay $0x3  }
0x9c: {  	_ =	strace s4  }
0x9d: {  	_ =	strace $0x8FFFFFFF  }
0x9e: {  	s19 =	sld [smem:$0x3FDB];
	_ =	sdelay $0x1  }
0x9f: {  	s5 =	simm.s32 $_scs_section_size  }
0xa0: {  	s6 =	simm.s32 $_size__tile_overlayer_lowered;
	s7 =	simm.s32 $_tile_overlayer_lowered  }
0xa1: {  	s22 =	simm.s32 $0x1BFF;
	s21 =	sshll.u32 s7, $0x1;
	s4 =	sadd.s32 s5, s19  }
0xa2: {  	s8 =	simm.s32 $0x0;
	s20 =	sshll.u32 s6, $0x1;
	s6 =	sadd.s32 s21, s4  }
0xa3: {  	[timem:s8], [sflag:s22] =	dma.local [hbm:s6], s20  }
0xa4: {  	_ =	swait.ge [sflag:s22], s20  }
0xa5: {  	s5 =	ssub.s32 $0x0, s20;
	[sflag:s22] =	ssyncset.done $0x0  }
0xa6: {  	[sflag:s22] =	ssyncadd.s32 s5;
	_ =	sdelay $0x1  }
0xa7: {  	s23 =	simm.s32 $0x1B8B  }
0xa8: {  	_ =	swait.ge [sflag:s23], $0x1  }
0xa9: {  	[sflag:s23] =	ssyncset.done $0x0  }
0xaa: {  	s25 =	simm.s32 $0x1B8E;
	s24 =	sld [smem:$0x3FFE];
	[sflag:s23] =	ssyncadd.s32 $0xFFFFFFFF  }
0xab: {  	s26 =	simm.s32 $execute0_lowered;
	[smem:$0x3FD2] =	sst s25  }
0xac: {  	s6 =	sshll.u32 s26, $0x1;
	_ =	strace $0x80000049;
	[dreg:$0x1] =	wrdreg $0xFFFFFFFF  }
0xad: {  	s28 =	simm.s32 $_size_execute0_lowered;
	s4 =	sadd.s32 s4, s6;
	[dreg:$0x0] =	wrdreg $0x0  }
0xae: {  	s6 =	sshll.u32 s28, $0x1;
	[dreg:$0x2] =	wrdreg s4  }
0xaf: {  	[dreg:$0x3] =	wrdreg s6  }
0xb0: {  	[dreg:$0x4] =	wrdreg $0xC0  }
0xb1: {  	_ =	task [dreg:s8], $0x5FFFF  }
0xb2: {  	[dreg:$0x1] =	wrdreg $0xFFFFFFFF  }
0xb3: {  	[dreg:$0x0] =	wrdreg $0x60  }
0xb4: {  	[dreg:$0x2] =	wrdreg s17  }
0xb5: {  	[dreg:$0x3] =	wrdreg s24  }
0xb6: {  	[dreg:$0x4] =	wrdreg s16  }
0xb7: {  	[dreg:$0x5] =	wrdreg $0x41000  }
0xb8: {  	[dreg:$0x6] =	wrdreg $0xA  }
0xb9: {  	_ =	task.clear_ibuf [dreg:s8], $0x7FFFF;
	_ =	strace $0x90000049  }
0xba: {  	s29 =	simm.s32 $0xA;
	_ =	strace $0x8000004B  }
0xbb: {  	_ =	swait.ge [sflag:s29], $0x1  }
0xbc: {  	[sflag:s29] =	ssyncadd.s32 $0xFFFFFFFF  }
0xbd: {  	_ =	strace $0x9000004B  }
0xbe: {  	_ =	sfence  }
0xbf: {  	s30 =	sld [smem:$0x0];
	_ =	sdelay $0x2  }
0xc0: {  	s31 =	sshll.u32 s1, $0xD;
	s1 =	sshrl.u32 s1, $0x2  }
0xc1: {  	s3 =	sand.u32 $0x4000, s31;
	s1 =	sadd.s32 s1, s30  }
0xc2: {  	s0 =	sor.u32 s3, s0;
	s1 =	sshll.u32 s1, $0x11  }
0xc3: {  	s0 =	sor.u32 s1, s0  }
0xc4: {  	s0 =	sadd.s32 $0x8F2B, s0  }
0xc5: {  	[sflag:s0] =	ssyncadd.remote.s32 $0x1  }
0xc6: {  	_ =	sfence.sel $0xFFFF  }
0xc7: {  	[dreg:$0x0] =	wrdreg $0xFFFFFFFF;
	(pc) =	sbr.abs _section_cstart, $3  }
0xc8: {  	[dreg:$0x1] =	wrdreg $0xFFFFFFFF  }
0xc9: {  	_ =	task.clear_ibuf [dreg:s8], $0x2FFFF;
	_ =	strace $0x9FFFFFFF  }
0xca: {  	(tm) =	ssettm $0x7FFFFFFF  }
0xcb: {  	_ =	shalt  }
tec
execute0_lowered:
.L_overlay_start_1:
0x0: {  	(tag) =	ssettag $0x1  }
0x1: {  	s1 =	rddreg [dreg:$0x0]  }
0x2: {  	s6 =	rddreg [dreg:$0x1]  }
0x3: {  	s9 =	rddreg [dreg:$0x2]  }
0x4: {  	s3 =	rddreg [dreg:$0x3];
	s2 =	srdreg.scid  }
0x5: {  	s0 =	rddreg [dreg:$0x4];
	s4 =	simm.s32 $0x0;
	s7 =	sand.u32 $0x1, s2  }
0x6: {  	s14 =	simm.s32 $0x100;
	s15 =	simm.s32 $0x1;
	s5 =	smul.u32 $0x50000, s7  }
0x7: {  	s16 =	simm.s32 $0x0;
	s2 =	stileid.u32;
	s10 =	smul.u32 $0x13C000, s7  }
0x8: {  	[smem:$0x7FF] =	sst s4;
	s8 =	sshll.u32 s2, $0x7;
	s11 =	smul.u32 $0x13C00, s2  }
0x9: {  	_ =	strace $0x8000004A;
	s28 =	smul.u32 $0x4F000, s2;
	s7 =	ssub.s32 $0x2, s7  }
0xa: {  	s30 =	sshll.u32 s2, $0x6;
	s29 =	sshrl.u32 s7, $0x1;
	s31 =	sshrl.u32 s8, $0x3  }
0xb: {  	s5 =	sor.u32 s5, s8;
	s10 =	sadd.s32 s11, s10;
	s11 =	sshrl.u32 s28, $0x2  }
0xc: {  	s13 =	ssub.s32 s7, s29;
	s9 =	sadd.s32 s31, s9;
	s5 =	sshrl.u32 s5, $0x3  }
0xd: {  	s10 =	sshrl.u32 s10, $0x3;
	s11 =	sadd.s32 s11, s3;
	s8 =	smax.u32 s13, $0x1  }
0xe: {  	s13 =	simm.s32 $0x80;
	s12 =	sadd.s32 s5, s6;
	s5 =	sadd.s32 $0xFE00, s6  }
0xf: {  	s10 =	sadd.s32 s10, s6;
	s6 =	sor.u32 $0x1C02, s30;
	s11 =	sshrl.u32 s11, $0x3  }
0x10: {  	s7 =	sadd.s32 $0x12600, s10;
	s10 =	sadd.s32 $0x61600, s12;
	s12 =	simm.s32 $0x2  }
.LBB2_1:
0x11: {  	[spmem:s11], [sflag:s6] =	dma.local [hbm:s5], $0x2780  }
0x12: {  	_ =	swait.ge [sflag:s12], $0x2780  }
0x13: {  	[sflag:s12] =	ssyncset.done $0x0  }
0x14: {  	[sflag:s12] =	ssyncadd.s32 $0xFFFFD880  }
0x15: {  	s17 =	sadd.s32 $0x0, s10;
	[bflag:$0x0] =	sbarrier.arrive $0xFFFF  }
0x16: {  	[tilespmem:s4], [sflag:$0x2] =	stream.linear.gather [hbm4b:s17+s4], $0x80, $0x38;
	[tilespmem:$0x17D00] =	vst v63  }
0x17: {  	_ =	swait.ge [sflag:s12], $0x80  }
0x18: {  	[sflag:s12] =	ssyncset.done $0x0  }
0x19: {  	s31 =	sadd.s32 $0x0, s9;
	[sflag:s12] =	ssyncadd.s32 $0xFFFFFF80  }
0x1a: {  	[tilespmem:s13], [sflag:$0x2] =	stream.linear.gather [hbm4b:s31+s4], $0x80, $0x38;
	[tilespmem:$0x17D00] =	vst v63  }
0x1b: {  	_ =	swait.ge [sflag:s12], $0x80  }
0x1c: {  	[sflag:s12] =	ssyncset.done $0x0  }
0x1d: {  	[sflag:s12] =	ssyncadd.s32 $0xFFFFFF80  }
0x1e: {  	[tilespmem:s14], [sflag:$0x1] =	stream.indirect.gather [hbm4b:s1+s13], $0x80, s4, s13, $0xb8;
	[tilespmem:$0x17D00] =	vst v63  }
0x1f: {  	_ =	swait.ge [sflag:s15], $0x4000  }
0x20: {  	[sflag:s15] =	ssyncset.done $0x0  }
0x21: {  	[sflag:s15] =	ssyncadd.s32 $0xFFFFC000  }
0x22: {  	[spmem:s3] =	stream.indirect.scatter.add.f32 [tilespmem:s14], [sflag:$0x2], $0x80, s13, s13, $0xb8;
	[tilespmem:$0x17D00] =	vst v63  }
0x23: {  	_ =	swait.ge [sflag:s12], $0x4000  }
0x24: {  	s18 =	simm.s32 $0x200;
	s17 =	simm.s32 $0x100;
	[sflag:s12] =	ssyncset.done $0x0  }
.LBB2_2:
0x25: {  	s19 =	sadd.s32 s17, s10  }
0x26: {  	[sflag:s12] =	ssyncadd.s32 $0xFFFFC000;
	s20 =	smov.u32 s18;
	s21 =	sadd.s32 $0x100, s18  }
0x27: {  	[tilespmem:s4], [sflag:$0x2] =	stream.linear.gather [hbm4b:s19+s4], $0x80, $0x38;
	[tilespmem:$0x17D00] =	vst v63  }
0x28: {  	p0 =	sne.s32 s18, $0x9F00;
	_ =	swait.ge [sflag:s12], $0x80  }
0x29: {  	[sflag:s12] =	ssyncset.done $0x0  }
0x2a: {  	s18 =	sadd.s32 s17, s9;
	s17 =	smov.u32 s20;
	[sflag:s12] =	ssyncadd.s32 $0xFFFFFF80  }
0x2b: {  	[tilespmem:s13], [sflag:$0x2] =	stream.linear.gather [hbm4b:s18+s4], $0x80, $0x38;
	[tilespmem:$0x17D00] =	vst v63  }
0x2c: {  	_ =	swait.ge [sflag:s12], $0x80  }
0x2d: {  	[sflag:s12] =	ssyncset.done $0x0  }
0x2e: {  	[sflag:s12] =	ssyncadd.s32 $0xFFFFFF80  }
0x2f: {  	[tilespmem:s14], [sflag:$0x1] =	stream.indirect.gather [hbm4b:s1+s13], $0x80, s4, s13, $0xb8;
	[tilespmem:$0x17D00] =	vst v63  }
0x30: {  	_ =	swait.ge [sflag:s15], $0x4000  }
.Ltmp0:
0x31: {  	[sflag:s15] =	ssyncset.done $0x0;
	(pc) =	sbr.rel @p0 .LBB2_2-.Ltmp0, $4  }
0x32: {  	[sflag:s15] =	ssyncadd.s32 $0xFFFFC000  }
0x33: {  	[spmem:s3] =	stream.indirect.scatter.add.f32 [tilespmem:s14], [sflag:$0x2], $0x80, s13, s13, $0xb8;
	[tilespmem:$0x17D00] =	vst v63  }
0x34: {  	_ =	swait.ge [sflag:s12], $0x4000  }
0x35: {  	s18 =	smov.u32 s21;
	[sflag:s12] =	ssyncset.done $0x0  }
0x36: {  	s18 =	sadd.s32 s17, s10;
	[sflag:s12] =	ssyncadd.s32 $0xFFFFC000  }
0x37: {  	[tilespmem:s4], [sflag:$0x2] =	stream.linear.gather [hbm4b:s18+s4], $0x80, $0x38;
	[tilespmem:$0x17D00] =	vst v63  }
0x38: {  	_ =	swait.ge [sflag:s12], $0x80  }
0x39: {  	[sflag:s12] =	ssyncset.done $0x0  }
0x3a: {  	s31 =	sadd.s32 s17, s9;
	[sflag:s12] =	ssyncadd.s32 $0xFFFFFF80  }
0x3b: {  	[tilespmem:s13], [sflag:$0x2] =	stream.linear.gather [hbm4b:s31+s4], $0x80, $0x38;
	[tilespmem:$0x17D00] =	vst v63  }
0x3c: {  	_ =	swait.ge [sflag:s12], $0x80  }
0x3d: {  	[sflag:s12] =	ssyncset.done $0x0  }
0x3e: {  	[sflag:s12] =	ssyncadd.s32 $0xFFFFFF80  }
0x3f: {  	[tilespmem:s14], [sflag:$0x1] =	stream.indirect.gather [hbm4b:s1+s13], $0x80, s4, s13, $0xb8;
	[tilespmem:$0x17D00] =	vst v63  }
0x40: {  	_ =	swait.ge [sflag:s15], $0x4000  }
0x41: {  	[sflag:s15] =	ssyncset.done $0x0  }
0x42: {  	[sflag:s15] =	ssyncadd.s32 $0xFFFFC000  }
0x43: {  	[spmem:s3] =	stream.indirect.scatter.add.f32 [tilespmem:s14], [sflag:$0x2], $0x80, s13, s13, $0xb8;
	[tilespmem:$0x17D00] =	vst v63  }
0x44: {  	_ =	swait.ge [sflag:s12], $0x4000  }
0x45: {  	s16 =	sadd.s32 $0x1, s16;
	[sflag:s12] =	ssyncset.done $0x0  }
0x46: {  	p0 =	sne.s32 s16, s8;
	[sflag:s12] =	ssyncadd.s32 $0xFFFFC000  }
.Ltmp1:
0x47: {  	[bflag:$0x0] =	sbarrier.arrive $0xFFFF;
	(pc) =	sbr.rel @p0 .LBB2_1-.Ltmp1, $4  }
0x48: {  	[hbm:s7], [sflag:s6] =	dma.local [spmem:s11], $0x2780  }
0x49: {  	_ =	swait.ge [sflag:s12], $0x2780  }
0x4a: {  	[sflag:s12] =	ssyncset.done $0x0  }
0x4b: {  	[sflag:s12] =	ssyncadd.s32 $0xFFFFD880  }
0x4c: {  	_ =	sfence.sel $0x180000  }
0x4d: {  	[bflag:$0x0] =	sbarrier.arrive $0xFFFF  }
0x4e: {  	p0 =	sne.s32 s2, $0x0;
	_ =	strace $0x9000004A  }
0x4f: {  	s0 =	sadd.s32 @!p0 $0x100000, s0;
	[bflag:$0x2] =	sbarrier.arrive $0xFFFF  }
0x50: {  	[sflag:s0] =	ssyncadd.tile.s32 @!p0 $0x1;
	_ =	shalt  }
.Lfunc_end2:
_tile_overlayer_lowered:
.L_overlay_start_2:
0x51: {  	(tag) =	ssettag $0x2  }
0x52: {  	s0 =	rddreg [dreg:$0x0];
	s2 =	stileid.u32  }
0x53: {  	s1 =	rddreg [dreg:$0x1];
	p0 =	sne.s32 s2, $0x0  }
0x54: {  	s3 =	rddreg [dreg:$0x2];
	[bflag:$0x3] =	sbarrier.arrive $0xFFFF;
	s2 =	simm.s32 @!p0 $0x1C02  }
0x55: {  	[timem:s3], [sflag:s2] =	dma.local @!p0 [hbm:s0], s1  }
0x56: {  	s0 =	simm.s32 @!p0 $0x2  }
0x57: {  	_ =	swait.ge @!p0 [sflag:s0], s1  }
0x58: {  	s1 =	ssub.s32 @!p0 $0x0, s1;
	[sflag:s0] =	ssyncset.done @!p0 $0x0  }
0x59: {  	[sflag:s0] =	ssyncadd.s32 @!p0 s1  }
0x5a: {  	[bflag:$0x3] =	sbarrier.arrive $0xFFFF  }
0x5b: {  	_ =	shalt  }

// kernel: kernel.23.cloned.1.call-start
scs
__scs_entry_jumppad:
0x0: {  	(pc) =	sbr.rel $0x88, $3  }
0x1: {  	(tag) =	ssettag $0x0;
	lr =	simm.s32 $0x1  }
0x2: {  	[smem:$0x3F83] =	sst lr;
	_ =	strace $0xD0000000  }
0x3: {  	_ = 	snop  }
0x4: {  	_ = 	snop  }
0x5: {  	_ = 	snop  }
0x6: {  	_ = 	snop  }
0x7: {  	_ = 	snop  }
__scs_overlays_trampoline_lowered:
0x8: {  	[smem:$0x3F92] =	sst s0  }
0x9: {  	[smem:$0x3F93] =	sst s1  }
0xa: {  	[smem:$0x3F94] =	sst s2  }
0xb: {  	[smem:$0x3F95] =	sst s3  }
0xc: {  	[smem:$0x3F96] =	sst s4  }
0xd: {  	[smem:$0x3F97] =	sst s5  }
0xe: {  	[smem:$0x3F98] =	sst s6  }
0xf: {  	[smem:$0x3F99] =	sst s7  }
0x10: {  	[smem:$0x3F9A] =	sst s8  }
0x11: {  	[smem:$0x3F9B] =	sst s9;
	s0 =	simm.s32 @!p0 $0x0  }
0x12: {  	s1 =	sld [smem:$0x3F81];
	s0 =	simm.s32 @p0 $0x1  }
0x13: {  	[smem:$0x3F9C] =	sst s0;
	s0 =	simm.s32 @!p1 $0x0  }
0x14: {  	s2 =	sld [smem:$0x3F80];
	s0 =	simm.s32 @p1 $0x1  }
0x15: {  	[smem:$0x3F9D] =	sst s0;
	s0 =	simm.s32 @!p2 $0x0  }
0x16: {  	s3 =	sld [smem:$0x3FDB];
	s0 =	simm.s32 @p2 $0x1  }
0x17: {  	s4 =	simm.s32 $0x1BF5;
	[smem:$0x3F9F] =	sst s0  }
0x18: {  	s0 =	sld [smem:$0x3F82];
	_ =	swait.ge [sflag:s4], $0x0  }
0x19: {  	s7 =	sld [smem:$0x3F83]  }
0x1a: {  	s8 =	sadd.s32 $0xFFFFE003, lr  }
0x1b: {  	s9 =	sadd.s32 $0xFFFFFEF7, lr;
	s5 =	simm.s32 $0xFFFFFFFF;
	p2 =	slt.u32 s8, $0xFFFFF086  }
0x1c: {  	p1 =	slt.u32 s9, $0xF7A;
	s5 =	simm.s32 @!p2 $0x0  }
0x1d: {  	s5 =	simm.s32 @p1 $0x1;
	p0 =	seq.s32 s7, s2  }
0x1e: {  	s7 =	smul.u32 @!p0 $0xF7A, s2;
	p2 =	seq.s32 @!p0 s5, $0x0  }
0x1f: {  	s9 =	smul.u32 $0xF7A, s1;
	s8 =	simm.s32 @!p0 $0x1BF5;
	p2 =	por !p2, p0  }
0x20: {  	[sflag:s8] =	ssyncset.s32 @!p0 $0xFFFFF086;
	s6 =	sadd.s32 @!p0 s3, s7;
	s7 =	simm.s32 @!p0 $0x108  }
0x21: {  	s3 =	sadd.s32 s3, s9;
	s6 =	sadd.s32 @!p0 $0x88, s6;
	s7 =	simm.s32 @p2 $0x1082  }
0x22: {  	[simem:s7], [sflag:s8] =	dma.local @!p0 [hbm:s6], $0xF7A  }
0x23: {  	s9 =	sor.u32 $0xD0000000, s2;
	s6 =	simm.s32 $0x108;
	_ =	swait.ge @!p0 [sflag:s8], $0x0  }
0x24: {  	s3 =	sadd.s32 $0x88, s3;
	s6 =	simm.s32 @!p1 $0x1082;
	[sflag:s4] =	ssyncset.s32 $0xFFFFF086  }
0x25: {  	[simem:s6], [sflag:s4] =	dma.local [hbm:s3], $0xF7A  }
0x26: {  	[smem:$0x3F83] =	sst s1;
	(tag) =	ssettag s2;
	_ =	strace s9  }
0x27: {  	s1 =	sld [smem:$0x3F93]  }
0x28: {  	s2 =	sld [smem:$0x3F94]  }
0x29: {  	s4 =	sld [smem:$0x3F96]  }
0x2a: {  	p0 =	seq.s32 s5, $0x0;
	s5 =	sld [smem:$0x3F97]  }
0x2b: {  	s6 =	sld [smem:$0x3F98]  }
0x2c: {  	s7 =	sld [smem:$0x3F99]  }
0x2d: {  	s3 =	simm.s32 $0x108;
	s8 =	sld [smem:$0x3F9A]  }
0x2e: {  	s3 =	simm.s32 @!p0 $0x1082;
	s9 =	sld [smem:$0x3F9B]  }
0x2f: {  	lr =	sadd.s32 s0, s3;
	s0 =	sld [smem:$0x3F92]  }
0x30: {  	s3 =	sld [smem:$0x3F95]  }
0x31: {  	[smem:$0x3F9E] =	sst s10  }
0x32: {  	s10 =	sld [smem:$0x3F9C];
	_ =	sdelay $0x3  }
0x33: {  	p0 =	seq.s32 s10, $0x1;
	s10 =	sld [smem:$0x3F9E];
	_ =	sdelay $0x3  }
0x34: {  	[smem:$0x3F9E] =	sst s10  }
0x35: {  	s10 =	sld [smem:$0x3F9D];
	_ =	sdelay $0x3  }
0x36: {  	p1 =	seq.s32 s10, $0x1;
	s10 =	sld [smem:$0x3F9E];
	_ =	sdelay $0x3  }
0x37: {  	[smem:$0x3F9E] =	sst s10  }
0x38: {  	s10 =	sld [smem:$0x3F9F]  }
0x39: {  	_ = 	snop;
	(pc) =	sbr.ind lr, $3  }
0x3a: {  	_ = 	snop  }
0x3b: {  	_ = 	snop  }
0x3c: {  	p2 =	seq.s32 s10, $0x1;
	s10 =	sld [smem:$0x3F9E]  }
0x3d: {  	_ =	shalt  }
0x3e: {  	_ =	shalt  }
0x3f: {  	_ =	shalt  }
0x40: {  	_ =	shalt  }
0x41: {  	_ =	shalt  }
0x42: {  	_ =	shalt  }
0x43: {  	_ =	shalt  }
0x44: {  	_ =	shalt  }
0x45: {  	_ =	shalt  }
0x46: {  	_ =	shalt  }
0x47: {  	_ =	shalt  }
0x48: {  	_ =	shalt  }
0x49: {  	_ =	shalt  }
0x4a: {  	_ =	shalt  }
0x4b: {  	_ =	shalt  }
0x4c: {  	_ =	shalt  }
0x4d: {  	_ =	shalt  }
0x4e: {  	_ =	shalt  }
0x4f: {  	_ =	shalt  }
0x50: {  	_ =	shalt  }
0x51: {  	_ =	shalt  }
0x52: {  	_ =	shalt  }
0x53: {  	_ =	shalt  }
0x54: {  	_ =	shalt  }
0x55: {  	_ =	shalt  }
0x56: {  	_ =	shalt  }
0x57: {  	_ =	shalt  }
0x58: {  	_ =	shalt  }
0x59: {  	_ =	shalt  }
0x5a: {  	_ =	shalt  }
0x5b: {  	_ =	shalt  }
0x5c: {  	_ =	shalt  }
0x5d: {  	_ =	shalt  }
0x5e: {  	_ =	shalt  }
0x5f: {  	_ =	shalt  }
0x60: {  	_ =	shalt  }
0x61: {  	_ =	shalt  }
0x62: {  	_ =	shalt  }
0x63: {  	_ =	shalt  }
0x64: {  	_ =	shalt  }
0x65: {  	_ =	shalt  }
0x66: {  	_ =	shalt  }
0x67: {  	_ =	shalt  }
0x68: {  	_ =	shalt  }
0x69: {  	_ =	shalt  }
0x6a: {  	_ =	shalt  }
0x6b: {  	_ =	shalt  }
0x6c: {  	_ =	shalt  }
0x6d: {  	_ =	shalt  }
0x6e: {  	_ =	shalt  }
0x6f: {  	_ =	shalt  }
0x70: {  	_ =	shalt  }
0x71: {  	_ =	shalt  }
0x72: {  	_ =	shalt  }
0x73: {  	_ =	shalt  }
0x74: {  	_ =	shalt  }
0x75: {  	_ =	shalt  }
0x76: {  	_ =	shalt  }
0x77: {  	_ =	shalt  }
0x78: {  	_ =	shalt  }
0x79: {  	_ =	shalt  }
0x7a: {  	_ =	shalt  }
0x7b: {  	_ =	shalt  }
0x7c: {  	_ =	shalt  }
0x7d: {  	_ =	shalt  }
0x7e: {  	_ =	shalt  }
0x7f: {  	_ =	shalt  }
0x80: {  	_ =	shalt  }
0x81: {  	_ =	shalt  }
0x82: {  	_ =	shalt  }
0x83: {  	_ =	shalt  }
0x84: {  	_ =	shalt  }
0x85: {  	_ =	shalt  }
0x86: {  	_ =	shalt  }
0x87: {  	_ =	shalt  }
.Lfunc_end0:
.L_simem_size_0:
called_computation.3_lowered:
.L_overlay_start_0:
0x88: {  	s2 =	sld [smem:$0x3FD9]  }
0x89: {  	s3 =	sld [smem:$0x3FFE];
	_ =	sdelay $0x1  }
0x8a: {  	s1 =	srdreg.scid  }
0x8b: {  	s0 =	sand.u32 $0x1, s1  }
0x8c: {  	s15 =	sshll.u32 s0, $0xA;
	s2 =	sadd.s32 s3, s2  }
0x8d: {  	s2 =	sadd.s32 s2, s15  }
0x8e: {  	[smem:$0x3FAA] =	sst s2  }
0x8f: {  	_ = 	snop  }
0x90: {  	s2 =	sld [smem:$0x3FD0];
	_ =	sdelay $0x2  }
0x91: {  	s4 =	simm.s32 $0xB;
	s16 =	simm.s32 $0x10  }
0x92: {  	[smem:s16], [sflag:s4] =	dma.local [hbm:s2], $0x1  }
0x93: {  	_ =	swait.eq [sflag:s4], $0x1  }
0x94: {  	[sflag:s4] =	ssyncset.done $0x0  }
0x95: {  	s17 =	sld [smem:$0x11];
	[sflag:s4] =	ssyncadd.s32 $0xFFFFFFFF  }
0x96: {  	s18 =	sld [smem:$0x13];
	(tm) =	ssettm $0x1  }
0x97: {  	s19 =	sld [smem:$0x3FFB];
	_ =	sdelay $0x3  }
0x98: {  	_ =	strace s19  }
0x99: {  	s2 =	sld [smem:$0x3FFC];
	_ =	sdelay $0x3  }
0x9a: {  	_ =	strace s2  }
0x9b: {  	s2 =	sld [smem:$0x3FFD];
	_ =	sdelay $0x3  }
0x9c: {  	_ =	strace s2  }
0x9d: {  	_ =	strace $0x8FFFFFFF  }
0x9e: {  	s20 =	sld [smem:$0x3FDB];
	_ =	sdelay $0x1  }
0x9f: {  	s5 =	simm.s32 $_scs_section_size  }
0xa0: {  	s6 =	simm.s32 $_size__tile_overlayer_lowered;
	s7 =	simm.s32 $_tile_overlayer_lowered  }
0xa1: {  	s8 =	simm.s32 $0x1BFF;
	s21 =	sshll.u32 s7, $0x1;
	s5 =	sadd.s32 s5, s20  }
0xa2: {  	s22 =	simm.s32 $0x0;
	s6 =	sshll.u32 s6, $0x1;
	s7 =	sadd.s32 s21, s5  }
0xa3: {  	[timem:s22], [sflag:s8] =	dma.local [hbm:s7], s6  }
0xa4: {  	_ =	swait.ge [sflag:s8], s6  }
0xa5: {  	s6 =	ssub.s32 $0x0, s6;
	[sflag:s8] =	ssyncset.done $0x0  }
0xa6: {  	[sflag:s8] =	ssyncadd.s32 s6;
	_ =	sdelay $0x1  }
0xa7: {  	s23 =	simm.s32 $0x1B8B  }
0xa8: {  	_ =	swait.ge [sflag:s23], $0x1  }
0xa9: {  	[sflag:s23] =	ssyncset.done $0x0  }
0xaa: {  	[sflag:s23] =	ssyncadd.s32 $0xFFFFFFFF  }
0xab: {  	s6 =	sld [smem:$0x0]  }
0xac: {  	s7 =	sand.u32 $0xFFFFFFFE, s1  }
0xad: {  	p0 =	sne.s32 s1, s7  }
0xae: {  	s7 =	sshll.u32 @p0 s7, $0xE  }
0xaf: {  	s7 =	sadd.s32 @p0 $0x11B8D, s7;
	s8 =	sshll.u32 @p0 s6, $0x11  }
0xb0: {  	s7 =	sor.u32 @p0 s8, s7  }
0xb1: {  	[sflag:s7] =	ssyncadd.remote.s32 @p0 $0x1;
	_ =	sdelay $0x1  }
0xb2: {  	s7 =	simm.s32 @p0 $0x1B8D  }
0xb3: {  	_ =	swait.eq @p0 [sflag:s7], $0x1  }
0xb4: {  	[sflag:s7] =	ssyncadd.s32 @p0 $0xFFFFFFFF  }
0xb5: {  	s8 =	sshll.u32 @!p0 s1, $0xE  }
0xb6: {  	s8 =	sor.u32 @!p0 $0x4000, s8;
	s7 =	simm.s32 @!p0 $0x1B8D  }
0xb7: {  	s6 =	sshll.u32 @!p0 s6, $0x11;
	s8 =	sadd.s32 @!p0 $0x11B8D, s8;
	_ =	swait.eq @!p0 [sflag:s7], $0x1  }
0xb8: {  	s6 =	sor.u32 @!p0 s6, s8;
	[sflag:s7] =	ssyncadd.s32 @!p0 $0xFFFFFFFF  }
0xb9: {  	s25 =	simm.s32 $0x1B8E;
	s24 =	sld [smem:$0x3FFE];
	[sflag:s6] =	ssyncadd.remote.s32 @!p0 $0x1  }
0xba: {  	s26 =	simm.s32 $execute0_lowered;
	[smem:$0x3FD2] =	sst s25  }
0xbb: {  	s7 =	sshll.u32 s26, $0x1;
	_ =	strace $0x80000052;
	[dreg:$0x1] =	wrdreg $0xFFFFFFFF  }
0xbc: {  	s28 =	simm.s32 $_size_execute0_lowered;
	s5 =	sadd.s32 s5, s7;
	[dreg:$0x0] =	wrdreg $0x0  }
0xbd: {  	s7 =	sshll.u32 s28, $0x1;
	[dreg:$0x2] =	wrdreg s5  }
0xbe: {  	[dreg:$0x3] =	wrdreg s7  }
0xbf: {  	[dreg:$0x4] =	wrdreg $0xC0  }
0xc0: {  	_ =	task [dreg:s22], $0x5FFFF  }
0xc1: {  	[dreg:$0x1] =	wrdreg $0xFFFFFFFF  }
0xc2: {  	[dreg:$0x0] =	wrdreg $0x60  }
0xc3: {  	[dreg:$0x2] =	wrdreg s18  }
0xc4: {  	[dreg:$0x3] =	wrdreg s17  }
0xc5: {  	[dreg:$0x4] =	wrdreg s24  }
0xc6: {  	[dreg:$0x5] =	wrdreg $0x41000  }
0xc7: {  	[dreg:$0x6] =	wrdreg $0x9  }
0xc8: {  	_ =	task.clear_ibuf [dreg:s22], $0x7FFFF;
	_ =	strace $0x90000052  }
0xc9: {  	s29 =	simm.s32 $0x9;
	_ =	strace $0x80000054  }
0xca: {  	_ =	swait.ge [sflag:s29], $0x1  }
0xcb: {  	[sflag:s29] =	ssyncadd.s32 $0xFFFFFFFF  }
0xcc: {  	_ =	strace $0x90000054  }
0xcd: {  	_ =	sfence  }
0xce: {  	s30 =	sld [smem:$0x0];
	_ =	sdelay $0x2  }
0xcf: {  	s31 =	sshll.u32 s1, $0xD;
	s1 =	sshrl.u32 s1, $0x2  }
0xd0: {  	s4 =	sand.u32 $0x4000, s31;
	s1 =	sadd.s32 s1, s30  }
0xd1: {  	s0 =	sor.u32 s4, s0;
	s1 =	sshll.u32 s1, $0x11  }
0xd2: {  	s0 =	sor.u32 s1, s0  }
0xd3: {  	s0 =	sadd.s32 $0x8F2B, s0  }
0xd4: {  	[sflag:s0] =	ssyncadd.remote.s32 $0x1  }
0xd5: {  	_ =	sfence.sel $0xFFFF  }
0xd6: {  	[dreg:$0x0] =	wrdreg $0xFFFFFFFF;
	(pc) =	sbr.abs _section_cstart, $3  }
0xd7: {  	[dreg:$0x1] =	wrdreg $0xFFFFFFFF  }
0xd8: {  	_ =	task.clear_ibuf [dreg:s22], $0x2FFFF;
	_ =	strace $0x9FFFFFFF  }
0xd9: {  	(tm) =	ssettm $0x7FFFFFFF  }
tec
execute0_lowered:
.L_overlay_start_1:
0x0: {  	(tag) =	ssettag $0x1  }
0x1: {  	s1 =	rddreg [dreg:$0x0]  }
0x2: {  	s10 =	rddreg [dreg:$0x1]  }
0x3: {  	s6 =	rddreg [dreg:$0x2]  }
0x4: {  	s3 =	rddreg [dreg:$0x3];
	s4 =	srdreg.scid  }
0x5: {  	s0 =	rddreg [dreg:$0x4];
	s2 =	stileid.u32;
	s15 =	simm.s32 $0x1  }
0x6: {  	s16 =	simm.s32 $0x0;
	s7 =	sand.u32 $0x1, s4;
	s11 =	smul.u32 $0x13C00, s2  }
0x7: {  	s4 =	simm.s32 $0x0;
	s8 =	sshll.u32 s2, $0x7;
	s13 =	smul.u32 $0x4F000, s2  }
0x8: {  	s30 =	sshll.u32 s2, $0x6;
	s9 =	smul.u32 $0x13C000, s7;
	[smem:$0x7FF] =	sst s4  }
0x9: {  	s5 =	sshrl.u32 s8, $0x3;
	s28 =	ssub.s32 $0x2, s7;
	s7 =	smul.u32 $0x50000, s7  }
0xa: {  	_ =	strace $0x80000053;
	s12 =	sadd.s32 s5, s6;
	s5 =	sadd.s32 $0xFE00, s6  }
0xb: {  	s14 =	sshrl.u32 s28, $0x1;
	s29 =	sshrl.u32 s13, $0x2;
	s9 =	sadd.s32 s11, s9  }
0xc: {  	s11 =	ssub.s32 s28, s14;
	s13 =	sadd.s32 s29, s3;
	s8 =	sor.u32 s7, s8  }
0xd: {  	s14 =	simm.s32 $0x100;
	s9 =	sshrl.u32 s9, $0x3;
	s31 =	sshrl.u32 s8, $0x3  }
0xe: {  	s8 =	smax.u32 s11, $0x1;
	s11 =	sshrl.u32 s13, $0x3;
	s13 =	simm.s32 $0x80  }
0xf: {  	s9 =	sadd.s32 s9, s6;
	s6 =	sor.u32 $0x1C02, s30;
	s10 =	sadd.s32 s31, s10  }
0x10: {  	s7 =	sadd.s32 $0x75600, s9;
	s9 =	sadd.s32 $0x5E00, s12;
	s12 =	simm.s32 $0x2  }
.LBB2_1:
0x11: {  	[spmem:s11], [sflag:s6] =	dma.local [hbm:s5], $0x2780  }
0x12: {  	_ =	swait.ge [sflag:s12], $0x2780  }
0x13: {  	[sflag:s12] =	ssyncset.done $0x0  }
0x14: {  	[sflag:s12] =	ssyncadd.s32 $0xFFFFD880  }
0x15: {  	s17 =	sadd.s32 $0x0, s10;
	[bflag:$0x0] =	sbarrier.arrive $0xFFFF  }
0x16: {  	[tilespmem:s4], [sflag:$0x2] =	stream.linear.gather [hbm4b:s17+s4], $0x80, $0x38;
	[tilespmem:$0x17D00] =	vst v63  }
0x17: {  	_ =	swait.ge [sflag:s12], $0x80  }
0x18: {  	[sflag:s12] =	ssyncset.done $0x0  }
0x19: {  	s31 =	sadd.s32 $0x0, s9;
	[sflag:s12] =	ssyncadd.s32 $0xFFFFFF80  }
0x1a: {  	[tilespmem:s13], [sflag:$0x2] =	stream.linear.gather [hbm4b:s31+s4], $0x80, $0x38;
	[tilespmem:$0x17D00] =	vst v63  }
0x1b: {  	_ =	swait.ge [sflag:s12], $0x80  }
0x1c: {  	[sflag:s12] =	ssyncset.done $0x0  }
0x1d: {  	[sflag:s12] =	ssyncadd.s32 $0xFFFFFF80  }
0x1e: {  	[tilespmem:s14], [sflag:$0x1] =	stream.indirect.gather [hbm4b:s1+s13], $0x80, s4, s13, $0xb8;
	[tilespmem:$0x17D00] =	vst v63  }
0x1f: {  	_ =	swait.ge [sflag:s15], $0x4000  }
0x20: {  	[sflag:s15] =	ssyncset.done $0x0  }
0x21: {  	[sflag:s15] =	ssyncadd.s32 $0xFFFFC000  }
0x22: {  	[spmem:s3] =	stream.indirect.scatter.add.f32 [tilespmem:s14], [sflag:$0x2], $0x80, s13, s13, $0xb8;
	[tilespmem:$0x17D00] =	vst v63  }
0x23: {  	_ =	swait.ge [sflag:s12], $0x4000  }
0x24: {  	s18 =	simm.s32 $0x200;
	s17 =	simm.s32 $0x100;
	[sflag:s12] =	ssyncset.done $0x0  }
.LBB2_2:
0x25: {  	s19 =	sadd.s32 s17, s10  }
0x26: {  	[sflag:s12] =	ssyncadd.s32 $0xFFFFC000;
	s20 =	smov.u32 s18;
	s21 =	sadd.s32 $0x100, s18  }
0x27: {  	[tilespmem:s4], [sflag:$0x2] =	stream.linear.gather [hbm4b:s19+s4], $0x80, $0x38;
	[tilespmem:$0x17D00] =	vst v63  }
0x28: {  	p0 =	sne.s32 s18, $0x9F00;
	_ =	swait.ge [sflag:s12], $0x80  }
0x29: {  	[sflag:s12] =	ssyncset.done $0x0  }
0x2a: {  	s18 =	sadd.s32 s17, s9;
	s17 =	smov.u32 s20;
	[sflag:s12] =	ssyncadd.s32 $0xFFFFFF80  }
0x2b: {  	[tilespmem:s13], [sflag:$0x2] =	stream.linear.gather [hbm4b:s18+s4], $0x80, $0x38;
	[tilespmem:$0x17D00] =	vst v63  }
0x2c: {  	_ =	swait.ge [sflag:s12], $0x80  }
0x2d: {  	[sflag:s12] =	ssyncset.done $0x0  }
0x2e: {  	[sflag:s12] =	ssyncadd.s32 $0xFFFFFF80  }
0x2f: {  	[tilespmem:s14], [sflag:$0x1] =	stream.indirect.gather [hbm4b:s1+s13], $0x80, s4, s13, $0xb8;
	[tilespmem:$0x17D00] =	vst v63  }
0x30: {  	_ =	swait.ge [sflag:s15], $0x4000  }
.Ltmp0:
0x31: {  	[sflag:s15] =	ssyncset.done $0x0;
	(pc) =	sbr.rel @p0 .LBB2_2-.Ltmp0, $4  }
0x32: {  	[sflag:s15] =	ssyncadd.s32 $0xFFFFC000  }
0x33: {  	[spmem:s3] =	stream.indirect.scatter.add.f32 [tilespmem:s14], [sflag:$0x2], $0x80, s13, s13, $0xb8;
	[tilespmem:$0x17D00] =	vst v63  }
0x34: {  	_ =	swait.ge [sflag:s12], $0x4000  }
0x35: {  	s18 =	smov.u32 s21;
	[sflag:s12] =	ssyncset.done $0x0  }
0x36: {  	s18 =	sadd.s32 s17, s10;
	[sflag:s12] =	ssyncadd.s32 $0xFFFFC000  }
0x37: {  	[tilespmem:s4], [sflag:$0x2] =	stream.linear.gather [hbm4b:s18+s4], $0x80, $0x38;
	[tilespmem:$0x17D00] =	vst v63  }
0x38: {  	_ =	swait.ge [sflag:s12], $0x80  }
0x39: {  	[sflag:s12] =	ssyncset.done $0x0  }
0x3a: {  	s31 =	sadd.s32 s17, s9;
	[sflag:s12] =	ssyncadd.s32 $0xFFFFFF80  }
0x3b: {  	[tilespmem:s13], [sflag:$0x2] =	stream.linear.gather [hbm4b:s31+s4], $0x80, $0x38;
	[tilespmem:$0x17D00] =	vst v63  }
0x3c: {  	_ =	swait.ge [sflag:s12], $0x80  }
0x3d: {  	[sflag:s12] =	ssyncset.done $0x0  }
0x3e: {  	[sflag:s12] =	ssyncadd.s32 $0xFFFFFF80  }
0x3f: {  	[tilespmem:s14], [sflag:$0x1] =	stream.indirect.gather [hbm4b:s1+s13], $0x80, s4, s13, $0xb8;
	[tilespmem:$0x17D00] =	vst v63  }
0x40: {  	_ =	swait.ge [sflag:s15], $0x4000  }
0x41: {  	[sflag:s15] =	ssyncset.done $0x0  }
0x42: {  	[sflag:s15] =	ssyncadd.s32 $0xFFFFC000  }
0x43: {  	[spmem:s3] =	stream.indirect.scatter.add.f32 [tilespmem:s14], [sflag:$0x2], $0x80, s13, s13, $0xb8;
	[tilespmem:$0x17D00] =	vst v63  }
0x44: {  	_ =	swait.ge [sflag:s12], $0x4000  }
0x45: {  	s16 =	sadd.s32 $0x1, s16;
	[sflag:s12] =	ssyncset.done $0x0  }
0x46: {  	p0 =	sne.s32 s16, s8;
	[sflag:s12] =	ssyncadd.s32 $0xFFFFC000  }
.Ltmp1:
0x47: {  	[bflag:$0x0] =	sbarrier.arrive $0xFFFF;
	(pc) =	sbr.rel @p0 .LBB2_1-.Ltmp1, $4  }
0x48: {  	[hbm:s7], [sflag:s6] =	dma.local [spmem:s11], $0x2780  }
0x49: {  	_ =	swait.ge [sflag:s12], $0x2780  }
0x4a: {  	[sflag:s12] =	ssyncset.done $0x0  }
0x4b: {  	[sflag:s12] =	ssyncadd.s32 $0xFFFFD880  }
0x4c: {  	_ =	sfence.sel $0x180000  }
0x4d: {  	[bflag:$0x0] =	sbarrier.arrive $0xFFFF  }
0x4e: {  	p0 =	sne.s32 s2, $0x0;
	_ =	strace $0x90000053  }
0x4f: {  	s0 =	sadd.s32 @!p0 $0x100000, s0;
	[bflag:$0x2] =	sbarrier.arrive $0xFFFF  }
0x50: {  	[sflag:s0] =	ssyncadd.tile.s32 @!p0 $0x1;
	_ =	shalt  }
.Lfunc_end2:
_tile_overlayer_lowered:
.L_overlay_start_2:
0x51: {  	(tag) =	ssettag $0x2  }
0x52: {  	s0 =	rddreg [dreg:$0x0];
	s2 =	stileid.u32  }
0x53: {  	s1 =	rddreg [dreg:$0x1];
	p0 =	sne.s32 s2, $0x0  }
0x54: {  	s3 =	rddreg [dreg:$0x2];
	[bflag:$0x3] =	sbarrier.arrive $0xFFFF;
	s2 =	simm.s32 @!p0 $0x1C02  }
0x55: {  	[timem:s3], [sflag:s2] =	dma.local @!p0 [hbm:s0], s1  }
0x56: {  	s0 =	simm.s32 @!p0 $0x2  }
0x57: {  	_ =	swait.ge @!p0 [sflag:s0], s1  }
0x58: {  	s1 =	ssub.s32 @!p0 $0x0, s1;
	[sflag:s0] =	ssyncset.done @!p0 $0x0  }
0x59: {  	[sflag:s0] =	ssyncadd.s32 @!p0 s1  }
0x5a: {  	[bflag:$0x3] =	sbarrier.arrive $0xFFFF  }
0x5b: {  	_ =	shalt  }

// kernel: kernel.26.cloned.1.call-start
scs
__scs_entry_jumppad:
0x0: {  	(pc) =	sbr.rel $0x88, $3  }
0x1: {  	(tag) =	ssettag $0x0;
	lr =	simm.s32 $0x1  }
0x2: {  	[smem:$0x3F83] =	sst lr;
	_ =	strace $0xD0000000  }
0x3: {  	_ = 	snop  }
0x4: {  	_ = 	snop  }
0x5: {  	_ = 	snop  }
0x6: {  	_ = 	snop  }
0x7: {  	_ = 	snop  }
__scs_overlays_trampoline_lowered:
0x8: {  	[smem:$0x3F92] =	sst s0  }
0x9: {  	[smem:$0x3F93] =	sst s1  }
0xa: {  	[smem:$0x3F94] =	sst s2  }
0xb: {  	[smem:$0x3F95] =	sst s3  }
0xc: {  	[smem:$0x3F96] =	sst s4  }
0xd: {  	[smem:$0x3F97] =	sst s5  }
0xe: {  	[smem:$0x3F98] =	sst s6  }
0xf: {  	[smem:$0x3F99] =	sst s7  }
0x10: {  	[smem:$0x3F9A] =	sst s8  }
0x11: {  	[smem:$0x3F9B] =	sst s9;
	s0 =	simm.s32 @!p0 $0x0  }
0x12: {  	s1 =	sld [smem:$0x3F81];
	s0 =	simm.s32 @p0 $0x1  }
0x13: {  	[smem:$0x3F9C] =	sst s0;
	s0 =	simm.s32 @!p1 $0x0  }
0x14: {  	s2 =	sld [smem:$0x3F80];
	s0 =	simm.s32 @p1 $0x1  }
0x15: {  	[smem:$0x3F9D] =	sst s0;
	s0 =	simm.s32 @!p2 $0x0  }
0x16: {  	s3 =	sld [smem:$0x3FDB];
	s0 =	simm.s32 @p2 $0x1  }
0x17: {  	s4 =	simm.s32 $0x1BF5;
	[smem:$0x3F9F] =	sst s0  }
0x18: {  	s0 =	sld [smem:$0x3F82];
	_ =	swait.ge [sflag:s4], $0x0  }
0x19: {  	s7 =	sld [smem:$0x3F83]  }
0x1a: {  	s8 =	sadd.s32 $0xFFFFE003, lr  }
0x1b: {  	s9 =	sadd.s32 $0xFFFFFEF7, lr;
	s5 =	simm.s32 $0xFFFFFFFF;
	p2 =	slt.u32 s8, $0xFFFFF086  }
0x1c: {  	p1 =	slt.u32 s9, $0xF7A;
	s5 =	simm.s32 @!p2 $0x0  }
0x1d: {  	s5 =	simm.s32 @p1 $0x1;
	p0 =	seq.s32 s7, s2  }
0x1e: {  	s7 =	smul.u32 @!p0 $0xF7A, s2;
	p2 =	seq.s32 @!p0 s5, $0x0  }
0x1f: {  	s9 =	smul.u32 $0xF7A, s1;
	s8 =	simm.s32 @!p0 $0x1BF5;
	p2 =	por !p2, p0  }
0x20: {  	[sflag:s8] =	ssyncset.s32 @!p0 $0xFFFFF086;
	s6 =	sadd.s32 @!p0 s3, s7;
	s7 =	simm.s32 @!p0 $0x108  }
0x21: {  	s3 =	sadd.s32 s3, s9;
	s6 =	sadd.s32 @!p0 $0x88, s6;
	s7 =	simm.s32 @p2 $0x1082  }
0x22: {  	[simem:s7], [sflag:s8] =	dma.local @!p0 [hbm:s6], $0xF7A  }
0x23: {  	s9 =	sor.u32 $0xD0000000, s2;
	s6 =	simm.s32 $0x108;
	_ =	swait.ge @!p0 [sflag:s8], $0x0  }
0x24: {  	s3 =	sadd.s32 $0x88, s3;
	s6 =	simm.s32 @!p1 $0x1082;
	[sflag:s4] =	ssyncset.s32 $0xFFFFF086  }
0x25: {  	[simem:s6], [sflag:s4] =	dma.local [hbm:s3], $0xF7A  }
0x26: {  	[smem:$0x3F83] =	sst s1;
	(tag) =	ssettag s2;
	_ =	strace s9  }
0x27: {  	s1 =	sld [smem:$0x3F93]  }
0x28: {  	s2 =	sld [smem:$0x3F94]  }
0x29: {  	s4 =	sld [smem:$0x3F96]  }
0x2a: {  	p0 =	seq.s32 s5, $0x0;
	s5 =	sld [smem:$0x3F97]  }
0x2b: {  	s6 =	sld [smem:$0x3F98]  }
0x2c: {  	s7 =	sld [smem:$0x3F99]  }
0x2d: {  	s3 =	simm.s32 $0x108;
	s8 =	sld [smem:$0x3F9A]  }
0x2e: {  	s3 =	simm.s32 @!p0 $0x1082;
	s9 =	sld [smem:$0x3F9B]  }
0x2f: {  	lr =	sadd.s32 s0, s3;
	s0 =	sld [smem:$0x3F92]  }
0x30: {  	s3 =	sld [smem:$0x3F95]  }
0x31: {  	[smem:$0x3F9E] =	sst s10  }
0x32: {  	s10 =	sld [smem:$0x3F9C];
	_ =	sdelay $0x3  }
0x33: {  	p0 =	seq.s32 s10, $0x1;
	s10 =	sld [smem:$0x3F9E];
	_ =	sdelay $0x3  }
0x34: {  	[smem:$0x3F9E] =	sst s10  }
0x35: {  	s10 =	sld [smem:$0x3F9D];
	_ =	sdelay $0x3  }
0x36: {  	p1 =	seq.s32 s10, $0x1;
	s10 =	sld [smem:$0x3F9E];
	_ =	sdelay $0x3  }
0x37: {  	[smem:$0x3F9E] =	sst s10  }
0x38: {  	s10 =	sld [smem:$0x3F9F]  }
0x39: {  	_ = 	snop;
	(pc) =	sbr.ind lr, $3  }
0x3a: {  	_ = 	snop  }
0x3b: {  	_ = 	snop  }
0x3c: {  	p2 =	seq.s32 s10, $0x1;
	s10 =	sld [smem:$0x3F9E]  }
0x3d: {  	_ =	shalt  }
0x3e: {  	_ =	shalt  }
0x3f: {  	_ =	shalt  }
0x40: {  	_ =	shalt  }
0x41: {  	_ =	shalt  }
0x42: {  	_ =	shalt  }
0x43: {  	_ =	shalt  }
0x44: {  	_ =	shalt  }
0x45: {  	_ =	shalt  }
0x46: {  	_ =	shalt  }
0x47: {  	_ =	shalt  }
0x48: {  	_ =	shalt  }
0x49: {  	_ =	shalt  }
0x4a: {  	_ =	shalt  }
0x4b: {  	_ =	shalt  }
0x4c: {  	_ =	shalt  }
0x4d: {  	_ =	shalt  }
0x4e: {  	_ =	shalt  }
0x4f: {  	_ =	shalt  }
0x50: {  	_ =	shalt  }
0x51: {  	_ =	shalt  }
0x52: {  	_ =	shalt  }
0x53: {  	_ =	shalt  }
0x54: {  	_ =	shalt  }
0x55: {  	_ =	shalt  }
0x56: {  	_ =	shalt  }
0x57: {  	_ =	shalt  }
0x58: {  	_ =	shalt  }
0x59: {  	_ =	shalt  }
0x5a: {  	_ =	shalt  }
0x5b: {  	_ =	shalt  }
0x5c: {  	_ =	shalt  }
0x5d: {  	_ =	shalt  }
0x5e: {  	_ =	shalt  }
0x5f: {  	_ =	shalt  }
0x60: {  	_ =	shalt  }
0x61: {  	_ =	shalt  }
0x62: {  	_ =	shalt  }
0x63: {  	_ =	shalt  }
0x64: {  	_ =	shalt  }
0x65: {  	_ =	shalt  }
0x66: {  	_ =	shalt  }
0x67: {  	_ =	shalt  }
0x68: {  	_ =	shalt  }
0x69: {  	_ =	shalt  }
0x6a: {  	_ =	shalt  }
0x6b: {  	_ =	shalt  }
0x6c: {  	_ =	shalt  }
0x6d: {  	_ =	shalt  }
0x6e: {  	_ =	shalt  }
0x6f: {  	_ =	shalt  }
0x70: {  	_ =	shalt  }
0x71: {  	_ =	shalt  }
0x72: {  	_ =	shalt  }
0x73: {  	_ =	shalt  }
0x74: {  	_ =	shalt  }
0x75: {  	_ =	shalt  }
0x76: {  	_ =	shalt  }
0x77: {  	_ =	shalt  }
0x78: {  	_ =	shalt  }
0x79: {  	_ =	shalt  }
0x7a: {  	_ =	shalt  }
0x7b: {  	_ =	shalt  }
0x7c: {  	_ =	shalt  }
0x7d: {  	_ =	shalt  }
0x7e: {  	_ =	shalt  }
0x7f: {  	_ =	shalt  }
0x80: {  	_ =	shalt  }
0x81: {  	_ =	shalt  }
0x82: {  	_ =	shalt  }
0x83: {  	_ =	shalt  }
0x84: {  	_ =	shalt  }
0x85: {  	_ =	shalt  }
0x86: {  	_ =	shalt  }
0x87: {  	_ =	shalt  }
.Lfunc_end0:
.L_simem_size_0:
called_computation.4_lowered:
.L_overlay_start_0:
0x88: {  	s2 =	sld [smem:$0x3FD9]  }
0x89: {  	s3 =	sld [smem:$0x3FFE];
	_ =	sdelay $0x1  }
0x8a: {  	s1 =	srdreg.scid  }
0x8b: {  	s0 =	sand.u32 $0x1, s1  }
0x8c: {  	s15 =	sshll.u32 s0, $0xA;
	s2 =	sadd.s32 s3, s2  }
0x8d: {  	s2 =	sadd.s32 s2, s15  }
0x8e: {  	[smem:$0x3FAA] =	sst s2  }
0x8f: {  	_ = 	snop  }
0x90: {  	s2 =	sld [smem:$0x3FD0];
	_ =	sdelay $0x2  }
0x91: {  	s16 =	simm.s32 $0xB;
	s4 =	simm.s32 $0x10  }
0x92: {  	[smem:s4], [sflag:s16] =	dma.local [hbm:s2], $0x1  }
0x93: {  	_ =	swait.eq [sflag:s16], $0x1  }
0x94: {  	[sflag:s16] =	ssyncset.done $0x0  }
0x95: {  	[sflag:s16] =	ssyncadd.s32 $0xFFFFFFFF  }
0x96: {  	s17 =	sld [smem:$0x10];
	(tm) =	ssettm $0x1  }
0x97: {  	s18 =	sld [smem:$0x3FFB];
	_ =	sdelay $0x3  }
0x98: {  	_ =	strace s18  }
0x99: {  	s2 =	sld [smem:$0x3FFC];
	_ =	sdelay $0x3  }
0x9a: {  	_ =	strace s2  }
0x9b: {  	s2 =	sld [smem:$0x3FFD];
	_ =	sdelay $0x3  }
0x9c: {  	_ =	strace s2  }
0x9d: {  	_ =	strace $0x8FFFFFFF  }
0x9e: {  	s19 =	sld [smem:$0x3FDB];
	_ =	sdelay $0x1  }
0x9f: {  	s20 =	simm.s32 $_scs_section_size  }
0xa0: {  	s5 =	simm.s32 $_size__tile_overlayer_lowered;
	s6 =	simm.s32 $_tile_overlayer_lowered  }
0xa1: {  	s7 =	simm.s32 $0x1BFF;
	s21 =	sshll.u32 s6, $0x1;
	s4 =	sadd.s32 s20, s19  }
0xa2: {  	s22 =	simm.s32 $0x0;
	s5 =	sshll.u32 s5, $0x1;
	s6 =	sadd.s32 s21, s4  }
0xa3: {  	[timem:s22], [sflag:s7] =	dma.local [hbm:s6], s5  }
0xa4: {  	_ =	swait.ge [sflag:s7], s5  }
0xa5: {  	s5 =	ssub.s32 $0x0, s5;
	[sflag:s7] =	ssyncset.done $0x0  }
0xa6: {  	[sflag:s7] =	ssyncadd.s32 s5;
	_ =	sdelay $0x1  }
0xa7: {  	s23 =	simm.s32 $0x1B8B  }
0xa8: {  	_ =	swait.ge [sflag:s23], $0x1  }
0xa9: {  	[sflag:s23] =	ssyncset.done $0x0  }
0xaa: {  	[sflag:s23] =	ssyncadd.s32 $0xFFFFFFFF  }
0xab: {  	s5 =	sld [smem:$0x0]  }
0xac: {  	s6 =	sand.u32 $0xFFFFFFFE, s1  }
0xad: {  	p0 =	sne.s32 s1, s6  }
0xae: {  	s6 =	sshll.u32 @p0 s6, $0xE  }
0xaf: {  	s6 =	sadd.s32 @p0 $0x11B8D, s6;
	s7 =	sshll.u32 @p0 s5, $0x11  }
0xb0: {  	s6 =	sor.u32 @p0 s7, s6  }
0xb1: {  	[sflag:s6] =	ssyncadd.remote.s32 @p0 $0x1;
	_ =	sdelay $0x1  }
0xb2: {  	s6 =	simm.s32 @p0 $0x1B8D  }
0xb3: {  	_ =	swait.eq @p0 [sflag:s6], $0x1  }
0xb4: {  	[sflag:s6] =	ssyncadd.s32 @p0 $0xFFFFFFFF  }
0xb5: {  	s7 =	sshll.u32 @!p0 s1, $0xE  }
0xb6: {  	s7 =	sor.u32 @!p0 $0x4000, s7;
	s6 =	simm.s32 @!p0 $0x1B8D  }
0xb7: {  	s5 =	sshll.u32 @!p0 s5, $0x11;
	s7 =	sadd.s32 @!p0 $0x11B8D, s7;
	_ =	swait.eq @!p0 [sflag:s6], $0x1  }
0xb8: {  	s5 =	sor.u32 @!p0 s5, s7;
	[sflag:s6] =	ssyncadd.s32 @!p0 $0xFFFFFFFF  }
0xb9: {  	s25 =	simm.s32 $0x1B8E;
	s24 =	sld [smem:$0x3FFE];
	[sflag:s5] =	ssyncadd.remote.s32 @!p0 $0x1  }
0xba: {  	s26 =	simm.s32 $execute0_lowered;
	[smem:$0x3FD2] =	sst s25  }
0xbb: {  	s6 =	sshll.u32 s26, $0x1;
	_ =	strace $0x8000004F;
	[dreg:$0x1] =	wrdreg $0xFFFFFFFF  }
0xbc: {  	s28 =	simm.s32 $_size_execute0_lowered;
	s4 =	sadd.s32 s4, s6;
	[dreg:$0x0] =	wrdreg $0x0  }
0xbd: {  	s6 =	sshll.u32 s28, $0x1;
	[dreg:$0x2] =	wrdreg s4  }
0xbe: {  	[dreg:$0x3] =	wrdreg s6  }
0xbf: {  	[dreg:$0x4] =	wrdreg $0xC0  }
0xc0: {  	_ =	task [dreg:s22], $0x5FFFF  }
0xc1: {  	[dreg:$0x1] =	wrdreg $0xFFFFFFFF  }
0xc2: {  	[dreg:$0x0] =	wrdreg $0x60  }
0xc3: {  	[dreg:$0x2] =	wrdreg s24  }
0xc4: {  	[dreg:$0x3] =	wrdreg s17  }
0xc5: {  	[dreg:$0x4] =	wrdreg $0x41000  }
0xc6: {  	[dreg:$0x5] =	wrdreg $0xA  }
0xc7: {  	_ =	task.clear_ibuf [dreg:s22], $0x6FFFF;
	_ =	strace $0x9000004F  }
0xc8: {  	s29 =	simm.s32 $0xA;
	_ =	strace $0x80000051  }
0xc9: {  	_ =	swait.ge [sflag:s29], $0x1  }
0xca: {  	[sflag:s29] =	ssyncadd.s32 $0xFFFFFFFF  }
0xcb: {  	_ =	strace $0x90000051  }
0xcc: {  	_ =	sfence  }
0xcd: {  	s30 =	sld [smem:$0x0];
	_ =	sdelay $0x2  }
0xce: {  	s31 =	sshll.u32 s1, $0xD;
	s1 =	sshrl.u32 s1, $0x2  }
0xcf: {  	s4 =	sand.u32 $0x4000, s31;
	s1 =	sadd.s32 s1, s30  }
0xd0: {  	s0 =	sor.u32 s4, s0;
	s1 =	sshll.u32 s1, $0x11  }
0xd1: {  	s0 =	sor.u32 s1, s0  }
0xd2: {  	s0 =	sadd.s32 $0x8F2B, s0  }
0xd3: {  	[sflag:s0] =	ssyncadd.remote.s32 $0x1  }
0xd4: {  	_ =	sfence.sel $0xFFFF  }
0xd5: {  	[dreg:$0x0] =	wrdreg $0xFFFFFFFF;
	(pc) =	sbr.abs _section_cstart, $3  }
0xd6: {  	[dreg:$0x1] =	wrdreg $0xFFFFFFFF  }
0xd7: {  	_ =	task.clear_ibuf [dreg:s22], $0x2FFFF;
	_ =	strace $0x9FFFFFFF  }
0xd8: {  	(tm) =	ssettm $0x7FFFFFFF  }
0xd9: {  	_ =	shalt  }
tec
execute0_lowered:
.L_overlay_start_1:
0x0: {  	(tag) =	ssettag $0x1  }
0x1: {  	s6 =	rddreg [dreg:$0x0]  }
0x2: {  	s9 =	rddreg [dreg:$0x1]  }
0x3: {  	s2 =	rddreg [dreg:$0x2]  }
0x4: {  	s1 =	srdreg.scid;
	s0 =	rddreg [dreg:$0x3]  }
0x5: {  	s3 =	simm.s32 $0x0;
	s14 =	simm.s32 $0x100;
	s7 =	sand.u32 $0x1, s1  }
0x6: {  	s15 =	simm.s32 $0x1;
	s1 =	stileid.u32;
	s4 =	smul.u32 $0x50000, s7  }
0x7: {  	s16 =	simm.s32 $0x0;
	[smem:$0x7FF] =	sst s3;
	s5 =	smul.u32 $0x13C000, s7  }
0x8: {  	s8 =	sshll.u32 s1, $0x7;
	s11 =	smul.u32 $0x13C00, s1;
	_ =	strace $0x80000050  }
0x9: {  	s12 =	smul.u32 $0x4F000, s1;
	s7 =	ssub.s32 $0x2, s7;
	s30 =	sshll.u32 s1, $0x6  }
0xa: {  	s29 =	sshrl.u32 s7, $0x1;
	s31 =	sshrl.u32 s8, $0x3;
	s10 =	sor.u32 s4, s8  }
0xb: {  	s4 =	sadd.s32 $0x12600, s6;
	s11 =	sadd.s32 s11, s5;
	s5 =	sadd.s32 $0xFE00, s6  }
0xc: {  	s12 =	sshrl.u32 s12, $0x2;
	s13 =	ssub.s32 s7, s29;
	s9 =	sadd.s32 s31, s9  }
0xd: {  	s10 =	sshrl.u32 s10, $0x3;
	s11 =	sshrl.u32 s11, $0x3;
	s12 =	sadd.s32 s12, s2  }
0xe: {  	s8 =	smax.u32 s13, $0x1;
	s13 =	simm.s32 $0x80;
	s11 =	sadd.s32 s11, s6  }
0xf: {  	s10 =	sadd.s32 s10, s6;
	s6 =	sor.u32 $0x1C02, s30;
	s7 =	sadd.s32 $0xC4600, s11  }
0x10: {  	s10 =	sadd.s32 $0x61600, s10;
	s11 =	sshrl.u32 s12, $0x3;
	s12 =	simm.s32 $0x2  }
.LBB2_1:
0x11: {  	[spmem:s11], [sflag:s6] =	dma.local [hbm:s5], $0x2780  }
0x12: {  	_ =	swait.ge [sflag:s12], $0x2780  }
0x13: {  	[sflag:s12] =	ssyncset.done $0x0  }
0x14: {  	[sflag:s12] =	ssyncadd.s32 $0xFFFFD880  }
0x15: {  	s17 =	sadd.s32 $0x0, s10;
	[bflag:$0x0] =	sbarrier.arrive $0xFFFF  }
0x16: {  	[tilespmem:s3], [sflag:$0x2] =	stream.linear.gather [hbm4b:s17+s3], $0x80, $0x38;
	[tilespmem:$0x17D00] =	vst v63  }
0x17: {  	_ =	swait.ge [sflag:s12], $0x80  }
0x18: {  	[sflag:s12] =	ssyncset.done $0x0  }
0x19: {  	s31 =	sadd.s32 $0x0, s9;
	[sflag:s12] =	ssyncadd.s32 $0xFFFFFF80  }
0x1a: {  	[tilespmem:s13], [sflag:$0x2] =	stream.linear.gather [hbm4b:s31+s3], $0x80, $0x38;
	[tilespmem:$0x17D00] =	vst v63  }
0x1b: {  	_ =	swait.ge [sflag:s12], $0x80  }
0x1c: {  	[sflag:s12] =	ssyncset.done $0x0  }
0x1d: {  	[sflag:s12] =	ssyncadd.s32 $0xFFFFFF80  }
0x1e: {  	[tilespmem:s14], [sflag:$0x1] =	stream.indirect.gather [hbm4b:s4+s13], $0x80, s3, s13, $0xb8;
	[tilespmem:$0x17D00] =	vst v63  }
0x1f: {  	_ =	swait.ge [sflag:s15], $0x4000  }
0x20: {  	[sflag:s15] =	ssyncset.done $0x0  }
0x21: {  	[sflag:s15] =	ssyncadd.s32 $0xFFFFC000  }
0x22: {  	[spmem:s2] =	stream.indirect.scatter.add.f32 [tilespmem:s14], [sflag:$0x2], $0x80, s13, s13, $0xb8;
	[tilespmem:$0x17D00] =	vst v63  }
0x23: {  	_ =	swait.ge [sflag:s12], $0x4000  }
0x24: {  	s18 =	simm.s32 $0x200;
	s17 =	simm.s32 $0x100;
	[sflag:s12] =	ssyncset.done $0x0  }
.LBB2_2:
0x25: {  	s19 =	sadd.s32 s17, s10  }
0x26: {  	[sflag:s12] =	ssyncadd.s32 $0xFFFFC000;
	s20 =	smov.u32 s18;
	s21 =	sadd.s32 $0x100, s18  }
0x27: {  	[tilespmem:s3], [sflag:$0x2] =	stream.linear.gather [hbm4b:s19+s3], $0x80, $0x38;
	[tilespmem:$0x17D00] =	vst v63  }
0x28: {  	p0 =	sne.s32 s18, $0x9F00;
	_ =	swait.ge [sflag:s12], $0x80  }
0x29: {  	[sflag:s12] =	ssyncset.done $0x0  }
0x2a: {  	s18 =	sadd.s32 s17, s9;
	s17 =	smov.u32 s20;
	[sflag:s12] =	ssyncadd.s32 $0xFFFFFF80  }
0x2b: {  	[tilespmem:s13], [sflag:$0x2] =	stream.linear.gather [hbm4b:s18+s3], $0x80, $0x38;
	[tilespmem:$0x17D00] =	vst v63  }
0x2c: {  	_ =	swait.ge [sflag:s12], $0x80  }
0x2d: {  	[sflag:s12] =	ssyncset.done $0x0  }
0x2e: {  	[sflag:s12] =	ssyncadd.s32 $0xFFFFFF80  }
0x2f: {  	[tilespmem:s14], [sflag:$0x1] =	stream.indirect.gather [hbm4b:s4+s13], $0x80, s3, s13, $0xb8;
	[tilespmem:$0x17D00] =	vst v63  }
0x30: {  	_ =	swait.ge [sflag:s15], $0x4000  }
.Ltmp0:
0x31: {  	[sflag:s15] =	ssyncset.done $0x0;
	(pc) =	sbr.rel @p0 .LBB2_2-.Ltmp0, $4  }
0x32: {  	[sflag:s15] =	ssyncadd.s32 $0xFFFFC000  }
0x33: {  	[spmem:s2] =	stream.indirect.scatter.add.f32 [tilespmem:s14], [sflag:$0x2], $0x80, s13, s13, $0xb8;
	[tilespmem:$0x17D00] =	vst v63  }
0x34: {  	_ =	swait.ge [sflag:s12], $0x4000  }
0x35: {  	s18 =	smov.u32 s21;
	[sflag:s12] =	ssyncset.done $0x0  }
0x36: {  	s18 =	sadd.s32 s17, s10;
	[sflag:s12] =	ssyncadd.s32 $0xFFFFC000  }
0x37: {  	[tilespmem:s3], [sflag:$0x2] =	stream.linear.gather [hbm4b:s18+s3], $0x80, $0x38;
	[tilespmem:$0x17D00] =	vst v63  }
0x38: {  	_ =	swait.ge [sflag:s12], $0x80  }
0x39: {  	[sflag:s12] =	ssyncset.done $0x0  }
0x3a: {  	s31 =	sadd.s32 s17, s9;
	[sflag:s12] =	ssyncadd.s32 $0xFFFFFF80  }
0x3b: {  	[tilespmem:s13], [sflag:$0x2] =	stream.linear.gather [hbm4b:s31+s3], $0x80, $0x38;
	[tilespmem:$0x17D00] =	vst v63  }
0x3c: {  	_ =	swait.ge [sflag:s12], $0x80  }
0x3d: {  	[sflag:s12] =	ssyncset.done $0x0  }
0x3e: {  	[sflag:s12] =	ssyncadd.s32 $0xFFFFFF80  }
0x3f: {  	[tilespmem:s14], [sflag:$0x1] =	stream.indirect.gather [hbm4b:s4+s13], $0x80, s3, s13, $0xb8;
	[tilespmem:$0x17D00] =	vst v63  }
0x40: {  	_ =	swait.ge [sflag:s15], $0x4000  }
0x41: {  	[sflag:s15] =	ssyncset.done $0x0  }
0x42: {  	[sflag:s15] =	ssyncadd.s32 $0xFFFFC000  }
0x43: {  	[spmem:s2] =	stream.indirect.scatter.add.f32 [tilespmem:s14], [sflag:$0x2], $0x80, s13, s13, $0xb8;
	[tilespmem:$0x17D00] =	vst v63  }
0x44: {  	_ =	swait.ge [sflag:s12], $0x4000  }
0x45: {  	s16 =	sadd.s32 $0x1, s16;
	[sflag:s12] =	ssyncset.done $0x0  }
0x46: {  	p0 =	sne.s32 s16, s8;
	[sflag:s12] =	ssyncadd.s32 $0xFFFFC000  }
.Ltmp1:
0x47: {  	[bflag:$0x0] =	sbarrier.arrive $0xFFFF;
	(pc) =	sbr.rel @p0 .LBB2_1-.Ltmp1, $4  }
0x48: {  	[hbm:s7], [sflag:s6] =	dma.local [spmem:s11], $0x2780  }
0x49: {  	_ =	swait.ge [sflag:s12], $0x2780  }
0x4a: {  	[sflag:s12] =	ssyncset.done $0x0  }
0x4b: {  	[sflag:s12] =	ssyncadd.s32 $0xFFFFD880  }
0x4c: {  	_ =	sfence.sel $0x180000  }
0x4d: {  	[bflag:$0x0] =	sbarrier.arrive $0xFFFF  }
0x4e: {  	p0 =	sne.s32 s1, $0x0;
	_ =	strace $0x90000050  }
0x4f: {  	s0 =	sadd.s32 @!p0 $0x100000, s0;
	[bflag:$0x2] =	sbarrier.arrive $0xFFFF  }
0x50: {  	[sflag:s0] =	ssyncadd.tile.s32 @!p0 $0x1;
	_ =	shalt  }
.Lfunc_end2:
_tile_overlayer_lowered:
.L_overlay_start_2:
0x51: {  	(tag) =	ssettag $0x2  }
0x52: {  	s0 =	rddreg [dreg:$0x0];
	s2 =	stileid.u32  }
0x53: {  	s1 =	rddreg [dreg:$0x1];
	p0 =	sne.s32 s2, $0x0  }
0x54: {  	s3 =	rddreg [dreg:$0x2];
	[bflag:$0x3] =	sbarrier.arrive $0xFFFF;
	s2 =	simm.s32 @!p0 $0x1C02  }
0x55: {  	[timem:s3], [sflag:s2] =	dma.local @!p0 [hbm:s0], s1  }
0x56: {  	s0 =	simm.s32 @!p0 $0x2  }
0x57: {  	_ =	swait.ge @!p0 [sflag:s0], s1  }
0x58: {  	s1 =	ssub.s32 @!p0 $0x0, s1;
	[sflag:s0] =	ssyncset.done @!p0 $0x0  }
0x59: {  	[sflag:s0] =	ssyncadd.s32 @!p0 s1  }
0x5a: {  	[bflag:$0x3] =	sbarrier.arrive $0xFFFF  }
0x5b: {  	_ =	shalt  }

</sc_bundles>
